<compile_context>
chip_gen: v7x
topology: tpu7x:2x2x1
jax: 0.10.2.dev20260603
libtpu: 0.0.44.dev20260713+nightly
codegen_flags: <defaults>
</compile_context>

<pallas_src>
import functools

import jax
import jax.numpy as jnp
from jax import lax
from jax.experimental import pallas as pl
from jax.experimental.pallas import tpu as pltpu
from jax.experimental.pallas import tpu_sc as plsc

N_USERS = 25000
N_ITEMS = 25000
N = N_USERS + N_ITEMS
D = 64
E = 800000
L = 3

NPAD = 51200
EP = 819200
NCHUNK = EP // 128
TILE_CHUNKS = NCHUNK // 16
TILE_GROUPS = TILE_CHUNKS // 8
DEG_CHUNKS = NCHUNK // 32
DEG_GROUPS = DEG_CHUNKS // 8
NSL = NPAD // 16

BN = 512
NB = NPAD // BN


def _mesh():
    return plsc.VectorSubcoreMesh(core_axis_name="c", subcore_axis_name="s")


def _sc_deg(row_chunks):

    @functools.partial(
        pl.kernel,
        out_type=jax.ShapeDtypeStruct((2, NPAD), jnp.float32),
        mesh=_mesh(),
        scratch_types=[
            pltpu.VMEM((8, 128), jnp.int32),
            pltpu.VMEM((128,), jnp.float32),
            pltpu.VMEM((NSL,), jnp.float32),
            pltpu.VMEM_SHARED((NPAD,), jnp.float32),
        ],
        compiler_params=pltpu.CompilerParams(use_tc_tiling_on_sc=False),
    )
    def k(row_hbm, out_hbm, ibuf, ones, zbuf, dsp):
        c = lax.axis_index("c")
        s = lax.axis_index("s")
        one16 = jnp.ones((16,), jnp.float32)
        z16 = jnp.zeros((16,), jnp.float32)
        for i in range(8):
            ones[pl.ds(i * 16, 16)] = one16

        def zfill(i, _):
            zbuf[pl.ds(i * 16, 16)] = z16
            return 0

        lax.fori_loop(0, NSL // 16, zfill, 0)
        pltpu.sync_copy(zbuf, dsp.at[pl.ds(s * NSL, NSL)])
        plsc.subcore_barrier()

        tile0 = (c * 16 + s) * DEG_CHUNKS

        def grp(g, _):
            pltpu.sync_copy(row_hbm.at[pl.ds(tile0 + g * 8, 8)], ibuf)
            for j in range(8):
                pltpu.sync_copy(ones, dsp.at[ibuf.at[j]], add=True)
            return 0

        lax.fori_loop(0, DEG_GROUPS, grp, 0)
        plsc.subcore_barrier()
        pltpu.sync_copy(dsp.at[pl.ds(s * NSL, NSL)],
                        out_hbm.at[c, pl.ds(s * NSL, NSL)])

    return k(row_chunks)


def _sc_layer(y_flat, row2, col2):

    @functools.partial(
        pl.kernel,
        out_type=jax.ShapeDtypeStruct((2, NPAD, 32), jnp.float32),
        mesh=_mesh(),
        scratch_types=[
            pltpu.VMEM((8, 128), jnp.int32),
            pltpu.VMEM((8, 128), jnp.int32),
            pltpu.VMEM((128, 32), jnp.float32),
            pltpu.VMEM((128, 32), jnp.float32),
            pltpu.VMEM_SHARED((NPAD, 32), jnp.float32),
            pltpu.SemaphoreType.DMA,
        ],
        compiler_params=pltpu.CompilerParams(use_tc_tiling_on_sc=False),
    )
    def k(y_hbm, row_hbm, col_hbm, out_hbm, rbuf, cbuf, rows, zbuf, acc, sem):
        c = lax.axis_index("c")
        s = lax.axis_index("s")
        z16 = jnp.zeros((16,), jnp.float32)

        def zrow(i, _):
            zbuf[i, pl.ds(0, 16)] = z16
            zbuf[i, pl.ds(16, 16)] = z16
            return 0

        lax.fori_loop(0, 128, zrow, 0)

        def zacc(i, _):
            pltpu.sync_copy(zbuf, acc.at[pl.ds(s * NSL + i * 128, 128)])
            return 0

        lax.fori_loop(0, NSL // 128, zacc, 0)
        plsc.subcore_barrier()

        def grp(g, _):
            cstart = s * TILE_CHUNKS + g * 8
            pltpu.sync_copy(row_hbm.at[c, pl.ds(cstart, 8)], rbuf)
            pltpu.sync_copy(col_hbm.at[pl.ds(cstart, 8)], cbuf)
            for j in range(8):
                pltpu.async_copy(y_hbm.at[rbuf.at[j]], rows, sem).wait()
                pltpu.sync_copy(rows, acc.at[cbuf.at[j]], add=True)
            return 0

        lax.fori_loop(0, TILE_GROUPS, grp, 0)
        plsc.subcore_barrier()
        pltpu.sync_copy(acc.at[pl.ds(s * NSL, NSL)],
                        out_hbm.at[c, pl.ds(s * NSL, NSL)])

    return k(y_flat, row2, col2)


def _tc_prep(x0split, degp):

    def body(x_ref, degp_ref, y_ref, dis_ref):
        deg = degp_ref[0, :] + degp_ref[1, :]
        dis = jnp.where(deg > 0.0, lax.rsqrt(deg), 0.0)
        dis_ref[...] = dis
        y_ref[0] = x_ref[0] * dis[:, None]

    return pl.pallas_call(
        body,
        grid=(2, NB),
        in_specs=[
            pl.BlockSpec((1, BN, 32), lambda c, i: (c, i, 0)),
            pl.BlockSpec((2, BN), lambda c, i: (0, i)),
        ],
        out_specs=[
            pl.BlockSpec((1, BN, 32), lambda c, i: (c, i, 0)),
            pl.BlockSpec((BN,), lambda c, i: (i,)),
        ],
        out_shape=[
            jax.ShapeDtypeStruct((2, NPAD, 32), jnp.float32),
            jax.ShapeDtypeStruct((NPAD,), jnp.float32),
        ],
    )(x0split, degp)


def _tc_scale(acc, dis):

    def body(a_ref, dis_ref, y_ref):
        d = dis_ref[...]
        y_ref[0] = a_ref[0] * (d * d)[:, None]

    return pl.pallas_call(
        body,
        grid=(2, NB),
        in_specs=[
            pl.BlockSpec((1, BN, 32), lambda c, i: (c, i, 0)),
            pl.BlockSpec((BN,), lambda c, i: (i,)),
        ],
        out_specs=pl.BlockSpec((1, BN, 32), lambda c, i: (c, i, 0)),
        out_shape=jax.ShapeDtypeStruct((2, NPAD, 32), jnp.float32),
    )(acc, dis)


def _tc_epilogue(x0split, a0, a1, a2, dis):

    def body(x_ref, a0_ref, a1_ref, a2_ref, dis_ref, f_ref):
        ssum = a0_ref[0] + a1_ref[0] + a2_ref[0]
        d = dis_ref[...]
        f_ref[0] = 0.25 * x_ref[0] + 0.25 * d[:, None] * ssum

    acc_spec = pl.BlockSpec((1, BN, 32), lambda c, i: (c, i, 0))
    return pl.pallas_call(
        body,
        grid=(2, NB),
        in_specs=[
            acc_spec,
            acc_spec, acc_spec, acc_spec,
            pl.BlockSpec((BN,), lambda c, i: (i,)),
        ],
        out_specs=pl.BlockSpec((1, BN, 32), lambda c, i: (c, i, 0)),
        out_shape=jax.ShapeDtypeStruct((2, NPAD, 32), jnp.float32),
    )(x0split, a0, a1, a2, dis)


def kernel(edge_index, user_weight, item_weight):
    row = edge_index[0]
    col = edge_index[1]
    pad = jnp.full((EP - E,), N, dtype=jnp.int32)
    rowp = jnp.concatenate([row, pad])
    colp = jnp.concatenate([col, pad])
    row2 = jnp.stack([rowp, rowp + NPAD]).reshape(2, NCHUNK, 128)
    col2 = colp.reshape(NCHUNK, 128)
    rowc = rowp.reshape(NCHUNK, 128)

    x0 = jnp.concatenate([user_weight, item_weight], axis=0)
    x0pad = jnp.concatenate(
        [x0, jnp.zeros((NPAD - N, D), jnp.float32)], axis=0)
    x0split = x0pad.reshape(NPAD, 2, 32).transpose(1, 0, 2)

    degp = _sc_deg(rowc)
    y0, dis = _tc_prep(x0split, degp)

    accs = []
    y = y0
    for l in range(L):
        acc = _sc_layer(y.reshape(2 * NPAD, 32), row2, col2)
        accs.append(acc)
        if l < L - 1:
            y = _tc_scale(acc, dis)

    fin = _tc_epilogue(x0split, accs[0], accs[1], accs[2], dis)
    out = fin[:, :N, :].transpose(1, 0, 2).reshape(N, D)
    return out[:N_USERS], out[N_USERS:]

# --- scband reference (transcript-rebuilt; emitter-appended) ---
"""Pipeline reference for scband-light-gcn-32719060860988 (READ-ONLY COPY).

The authoritative reference and input builder live on the scoring server;
editing this copy changes nothing except your own understanding.
"""

import jax, jax.numpy as jnp
import numpy as np

NUM_USERS = 25000
NUM_ITEMS = 25000
DIM = 64
NUM_LAYERS = 3
NUM_EDGES = 800000


def setup_inputs(seed: int = 0) -> dict:
    key = jax.random.key(seed)
    k1, k2, k3 = jax.random.split(key, 3)
    n_nodes = NUM_USERS + NUM_ITEMS
    # xavier uniform init for embedding tables
    bu = float(np.sqrt(6.0 / (NUM_USERS + DIM)))
    bi = float(np.sqrt(6.0 / (NUM_ITEMS + DIM)))
    user_weight = jax.random.uniform(k1, (NUM_USERS, DIM), minval=-bu, maxval=bu, dtype=jnp.float32)
    item_weight = jax.random.uniform(k2, (NUM_ITEMS, DIM), minval=-bi, maxval=bi, dtype=jnp.float32)
    edge_index = jax.random.randint(k3, (2, NUM_EDGES), 0, n_nodes, dtype=jnp.int32)
    return {"edge_index": edge_index, "user_weight": user_weight, "item_weight": item_weight}


def _lightgcn_conv(x, edge_index):
    row = edge_index[0]
    col = edge_index[1]
    num_nodes = x.shape[0]
    deg = jnp.zeros((num_nodes,), dtype=jnp.float32).at[row].add(1.0)
    deg_inv_sqrt = jnp.where(deg > 0, deg ** -0.5, 0.0)
    norm = deg_inv_sqrt[row] * deg_inv_sqrt[col]
    out = jnp.zeros_like(x).at[col].add(x[row] * norm[:, None])
    return out


def reference(edge_index, user_weight, item_weight):
    all_emb = jnp.concatenate([user_weight, item_weight], axis=0)
    emb_list = [all_emb]
    for _ in range(NUM_LAYERS):
        all_emb = _lightgcn_conv(all_emb, edge_index)
        emb_list.append(all_emb)
    final_emb = jnp.mean(jnp.stack(emb_list, axis=1), axis=1)
    user_emb = final_emb[:NUM_USERS]
    item_emb = final_emb[NUM_USERS:]
    return (user_emb, item_emb)

if __name__ == "__main__":
    import jax
    _d = setup_inputs()
    print(jax.jit(kernel)(*tuple(_d.values())))

</pallas_src>

<mosaic_0001>
#map = affine_map<(d0, d1) -> (0, 0)>
#map1 = affine_map<(d0, d1) -> (0, 0, 0)>
module attributes {stable_mosaic.version = 14 : i64} {
  func.func @k(%arg0: i32, %arg1: i32, %arg2: memref<102400x32xf32, #tpu.memory_space<hbm>>, %arg3: memref<2x6400x128xi32, #tpu.memory_space<hbm>>, %arg4: memref<6400x128xi32, #tpu.memory_space<hbm>>, %arg5: memref<2x51200x32xf32, #tpu.memory_space<hbm>>, %arg6: memref<8x128xi32, #tpu.memory_space<vmem>>, %arg7: memref<8x128xi32, #tpu.memory_space<vmem>>, %arg8: memref<128x32xf32, #tpu.memory_space<vmem>>, %arg9: memref<128x32xf32, #tpu.memory_space<vmem>>, %arg10: memref<51200x32xf32, #tpu.memory_space<vmem_shared>>, %arg11: memref<!tpu.dma_semaphore, #tpu.memory_space<semaphore_mem>>) attributes {dimension_semantics = [#tpu.dimension_semantics<core_parallel>, #tpu.dimension_semantics<subcore_parallel>], iteration_bounds = array<i64: 2, 16>, scalar_prefetch = 0 : i64, scratch_operands = 6 : i64, tpu.core_type = #tpu.core_type<sc_vector_subcore>, window_params = [{transform_indices = #map}, {transform_indices = #map1}, {transform_indices = #map}, {transform_indices = #map1}]} {
    %broadcast_in_dim3A = arith.constant 0.000000e+00 : f32
    %broadcast_in_dim3A_0 = vector.broadcast %broadcast_in_dim3A : f32 to vector<16xf32>
    %scan3A = arith.constant 0 : i32
    %scan3A_1 = arith.constant 0 : i32
    %scan3A_2 = arith.constant 128 : i32
    %scan3A_3 = arith.addi %scan3A_1, %scan3A_2 : i32
    %scan3A_4 = arith.constant 1 : i32
    %scan3A_5 = scf.for %scan3A_25 = %scan3A_1 to %scan3A_3 step %scan3A_4 iter_args(%scan3A_26 = %scan3A) -> (i32)  : i32 {
      %swap3A = arith.index_cast %scan3A_25 : i32 to index
      %swap3A_27 = arith.constant 0 : index
      %swap3A_28 = tpu.vector_load %arg9[%swap3A, %swap3A_27] {strides = array<i32>} : memref<128x32xf32, #tpu.memory_space<vmem>>, vector<1x16xf32>,
      %swap3A_29 = vector.shape_cast %swap3A_28 : vector<1x16xf32> to vector<16xf32>
      %swap3A_30 = vector.shape_cast %broadcast_in_dim3A_0 : vector<16xf32> to vector<1x16xf32>
      tpu.vector_store %arg9[%swap3A, %swap3A_27], %swap3A_30 {strides = array<i32>} : memref<128x32xf32, #tpu.memory_space<vmem>>, vector<1x16xf32>,
      %swap3A_31 = arith.index_cast %scan3A_25 : i32 to index
      %swap3A_32 = arith.constant 16 : index
      %swap3A_33 = tpu.vector_load %arg9[%swap3A_31, %swap3A_32] {strides = array<i32>} : memref<128x32xf32, #tpu.memory_space<vmem>>, vector<1x16xf32>,
      %swap3A_34 = vector.shape_cast %swap3A_33 : vector<1x16xf32> to vector<16xf32>
      %swap3A_35 = vector.shape_cast %broadcast_in_dim3A_0 : vector<16xf32> to vector<1x16xf32>
      tpu.vector_store %arg9[%swap3A_31, %swap3A_32], %swap3A_35 {strides = array<i32>} : memref<128x32xf32, #tpu.memory_space<vmem>>, vector<1x16xf32>,
      %scan3A_36 = arith.constant 0 : i32
      scf.yield %scan3A_36 : i32
    }
    %scan3A_6 = arith.constant 128 : i32
    %scan3A_7 = arith.constant 0 : i32
    %scan3A_8 = arith.constant 0 : i32
    %scan3A_9 = arith.constant 25 : i32
    %scan3A_10 = arith.addi %scan3A_8, %scan3A_9 : i32
    %scan3A_11 = arith.constant 1 : i32
    %scan3A_12 = scf.for %scan3A_25 = %scan3A_8 to %scan3A_10 step %scan3A_11 iter_args(%scan3A_26 = %scan3A_7) -> (i32)  : i32 {
      %mul3A_27 = arith.constant 3200 : i32
      %mul3A_28 = arith.muli %arg1, %mul3A_27 : i32
      %mul3A_29 = arith.constant 128 : i32
      %mul3A_30 = arith.muli %scan3A_25, %mul3A_29 : i32
      %add3A = arith.addi %mul3A_28, %mul3A_30 : i32
      "tpu.region"() ({
        %run_scoped3A = tpu.sem_alloc : memref<!tpu.dma_semaphore, #tpu.memory_space<semaphore_mem>>
        %dma_start3A = arith.constant 0 : i32
        %dma_start3A_32 = tpu.memref_slice %arg10[%add3A, %dma_start3A] : memref<51200x32xf32, #tpu.memory_space<vmem_shared>> -> memref<128x32xf32, #tpu.memory_space<vmem_shared>>
        %dma_start3A_33 = arith.constant 0 : i32
        %dma_start3A_34 = tpu.memref_slice %arg10[%add3A, %dma_start3A_33] : memref<51200x32xf32, #tpu.memory_space<vmem_shared>> -> memref<128x32xf32, #tpu.memory_space<vmem_shared>>
        tpu.enqueue_dma source(%arg9 : memref<128x32xf32, #tpu.memory_space<vmem>>) target(%dma_start3A_34 : memref<128x32xf32, #tpu.memory_space<vmem_shared>>) target_semaphore(%run_scoped3A : memref<!tpu.dma_semaphore, #tpu.memory_space<semaphore_mem>>)
        %dma_wait3A = arith.constant 0 : i32
        %dma_wait3A_35 = tpu.memref_slice %arg10[%add3A, %dma_wait3A] : memref<51200x32xf32, #tpu.memory_space<vmem_shared>> -> memref<128x32xf32, #tpu.memory_space<vmem_shared>>
        %dma_wait3A_36 = arith.constant 0 : i32
        %dma_wait3A_37 = tpu.memref_slice %arg10[%add3A, %dma_wait3A_36] : memref<51200x32xf32, #tpu.memory_space<vmem_shared>> -> memref<128x32xf32, #tpu.memory_space<vmem_shared>>
        tpu.wait_dma2 semaphore(%run_scoped3A : memref<!tpu.dma_semaphore, #tpu.memory_space<semaphore_mem>>) src(%arg9 : memref<128x32xf32, #tpu.memory_space<vmem>>) dst(%dma_wait3A_37 : memref<128x32xf32, #tpu.memory_space<vmem_shared>>)
        tpu.yield
      }) : () -> ()
      %scan3A_31 = arith.constant 0 : i32
      scf.yield %scan3A_31 : i32
    }
    %scan3A_13 = arith.constant 25 : i32
    %barrier3A = arith.constant 0 : index
    tpu.barrier barrier_id(%barrier3A)
    %scan3A_14 = arith.constant 0 : i32
    %scan3A_15 = arith.constant 0 : i32
    %scan3A_16 = arith.constant 50 : i32
    %scan3A_17 = arith.addi %scan3A_15, %scan3A_16 : i32
    %scan3A_18 = arith.constant 1 : i32
    %scan3A_19 = scf.for %scan3A_25 = %scan3A_15 to %scan3A_17 step %scan3A_18 iter_args(%scan3A_26 = %scan3A_14) -> (i32)  : i32 {
      %mul3A_27 = arith.constant 400 : i32
      %mul3A_28 = arith.muli %arg1, %mul3A_27 : i32
      %mul3A_29 = arith.constant 8 : i32
      %mul3A_30 = arith.muli %scan3A_25, %mul3A_29 : i32
      %add3A = arith.addi %mul3A_28, %mul3A_30 : i32
      "tpu.region"() ({
        %run_scoped3A_149 = tpu.sem_alloc : memref<!tpu.dma_semaphore, #tpu.memory_space<semaphore_mem>>
        %dma_start3A_150 = arith.constant 0 : i32
        %dma_start3A_151 = tpu.memref_slice %arg3[%arg0, %add3A, %dma_start3A_150] : memref<2x6400x128xi32, #tpu.memory_space<hbm>> -> memref<1x8x128xi32, #tpu.memory_space<hbm>>
        %dma_start3A_152 = tpu.memref_squeeze %dma_start3A_151 : memref<1x8x128xi32, #tpu.memory_space<hbm>> -> memref<8x128xi32, #tpu.memory_space<hbm>>
        %dma_start3A_153 = arith.constant 0 : i32
        %dma_start3A_154 = tpu.memref_slice %arg3[%arg0, %add3A, %dma_start3A_153] : memref<2x6400x128xi32, #tpu.memory_space<hbm>> -> memref<1x8x128xi32, #tpu.memory_space<hbm>>
        %dma_start3A_155 = tpu.memref_squeeze %dma_start3A_154 : memref<1x8x128xi32, #tpu.memory_space<hbm>> -> memref<8x128xi32, #tpu.memory_space<hbm>>
        tpu.enqueue_dma source(%dma_start3A_155 : memref<8x128xi32, #tpu.memory_space<hbm>>) target(%arg6 : memref<8x128xi32, #tpu.memory_space<vmem>>) target_semaphore(%run_scoped3A_149 : memref<!tpu.dma_semaphore, #tpu.memory_space<semaphore_mem>>)
        %dma_wait3A_156 = arith.constant 0 : i32
        %dma_wait3A_157 = tpu.memref_slice %arg3[%arg0, %add3A, %dma_wait3A_156] : memref<2x6400x128xi32, #tpu.memory_space<hbm>> -> memref<1x8x128xi32, #tpu.memory_space<hbm>>
        %dma_wait3A_158 = tpu.memref_squeeze %dma_wait3A_157 : memref<1x8x128xi32, #tpu.memory_space<hbm>> -> memref<8x128xi32, #tpu.memory_space<hbm>>
        %dma_wait3A_159 = arith.constant 0 : i32
        %dma_wait3A_160 = tpu.memref_slice %arg3[%arg0, %add3A, %dma_wait3A_159] : memref<2x6400x128xi32, #tpu.memory_space<hbm>> -> memref<1x8x128xi32, #tpu.memory_space<hbm>>
        %dma_wait3A_161 = tpu.memref_squeeze %dma_wait3A_160 : memref<1x8x128xi32, #tpu.memory_space<hbm>> -> memref<8x128xi32, #tpu.memory_space<hbm>>
        tpu.wait_dma2 semaphore(%run_scoped3A_149 : memref<!tpu.dma_semaphore, #tpu.memory_space<semaphore_mem>>) src(%dma_wait3A_161 : memref<8x128xi32, #tpu.memory_space<hbm>>) dst(%arg6 : memref<8x128xi32, #tpu.memory_space<vmem>>)
        tpu.yield
      }) : () -> ()
      "tpu.region"() ({
        %run_scoped3A_149 = tpu.sem_alloc : memref<!tpu.dma_semaphore, #tpu.memory_space<semaphore_mem>>
        %dma_start3A_150 = arith.constant 0 : i32
        %dma_start3A_151 = tpu.memref_slice %arg4[%add3A, %dma_start3A_150] : memref<6400x128xi32, #tpu.memory_space<hbm>> -> memref<8x128xi32, #tpu.memory_space<hbm>>
        %dma_start3A_152 = arith.constant 0 : i32
        %dma_start3A_153 = tpu.memref_slice %arg4[%add3A, %dma_start3A_152] : memref<6400x128xi32, #tpu.memory_space<hbm>> -> memref<8x128xi32, #tpu.memory_space<hbm>>
        tpu.enqueue_dma source(%dma_start3A_153 : memref<8x128xi32, #tpu.memory_space<hbm>>) target(%arg7 : memref<8x128xi32, #tpu.memory_space<vmem>>) target_semaphore(%run_scoped3A_149 : memref<!tpu.dma_semaphore, #tpu.memory_space<semaphore_mem>>)
        %dma_wait3A_154 = arith.constant 0 : i32
        %dma_wait3A_155 = tpu.memref_slice %arg4[%add3A, %dma_wait3A_154] : memref<6400x128xi32, #tpu.memory_space<hbm>> -> memref<8x128xi32, #tpu.memory_space<hbm>>
        %dma_wait3A_156 = arith.constant 0 : i32
        %dma_wait3A_157 = tpu.memref_slice %arg4[%add3A, %dma_wait3A_156] : memref<6400x128xi32, #tpu.memory_space<hbm>> -> memref<8x128xi32, #tpu.memory_space<hbm>>
        tpu.wait_dma2 semaphore(%run_scoped3A_149 : memref<!tpu.dma_semaphore, #tpu.memory_space<semaphore_mem>>) src(%dma_wait3A_157 : memref<8x128xi32, #tpu.memory_space<hbm>>) dst(%arg7 : memref<8x128xi32, #tpu.memory_space<vmem>>)
        tpu.yield
      }) : () -> ()
      %dma_start3A = arith.constant 0 : i32
      %dma_start3A_31 = arith.constant 0 : i32
      %dma_start3A_32 = tpu.memref_slice %arg6[%dma_start3A, %dma_start3A_31] : memref<8x128xi32, #tpu.memory_space<vmem>> -> memref<1x128xi32, #tpu.memory_space<vmem>>
      %dma_start3A_33 = tpu.memref_squeeze %dma_start3A_32 : memref<1x128xi32, #tpu.memory_space<vmem>> -> memref<128xi32, #tpu.memory_space<vmem>>
      %dma_start3A_34 = arith.constant 0 : i32
      %dma_start3A_35 = arith.constant 0 : i32
      %dma_start3A_36 = tpu.memref_slice %arg2[%dma_start3A_34, %dma_start3A_35] : memref<102400x32xf32, #tpu.memory_space<hbm>> -> memref<102400x32xf32, #tpu.memory_space<hbm>>
      tpu.enqueue_indirect_dma source(%dma_start3A_36 : memref<102400x32xf32, #tpu.memory_space<hbm>>) target(%arg8 : memref<128x32xf32, #tpu.memory_space<vmem>>) offsets(%dma_start3A_33 : memref<128xi32, #tpu.memory_space<vmem>>) semaphore(%arg11 : memref<!tpu.dma_semaphore, #tpu.memory_space<semaphore_mem>>)
      %dma_wait3A = arith.constant 0 : i32
      %dma_wait3A_37 = arith.constant 0 : i32
      %dma_wait3A_38 = tpu.memref_slice %arg6[%dma_wait3A, %dma_wait3A_37] : memref<8x128xi32, #tpu.memory_space<vmem>> -> memref<1x128xi32, #tpu.memory_space<vmem>>
      %dma_wait3A_39 = tpu.memref_squeeze %dma_wait3A_38 : memref<1x128xi32, #tpu.memory_space<vmem>> -> memref<128xi32, #tpu.memory_space<vmem>>
      %dma_wait3A_40 = arith.constant 0 : i32
      %dma_wait3A_41 = arith.constant 0 : i32
      %dma_wait3A_42 = tpu.memref_slice %arg2[%dma_wait3A_40, %dma_wait3A_41] : memref<102400x32xf32, #tpu.memory_space<hbm>> -> memref<102400x32xf32, #tpu.memory_space<hbm>>
      tpu.wait_indirect_dma semaphore(%arg11 : memref<!tpu.dma_semaphore, #tpu.memory_space<semaphore_mem>>) src(%dma_wait3A_42 : memref<102400x32xf32, #tpu.memory_space<hbm>>) dst(%arg8 : memref<128x32xf32, #tpu.memory_space<vmem>>)
      %run_scoped3A = arith.constant 0 : i32
      "tpu.region"() ({
        %run_scoped3A_149 = tpu.sem_alloc : memref<!tpu.dma_semaphore, #tpu.memory_space<semaphore_mem>>
        %dma_start3A_150 = arith.constant 0 : i32
        %dma_start3A_151 = tpu.memref_slice %arg7[%run_scoped3A, %dma_start3A_150] : memref<8x128xi32, #tpu.memory_space<vmem>> -> memref<1x128xi32, #tpu.memory_space<vmem>>
        %dma_start3A_152 = tpu.memref_squeeze %dma_start3A_151 : memref<1x128xi32, #tpu.memory_space<vmem>> -> memref<128xi32, #tpu.memory_space<vmem>>
        %dma_start3A_153 = arith.constant 0 : i32
        %dma_start3A_154 = arith.constant 0 : i32
        %dma_start3A_155 = tpu.memref_slice %arg10[%dma_start3A_153, %dma_start3A_154] : memref<51200x32xf32, #tpu.memory_space<vmem_shared>> -> memref<51200x32xf32, #tpu.memory_space<vmem_shared>>
        tpu.enqueue_indirect_dma source(%arg8 : memref<128x32xf32, #tpu.memory_space<vmem>>) target(%dma_start3A_155 : memref<51200x32xf32, #tpu.memory_space<vmem_shared>>) offsets(%dma_start3A_152 : memref<128xi32, #tpu.memory_space<vmem>>) semaphore(%run_scoped3A_149 : memref<!tpu.dma_semaphore, #tpu.memory_space<semaphore_mem>>) {add = true}
        %dma_wait3A_156 = arith.constant 0 : i32
        %dma_wait3A_157 = tpu.memref_slice %arg7[%run_scoped3A, %dma_wait3A_156] : memref<8x128xi32, #tpu.memory_space<vmem>> -> memref<1x128xi32, #tpu.memory_space<vmem>>
        %dma_wait3A_158 = tpu.memref_squeeze %dma_wait3A_157 : memref<1x128xi32, #tpu.memory_space<vmem>> -> memref<128xi32, #tpu.memory_space<vmem>>
        %dma_wait3A_159 = arith.constant 0 : i32
        %dma_wait3A_160 = arith.constant 0 : i32
        %dma_wait3A_161 = tpu.memref_slice %arg10[%dma_wait3A_159, %dma_wait3A_160] : memref<51200x32xf32, #tpu.memory_space<vmem_shared>> -> memref<51200x32xf32, #tpu.memory_space<vmem_shared>>
        tpu.wait_indirect_dma semaphore(%run_scoped3A_149 : memref<!tpu.dma_semaphore, #tpu.memory_space<semaphore_mem>>) src(%arg8 : memref<128x32xf32, #tpu.memory_space<vmem>>) dst(%dma_wait3A_161 : memref<51200x32xf32, #tpu.memory_space<vmem_shared>>)
        tpu.yield
      }) : () -> ()
      %dma_start3A_43 = arith.constant 1 : i32
      %dma_start3A_44 = arith.constant 0 : i32
      %dma_start3A_45 = tpu.memref_slice %arg6[%dma_start3A_43, %dma_start3A_44] : memref<8x128xi32, #tpu.memory_space<vmem>> -> memref<1x128xi32, #tpu.memory_space<vmem>>
      %dma_start3A_46 = tpu.memref_squeeze %dma_start3A_45 : memref<1x128xi32, #tpu.memory_space<vmem>> -> memref<128xi32, #tpu.memory_space<vmem>>
      %dma_start3A_47 = arith.constant 0 : i32
      %dma_start3A_48 = arith.constant 0 : i32
      %dma_start3A_49 = tpu.memref_slice %arg2[%dma_start3A_47, %dma_start3A_48] : memref<102400x32xf32, #tpu.memory_space<hbm>> -> memref<102400x32xf32, #tpu.memory_space<hbm>>
      tpu.enqueue_indirect_dma source(%dma_start3A_49 : memref<102400x32xf32, #tpu.memory_space<hbm>>) target(%arg8 : memref<128x32xf32, #tpu.memory_space<vmem>>) offsets(%dma_start3A_46 : memref<128xi32, #tpu.memory_space<vmem>>) semaphore(%arg11 : memref<!tpu.dma_semaphore, #tpu.memory_space<semaphore_mem>>)
      %dma_wait3A_50 = arith.constant 1 : i32
      %dma_wait3A_51 = arith.constant 0 : i32
      %dma_wait3A_52 = tpu.memref_slice %arg6[%dma_wait3A_50, %dma_wait3A_51] : memref<8x128xi32, #tpu.memory_space<vmem>> -> memref<1x128xi32, #tpu.memory_space<vmem>>
      %dma_wait3A_53 = tpu.memref_squeeze %dma_wait3A_52 : memref<1x128xi32, #tpu.memory_space<vmem>> -> memref<128xi32, #tpu.memory_space<vmem>>
      %dma_wait3A_54 = arith.constant 0 : i32
      %dma_wait3A_55 = arith.constant 0 : i32
      %dma_wait3A_56 = tpu.memref_slice %arg2[%dma_wait3A_54, %dma_wait3A_55] : memref<102400x32xf32, #tpu.memory_space<hbm>> -> memref<102400x32xf32, #tpu.memory_space<hbm>>
      tpu.wait_indirect_dma semaphore(%arg11 : memref<!tpu.dma_semaphore, #tpu.memory_space<semaphore_mem>>) src(%dma_wait3A_56 : memref<102400x32xf32, #tpu.memory_space<hbm>>) dst(%arg8 : memref<128x32xf32, #tpu.memory_space<vmem>>)
      %run_scoped3A_57 = arith.constant 1 : i32
      "tpu.region"() ({
        %run_scoped3A_149 = tpu.sem_alloc : memref<!tpu.dma_semaphore, #tpu.memory_space<semaphore_mem>>
        %dma_start3A_150 = arith.constant 0 : i32
        %dma_start3A_151 = tpu.memref_slice %arg7[%run_scoped3A_57, %dma_start3A_150] : memref<8x128xi32, #tpu.memory_space<vmem>> -> memref<1x128xi32, #tpu.memory_space<vmem>>
        %dma_start3A_152 = tpu.memref_squeeze %dma_start3A_151 : memref<1x128xi32, #tpu.memory_space<vmem>> -> memref<128xi32, #tpu.memory_space<vmem>>
        %dma_start3A_153 = arith.constant 0 : i32
        %dma_start3A_154 = arith.constant 0 : i32
        %dma_start3A_155 = tpu.memref_slice %arg10[%dma_start3A_153, %dma_start3A_154] : memref<51200x32xf32, #tpu.memory_space<vmem_shared>> -> memref<51200x32xf32, #tpu.memory_space<vmem_shared>>
        tpu.enqueue_indirect_dma source(%arg8 : memref<128x32xf32, #tpu.memory_space<vmem>>) target(%dma_start3A_155 : memref<51200x32xf32, #tpu.memory_space<vmem_shared>>) offsets(%dma_start3A_152 : memref<128xi32, #tpu.memory_space<vmem>>) semaphore(%run_scoped3A_149 : memref<!tpu.dma_semaphore, #tpu.memory_space<semaphore_mem>>) {add = true}
        %dma_wait3A_156 = arith.constant 0 : i32
        %dma_wait3A_157 = tpu.memref_slice %arg7[%run_scoped3A_57, %dma_wait3A_156] : memref<8x128xi32, #tpu.memory_space<vmem>> -> memref<1x128xi32, #tpu.memory_space<vmem>>
        %dma_wait3A_158 = tpu.memref_squeeze %dma_wait3A_157 : memref<1x128xi32, #tpu.memory_space<vmem>> -> memref<128xi32, #tpu.memory_space<vmem>>
        %dma_wait3A_159 = arith.constant 0 : i32
        %dma_wait3A_160 = arith.constant 0 : i32
        %dma_wait3A_161 = tpu.memref_slice %arg10[%dma_wait3A_159, %dma_wait3A_160] : memref<51200x32xf32, #tpu.memory_space<vmem_shared>> -> memref<51200x32xf32, #tpu.memory_space<vmem_shared>>
        tpu.wait_indirect_dma semaphore(%run_scoped3A_149 : memref<!tpu.dma_semaphore, #tpu.memory_space<semaphore_mem>>) src(%arg8 : memref<128x32xf32, #tpu.memory_space<vmem>>) dst(%dma_wait3A_161 : memref<51200x32xf32, #tpu.memory_space<vmem_shared>>)
        tpu.yield
      }) : () -> ()
      %dma_start3A_58 = arith.constant 2 : i32
      %dma_start3A_59 = arith.constant 0 : i32
      %dma_start3A_60 = tpu.memref_slice %arg6[%dma_start3A_58, %dma_start3A_59] : memref<8x128xi32, #tpu.memory_space<vmem>> -> memref<1x128xi32, #tpu.memory_space<vmem>>
      %dma_start3A_61 = tpu.memref_squeeze %dma_start3A_60 : memref<1x128xi32, #tpu.memory_space<vmem>> -> memref<128xi32, #tpu.memory_space<vmem>>
      %dma_start3A_62 = arith.constant 0 : i32
      %dma_start3A_63 = arith.constant 0 : i32
      %dma_start3A_64 = tpu.memref_slice %arg2[%dma_start3A_62, %dma_start3A_63] : memref<102400x32xf32, #tpu.memory_space<hbm>> -> memref<102400x32xf32, #tpu.memory_space<hbm>>
      tpu.enqueue_indirect_dma source(%dma_start3A_64 : memref<102400x32xf32, #tpu.memory_space<hbm>>) target(%arg8 : memref<128x32xf32, #tpu.memory_space<vmem>>) offsets(%dma_start3A_61 : memref<128xi32, #tpu.memory_space<vmem>>) semaphore(%arg11 : memref<!tpu.dma_semaphore, #tpu.memory_space<semaphore_mem>>)
      %dma_wait3A_65 = arith.constant 2 : i32
      %dma_wait3A_66 = arith.constant 0 : i32
      %dma_wait3A_67 = tpu.memref_slice %arg6[%dma_wait3A_65, %dma_wait3A_66] : memref<8x128xi32, #tpu.memory_space<vmem>> -> memref<1x128xi32, #tpu.memory_space<vmem>>
      %dma_wait3A_68 = tpu.memref_squeeze %dma_wait3A_67 : memref<1x128xi32, #tpu.memory_space<vmem>> -> memref<128xi32, #tpu.memory_space<vmem>>
      %dma_wait3A_69 = arith.constant 0 : i32
      %dma_wait3A_70 = arith.constant 0 : i32
      %dma_wait3A_71 = tpu.memref_slice %arg2[%dma_wait3A_69, %dma_wait3A_70] : memref<102400x32xf32, #tpu.memory_space<hbm>> -> memref<102400x32xf32, #tpu.memory_space<hbm>>
      tpu.wait_indirect_dma semaphore(%arg11 : memref<!tpu.dma_semaphore, #tpu.memory_space<semaphore_mem>>) src(%dma_wait3A_71 : memref<102400x32xf32, #tpu.memory_space<hbm>>) dst(%arg8 : memref<128x32xf32, #tpu.memory_space<vmem>>)
      %run_scoped3A_72 = arith.constant 2 : i32
      "tpu.region"() ({
        %run_scoped3A_149 = tpu.sem_alloc : memref<!tpu.dma_semaphore, #tpu.memory_space<semaphore_mem>>
        %dma_start3A_150 = arith.constant 0 : i32
        %dma_start3A_151 = tpu.memref_slice %arg7[%run_scoped3A_72, %dma_start3A_150] : memref<8x128xi32, #tpu.memory_space<vmem>> -> memref<1x128xi32, #tpu.memory_space<vmem>>
        %dma_start3A_152 = tpu.memref_squeeze %dma_start3A_151 : memref<1x128xi32, #tpu.memory_space<vmem>> -> memref<128xi32, #tpu.memory_space<vmem>>
        %dma_start3A_153 = arith.constant 0 : i32
        %dma_start3A_154 = arith.constant 0 : i32
        %dma_start3A_155 = tpu.memref_slice %arg10[%dma_start3A_153, %dma_start3A_154] : memref<51200x32xf32, #tpu.memory_space<vmem_shared>> -> memref<51200x32xf32, #tpu.memory_space<vmem_shared>>
        tpu.enqueue_indirect_dma source(%arg8 : memref<128x32xf32, #tpu.memory_space<vmem>>) target(%dma_start3A_155 : memref<51200x32xf32, #tpu.memory_space<vmem_shared>>) offsets(%dma_start3A_152 : memref<128xi32, #tpu.memory_space<vmem>>) semaphore(%run_scoped3A_149 : memref<!tpu.dma_semaphore, #tpu.memory_space<semaphore_mem>>) {add = true}
        %dma_wait3A_156 = arith.constant 0 : i32
        %dma_wait3A_157 = tpu.memref_slice %arg7[%run_scoped3A_72, %dma_wait3A_156] : memref<8x128xi32, #tpu.memory_space<vmem>> -> memref<1x128xi32, #tpu.memory_space<vmem>>
        %dma_wait3A_158 = tpu.memref_squeeze %dma_wait3A_157 : memref<1x128xi32, #tpu.memory_space<vmem>> -> memref<128xi32, #tpu.memory_space<vmem>>
        %dma_wait3A_159 = arith.constant 0 : i32
        %dma_wait3A_160 = arith.constant 0 : i32
        %dma_wait3A_161 = tpu.memref_slice %arg10[%dma_wait3A_159, %dma_wait3A_160] : memref<51200x32xf32, #tpu.memory_space<vmem_shared>> -> memref<51200x32xf32, #tpu.memory_space<vmem_shared>>
        tpu.wait_indirect_dma semaphore(%run_scoped3A_149 : memref<!tpu.dma_semaphore, #tpu.memory_space<semaphore_mem>>) src(%arg8 : memref<128x32xf32, #tpu.memory_space<vmem>>) dst(%dma_wait3A_161 : memref<51200x32xf32, #tpu.memory_space<vmem_shared>>)
        tpu.yield
      }) : () -> ()
      %dma_start3A_73 = arith.constant 3 : i32
      %dma_start3A_74 = arith.constant 0 : i32
      %dma_start3A_75 = tpu.memref_slice %arg6[%dma_start3A_73, %dma_start3A_74] : memref<8x128xi32, #tpu.memory_space<vmem>> -> memref<1x128xi32, #tpu.memory_space<vmem>>
      %dma_start3A_76 = tpu.memref_squeeze %dma_start3A_75 : memref<1x128xi32, #tpu.memory_space<vmem>> -> memref<128xi32, #tpu.memory_space<vmem>>
      %dma_start3A_77 = arith.constant 0 : i32
      %dma_start3A_78 = arith.constant 0 : i32
      %dma_start3A_79 = tpu.memref_slice %arg2[%dma_start3A_77, %dma_start3A_78] : memref<102400x32xf32, #tpu.memory_space<hbm>> -> memref<102400x32xf32, #tpu.memory_space<hbm>>
      tpu.enqueue_indirect_dma source(%dma_start3A_79 : memref<102400x32xf32, #tpu.memory_space<hbm>>) target(%arg8 : memref<128x32xf32, #tpu.memory_space<vmem>>) offsets(%dma_start3A_76 : memref<128xi32, #tpu.memory_space<vmem>>) semaphore(%arg11 : memref<!tpu.dma_semaphore, #tpu.memory_space<semaphore_mem>>)
      %dma_wait3A_80 = arith.constant 3 : i32
      %dma_wait3A_81 = arith.constant 0 : i32
      %dma_wait3A_82 = tpu.memref_slice %arg6[%dma_wait3A_80, %dma_wait3A_81] : memref<8x128xi32, #tpu.memory_space<vmem>> -> memref<1x128xi32, #tpu.memory_space<vmem>>
      %dma_wait3A_83 = tpu.memref_squeeze %dma_wait3A_82 : memref<1x128xi32, #tpu.memory_space<vmem>> -> memref<128xi32, #tpu.memory_space<vmem>>
      %dma_wait3A_84 = arith.constant 0 : i32
      %dma_wait3A_85 = arith.constant 0 : i32
      %dma_wait3A_86 = tpu.memref_slice %arg2[%dma_wait3A_84, %dma_wait3A_85] : memref<102400x32xf32, #tpu.memory_space<hbm>> -> memref<102400x32xf32, #tpu.memory_space<hbm>>
      tpu.wait_indirect_dma semaphore(%arg11 : memref<!tpu.dma_semaphore, #tpu.memory_space<semaphore_mem>>) src(%dma_wait3A_86 : memref<102400x32xf32, #tpu.memory_space<hbm>>) dst(%arg8 : memref<128x32xf32, #tpu.memory_space<vmem>>)
      %run_scoped3A_87 = arith.constant 3 : i32
      "tpu.region"() ({
        %run_scoped3A_149 = tpu.sem_alloc : memref<!tpu.dma_semaphore, #tpu.memory_space<semaphore_mem>>
        %dma_start3A_150 = arith.constant 0 : i32
        %dma_start3A_151 = tpu.memref_slice %arg7[%run_scoped3A_87, %dma_start3A_150] : memref<8x128xi32, #tpu.memory_space<vmem>> -> memref<1x128xi32, #tpu.memory_space<vmem>>
        %dma_start3A_152 = tpu.memref_squeeze %dma_start3A_151 : memref<1x128xi32, #tpu.memory_space<vmem>> -> memref<128xi32, #tpu.memory_space<vmem>>
        %dma_start3A_153 = arith.constant 0 : i32
        %dma_start3A_154 = arith.constant 0 : i32
        %dma_start3A_155 = tpu.memref_slice %arg10[%dma_start3A_153, %dma_start3A_154] : memref<51200x32xf32, #tpu.memory_space<vmem_shared>> -> memref<51200x32xf32, #tpu.memory_space<vmem_shared>>
        tpu.enqueue_indirect_dma source(%arg8 : memref<128x32xf32, #tpu.memory_space<vmem>>) target(%dma_start3A_155 : memref<51200x32xf32, #tpu.memory_space<vmem_shared>>) offsets(%dma_start3A_152 : memref<128xi32, #tpu.memory_space<vmem>>) semaphore(%run_scoped3A_149 : memref<!tpu.dma_semaphore, #tpu.memory_space<semaphore_mem>>) {add = true}
        %dma_wait3A_156 = arith.constant 0 : i32
        %dma_wait3A_157 = tpu.memref_slice %arg7[%run_scoped3A_87, %dma_wait3A_156] : memref<8x128xi32, #tpu.memory_space<vmem>> -> memref<1x128xi32, #tpu.memory_space<vmem>>
        %dma_wait3A_158 = tpu.memref_squeeze %dma_wait3A_157 : memref<1x128xi32, #tpu.memory_space<vmem>> -> memref<128xi32, #tpu.memory_space<vmem>>
        %dma_wait3A_159 = arith.constant 0 : i32
        %dma_wait3A_160 = arith.constant 0 : i32
        %dma_wait3A_161 = tpu.memref_slice %arg10[%dma_wait3A_159, %dma_wait3A_160] : memref<51200x32xf32, #tpu.memory_space<vmem_shared>> -> memref<51200x32xf32, #tpu.memory_space<vmem_shared>>
        tpu.wait_indirect_dma semaphore(%run_scoped3A_149 : memref<!tpu.dma_semaphore, #tpu.memory_space<semaphore_mem>>) src(%arg8 : memref<128x32xf32, #tpu.memory_space<vmem>>) dst(%dma_wait3A_161 : memref<51200x32xf32, #tpu.memory_space<vmem_shared>>)
        tpu.yield
      }) : () -> ()
      %dma_start3A_88 = arith.constant 4 : i32
      %dma_start3A_89 = arith.constant 0 : i32
      %dma_start3A_90 = tpu.memref_slice %arg6[%dma_start3A_88, %dma_start3A_89] : memref<8x128xi32, #tpu.memory_space<vmem>> -> memref<1x128xi32, #tpu.memory_space<vmem>>
      %dma_start3A_91 = tpu.memref_squeeze %dma_start3A_90 : memref<1x128xi32, #tpu.memory_space<vmem>> -> memref<128xi32, #tpu.memory_space<vmem>>
      %dma_start3A_92 = arith.constant 0 : i32
      %dma_start3A_93 = arith.constant 0 : i32
      %dma_start3A_94 = tpu.memref_slice %arg2[%dma_start3A_92, %dma_start3A_93] : memref<102400x32xf32, #tpu.memory_space<hbm>> -> memref<102400x32xf32, #tpu.memory_space<hbm>>
      tpu.enqueue_indirect_dma source(%dma_start3A_94 : memref<102400x32xf32, #tpu.memory_space<hbm>>) target(%arg8 : memref<128x32xf32, #tpu.memory_space<vmem>>) offsets(%dma_start3A_91 : memref<128xi32, #tpu.memory_space<vmem>>) semaphore(%arg11 : memref<!tpu.dma_semaphore, #tpu.memory_space<semaphore_mem>>)
      %dma_wait3A_95 = arith.constant 4 : i32
      %dma_wait3A_96 = arith.constant 0 : i32
      %dma_wait3A_97 = tpu.memref_slice %arg6[%dma_wait3A_95, %dma_wait3A_96] : memref<8x128xi32, #tpu.memory_space<vmem>> -> memref<1x128xi32, #tpu.memory_space<vmem>>
      %dma_wait3A_98 = tpu.memref_squeeze %dma_wait3A_97 : memref<1x128xi32, #tpu.memory_space<vmem>> -> memref<128xi32, #tpu.memory_space<vmem>>
      %dma_wait3A_99 = arith.constant 0 : i32
      %dma_wait3A_100 = arith.constant 0 : i32
      %dma_wait3A_101 = tpu.memref_slice %arg2[%dma_wait3A_99, %dma_wait3A_100] : memref<102400x32xf32, #tpu.memory_space<hbm>> -> memref<102400x32xf32, #tpu.memory_space<hbm>>
      tpu.wait_indirect_dma semaphore(%arg11 : memref<!tpu.dma_semaphore, #tpu.memory_space<semaphore_mem>>) src(%dma_wait3A_101 : memref<102400x32xf32, #tpu.memory_space<hbm>>) dst(%arg8 : memref<128x32xf32, #tpu.memory_space<vmem>>)
      %run_scoped3A_102 = arith.constant 4 : i32
      "tpu.region"() ({
        %run_scoped3A_149 = tpu.sem_alloc : memref<!tpu.dma_semaphore, #tpu.memory_space<semaphore_mem>>
        %dma_start3A_150 = arith.constant 0 : i32
        %dma_start3A_151 = tpu.memref_slice %arg7[%run_scoped3A_102, %dma_start3A_150] : memref<8x128xi32, #tpu.memory_space<vmem>> -> memref<1x128xi32, #tpu.memory_space<vmem>>
        %dma_start3A_152 = tpu.memref_squeeze %dma_start3A_151 : memref<1x128xi32, #tpu.memory_space<vmem>> -> memref<128xi32, #tpu.memory_space<vmem>>
        %dma_start3A_153 = arith.constant 0 : i32
        %dma_start3A_154 = arith.constant 0 : i32
        %dma_start3A_155 = tpu.memref_slice %arg10[%dma_start3A_153, %dma_start3A_154] : memref<51200x32xf32, #tpu.memory_space<vmem_shared>> -> memref<51200x32xf32, #tpu.memory_space<vmem_shared>>
        tpu.enqueue_indirect_dma source(%arg8 : memref<128x32xf32, #tpu.memory_space<vmem>>) target(%dma_start3A_155 : memref<51200x32xf32, #tpu.memory_space<vmem_shared>>) offsets(%dma_start3A_152 : memref<128xi32, #tpu.memory_space<vmem>>) semaphore(%run_scoped3A_149 : memref<!tpu.dma_semaphore, #tpu.memory_space<semaphore_mem>>) {add = true}
        %dma_wait3A_156 = arith.constant 0 : i32
        %dma_wait3A_157 = tpu.memref_slice %arg7[%run_scoped3A_102, %dma_wait3A_156] : memref<8x128xi32, #tpu.memory_space<vmem>> -> memref<1x128xi32, #tpu.memory_space<vmem>>
        %dma_wait3A_158 = tpu.memref_squeeze %dma_wait3A_157 : memref<1x128xi32, #tpu.memory_space<vmem>> -> memref<128xi32, #tpu.memory_space<vmem>>
        %dma_wait3A_159 = arith.constant 0 : i32
        %dma_wait3A_160 = arith.constant 0 : i32
        %dma_wait3A_161 = tpu.memref_slice %arg10[%dma_wait3A_159, %dma_wait3A_160] : memref<51200x32xf32, #tpu.memory_space<vmem_shared>> -> memref<51200x32xf32, #tpu.memory_space<vmem_shared>>
        tpu.wait_indirect_dma semaphore(%run_scoped3A_149 : memref<!tpu.dma_semaphore, #tpu.memory_space<semaphore_mem>>) src(%arg8 : memref<128x32xf32, #tpu.memory_space<vmem>>) dst(%dma_wait3A_161 : memref<51200x32xf32, #tpu.memory_space<vmem_shared>>)
        tpu.yield
      }) : () -> ()
      %dma_start3A_103 = arith.constant 5 : i32
      %dma_start3A_104 = arith.constant 0 : i32
      %dma_start3A_105 = tpu.memref_slice %arg6[%dma_start3A_103, %dma_start3A_104] : memref<8x128xi32, #tpu.memory_space<vmem>> -> memref<1x128xi32, #tpu.memory_space<vmem>>
      %dma_start3A_106 = tpu.memref_squeeze %dma_start3A_105 : memref<1x128xi32, #tpu.memory_space<vmem>> -> memref<128xi32, #tpu.memory_space<vmem>>
      %dma_start3A_107 = arith.constant 0 : i32
      %dma_start3A_108 = arith.constant 0 : i32
      %dma_start3A_109 = tpu.memref_slice %arg2[%dma_start3A_107, %dma_start3A_108] : memref<102400x32xf32, #tpu.memory_space<hbm>> -> memref<102400x32xf32, #tpu.memory_space<hbm>>
      tpu.enqueue_indirect_dma source(%dma_start3A_109 : memref<102400x32xf32, #tpu.memory_space<hbm>>) target(%arg8 : memref<128x32xf32, #tpu.memory_space<vmem>>) offsets(%dma_start3A_106 : memref<128xi32, #tpu.memory_space<vmem>>) semaphore(%arg11 : memref<!tpu.dma_semaphore, #tpu.memory_space<semaphore_mem>>)
      %dma_wait3A_110 = arith.constant 5 : i32
      %dma_wait3A_111 = arith.constant 0 : i32
      %dma_wait3A_112 = tpu.memref_slice %arg6[%dma_wait3A_110, %dma_wait3A_111] : memref<8x128xi32, #tpu.memory_space<vmem>> -> memref<1x128xi32, #tpu.memory_space<vmem>>
      %dma_wait3A_113 = tpu.memref_squeeze %dma_wait3A_112 : memref<1x128xi32, #tpu.memory_space<vmem>> -> memref<128xi32, #tpu.memory_space<vmem>>
      %dma_wait3A_114 = arith.constant 0 : i32
      %dma_wait3A_115 = arith.constant 0 : i32
      %dma_wait3A_116 = tpu.memref_slice %arg2[%dma_wait3A_114, %dma_wait3A_115] : memref<102400x32xf32, #tpu.memory_space<hbm>> -> memref<102400x32xf32, #tpu.memory_space<hbm>>
      tpu.wait_indirect_dma semaphore(%arg11 : memref<!tpu.dma_semaphore, #tpu.memory_space<semaphore_mem>>) src(%dma_wait3A_116 : memref<102400x32xf32, #tpu.memory_space<hbm>>) dst(%arg8 : memref<128x32xf32, #tpu.memory_space<vmem>>)
      %run_scoped3A_117 = arith.constant 5 : i32
      "tpu.region"() ({
        %run_scoped3A_149 = tpu.sem_alloc : memref<!tpu.dma_semaphore, #tpu.memory_space<semaphore_mem>>
        %dma_start3A_150 = arith.constant 0 : i32
        %dma_start3A_151 = tpu.memref_slice %arg7[%run_scoped3A_117, %dma_start3A_150] : memref<8x128xi32, #tpu.memory_space<vmem>> -> memref<1x128xi32, #tpu.memory_space<vmem>>
        %dma_start3A_152 = tpu.memref_squeeze %dma_start3A_151 : memref<1x128xi32, #tpu.memory_space<vmem>> -> memref<128xi32, #tpu.memory_space<vmem>>
        %dma_start3A_153 = arith.constant 0 : i32
        %dma_start3A_154 = arith.constant 0 : i32
        %dma_start3A_155 = tpu.memref_slice %arg10[%dma_start3A_153, %dma_start3A_154] : memref<51200x32xf32, #tpu.memory_space<vmem_shared>> -> memref<51200x32xf32, #tpu.memory_space<vmem_shared>>
        tpu.enqueue_indirect_dma source(%arg8 : memref<128x32xf32, #tpu.memory_space<vmem>>) target(%dma_start3A_155 : memref<51200x32xf32, #tpu.memory_space<vmem_shared>>) offsets(%dma_start3A_152 : memref<128xi32, #tpu.memory_space<vmem>>) semaphore(%run_scoped3A_149 : memref<!tpu.dma_semaphore, #tpu.memory_space<semaphore_mem>>) {add = true}
        %dma_wait3A_156 = arith.constant 0 : i32
        %dma_wait3A_157 = tpu.memref_slice %arg7[%run_scoped3A_117, %dma_wait3A_156] : memref<8x128xi32, #tpu.memory_space<vmem>> -> memref<1x128xi32, #tpu.memory_space<vmem>>
        %dma_wait3A_158 = tpu.memref_squeeze %dma_wait3A_157 : memref<1x128xi32, #tpu.memory_space<vmem>> -> memref<128xi32, #tpu.memory_space<vmem>>
        %dma_wait3A_159 = arith.constant 0 : i32
        %dma_wait3A_160 = arith.constant 0 : i32
        %dma_wait3A_161 = tpu.memref_slice %arg10[%dma_wait3A_159, %dma_wait3A_160] : memref<51200x32xf32, #tpu.memory_space<vmem_shared>> -> memref<51200x32xf32, #tpu.memory_space<vmem_shared>>
        tpu.wait_indirect_dma semaphore(%run_scoped3A_149 : memref<!tpu.dma_semaphore, #tpu.memory_space<semaphore_mem>>) src(%arg8 : memref<128x32xf32, #tpu.memory_space<vmem>>) dst(%dma_wait3A_161 : memref<51200x32xf32, #tpu.memory_space<vmem_shared>>)
        tpu.yield
      }) : () -> ()
      %dma_start3A_118 = arith.constant 6 : i32
      %dma_start3A_119 = arith.constant 0 : i32
      %dma_start3A_120 = tpu.memref_slice %arg6[%dma_start3A_118, %dma_start3A_119] : memref<8x128xi32, #tpu.memory_space<vmem>> -> memref<1x128xi32, #tpu.memory_space<vmem>>
      %dma_start3A_121 = tpu.memref_squeeze %dma_start3A_120 : memref<1x128xi32, #tpu.memory_space<vmem>> -> memref<128xi32, #tpu.memory_space<vmem>>
      %dma_start3A_122 = arith.constant 0 : i32
      %dma_start3A_123 = arith.constant 0 : i32
      %dma_start3A_124 = tpu.memref_slice %arg2[%dma_start3A_122, %dma_start3A_123] : memref<102400x32xf32, #tpu.memory_space<hbm>> -> memref<102400x32xf32, #tpu.memory_space<hbm>>
      tpu.enqueue_indirect_dma source(%dma_start3A_124 : memref<102400x32xf32, #tpu.memory_space<hbm>>) target(%arg8 : memref<128x32xf32, #tpu.memory_space<vmem>>) offsets(%dma_start3A_121 : memref<128xi32, #tpu.memory_space<vmem>>) semaphore(%arg11 : memref<!tpu.dma_semaphore, #tpu.memory_space<semaphore_mem>>)
      %dma_wait3A_125 = arith.constant 6 : i32
      %dma_wait3A_126 = arith.constant 0 : i32
      %dma_wait3A_127 = tpu.memref_slice %arg6[%dma_wait3A_125, %dma_wait3A_126] : memref<8x128xi32, #tpu.memory_space<vmem>> -> memref<1x128xi32, #tpu.memory_space<vmem>>
      %dma_wait3A_128 = tpu.memref_squeeze %dma_wait3A_127 : memref<1x128xi32, #tpu.memory_space<vmem>> -> memref<128xi32, #tpu.memory_space<vmem>>
      %dma_wait3A_129 = arith.constant 0 : i32
      %dma_wait3A_130 = arith.constant 0 : i32
      %dma_wait3A_131 = tpu.memref_slice %arg2[%dma_wait3A_129, %dma_wait3A_130] : memref<102400x32xf32, #tpu.memory_space<hbm>> -> memref<102400x32xf32, #tpu.memory_space<hbm>>
      tpu.wait_indirect_dma semaphore(%arg11 : memref<!tpu.dma_semaphore, #tpu.memory_space<semaphore_mem>>) src(%dma_wait3A_131 : memref<102400x32xf32, #tpu.memory_space<hbm>>) dst(%arg8 : memref<128x32xf32, #tpu.memory_space<vmem>>)
      %run_scoped3A_132 = arith.constant 6 : i32
      "tpu.region"() ({
        %run_scoped3A_149 = tpu.sem_alloc : memref<!tpu.dma_semaphore, #tpu.memory_space<semaphore_mem>>
        %dma_start3A_150 = arith.constant 0 : i32
        %dma_start3A_151 = tpu.memref_slice %arg7[%run_scoped3A_132, %dma_start3A_150] : memref<8x128xi32, #tpu.memory_space<vmem>> -> memref<1x128xi32, #tpu.memory_space<vmem>>
        %dma_start3A_152 = tpu.memref_squeeze %dma_start3A_151 : memref<1x128xi32, #tpu.memory_space<vmem>> -> memref<128xi32, #tpu.memory_space<vmem>>
        %dma_start3A_153 = arith.constant 0 : i32
        %dma_start3A_154 = arith.constant 0 : i32
        %dma_start3A_155 = tpu.memref_slice %arg10[%dma_start3A_153, %dma_start3A_154] : memref<51200x32xf32, #tpu.memory_space<vmem_shared>> -> memref<51200x32xf32, #tpu.memory_space<vmem_shared>>
        tpu.enqueue_indirect_dma source(%arg8 : memref<128x32xf32, #tpu.memory_space<vmem>>) target(%dma_start3A_155 : memref<51200x32xf32, #tpu.memory_space<vmem_shared>>) offsets(%dma_start3A_152 : memref<128xi32, #tpu.memory_space<vmem>>) semaphore(%run_scoped3A_149 : memref<!tpu.dma_semaphore, #tpu.memory_space<semaphore_mem>>) {add = true}
        %dma_wait3A_156 = arith.constant 0 : i32
        %dma_wait3A_157 = tpu.memref_slice %arg7[%run_scoped3A_132, %dma_wait3A_156] : memref<8x128xi32, #tpu.memory_space<vmem>> -> memref<1x128xi32, #tpu.memory_space<vmem>>
        %dma_wait3A_158 = tpu.memref_squeeze %dma_wait3A_157 : memref<1x128xi32, #tpu.memory_space<vmem>> -> memref<128xi32, #tpu.memory_space<vmem>>
        %dma_wait3A_159 = arith.constant 0 : i32
        %dma_wait3A_160 = arith.constant 0 : i32
        %dma_wait3A_161 = tpu.memref_slice %arg10[%dma_wait3A_159, %dma_wait3A_160] : memref<51200x32xf32, #tpu.memory_space<vmem_shared>> -> memref<51200x32xf32, #tpu.memory_space<vmem_shared>>
        tpu.wait_indirect_dma semaphore(%run_scoped3A_149 : memref<!tpu.dma_semaphore, #tpu.memory_space<semaphore_mem>>) src(%arg8 : memref<128x32xf32, #tpu.memory_space<vmem>>) dst(%dma_wait3A_161 : memref<51200x32xf32, #tpu.memory_space<vmem_shared>>)
        tpu.yield
      }) : () -> ()
      %dma_start3A_133 = arith.constant 7 : i32
      %dma_start3A_134 = arith.constant 0 : i32
      %dma_start3A_135 = tpu.memref_slice %arg6[%dma_start3A_133, %dma_start3A_134] : memref<8x128xi32, #tpu.memory_space<vmem>> -> memref<1x128xi32, #tpu.memory_space<vmem>>
      %dma_start3A_136 = tpu.memref_squeeze %dma_start3A_135 : memref<1x128xi32, #tpu.memory_space<vmem>> -> memref<128xi32, #tpu.memory_space<vmem>>
      %dma_start3A_137 = arith.constant 0 : i32
      %dma_start3A_138 = arith.constant 0 : i32
      %dma_start3A_139 = tpu.memref_slice %arg2[%dma_start3A_137, %dma_start3A_138] : memref<102400x32xf32, #tpu.memory_space<hbm>> -> memref<102400x32xf32, #tpu.memory_space<hbm>>
      tpu.enqueue_indirect_dma source(%dma_start3A_139 : memref<102400x32xf32, #tpu.memory_space<hbm>>) target(%arg8 : memref<128x32xf32, #tpu.memory_space<vmem>>) offsets(%dma_start3A_136 : memref<128xi32, #tpu.memory_space<vmem>>) semaphore(%arg11 : memref<!tpu.dma_semaphore, #tpu.memory_space<semaphore_mem>>)
      %dma_wait3A_140 = arith.constant 7 : i32
      %dma_wait3A_141 = arith.constant 0 : i32
      %dma_wait3A_142 = tpu.memref_slice %arg6[%dma_wait3A_140, %dma_wait3A_141] : memref<8x128xi32, #tpu.memory_space<vmem>> -> memref<1x128xi32, #tpu.memory_space<vmem>>
      %dma_wait3A_143 = tpu.memref_squeeze %dma_wait3A_142 : memref<1x128xi32, #tpu.memory_space<vmem>> -> memref<128xi32, #tpu.memory_space<vmem>>
      %dma_wait3A_144 = arith.constant 0 : i32
      %dma_wait3A_145 = arith.constant 0 : i32
      %dma_wait3A_146 = tpu.memref_slice %arg2[%dma_wait3A_144, %dma_wait3A_145] : memref<102400x32xf32, #tpu.memory_space<hbm>> -> memref<102400x32xf32, #tpu.memory_space<hbm>>
      tpu.wait_indirect_dma semaphore(%arg11 : memref<!tpu.dma_semaphore, #tpu.memory_space<semaphore_mem>>) src(%dma_wait3A_146 : memref<102400x32xf32, #tpu.memory_space<hbm>>) dst(%arg8 : memref<128x32xf32, #tpu.memory_space<vmem>>)
      %run_scoped3A_147 = arith.constant 7 : i32
      "tpu.region"() ({
        %run_scoped3A_149 = tpu.sem_alloc : memref<!tpu.dma_semaphore, #tpu.memory_space<semaphore_mem>>
        %dma_start3A_150 = arith.constant 0 : i32
        %dma_start3A_151 = tpu.memref_slice %arg7[%run_scoped3A_147, %dma_start3A_150] : memref<8x128xi32, #tpu.memory_space<vmem>> -> memref<1x128xi32, #tpu.memory_space<vmem>>
        %dma_start3A_152 = tpu.memref_squeeze %dma_start3A_151 : memref<1x128xi32, #tpu.memory_space<vmem>> -> memref<128xi32, #tpu.memory_space<vmem>>
        %dma_start3A_153 = arith.constant 0 : i32
        %dma_start3A_154 = arith.constant 0 : i32
        %dma_start3A_155 = tpu.memref_slice %arg10[%dma_start3A_153, %dma_start3A_154] : memref<51200x32xf32, #tpu.memory_space<vmem_shared>> -> memref<51200x32xf32, #tpu.memory_space<vmem_shared>>
        tpu.enqueue_indirect_dma source(%arg8 : memref<128x32xf32, #tpu.memory_space<vmem>>) target(%dma_start3A_155 : memref<51200x32xf32, #tpu.memory_space<vmem_shared>>) offsets(%dma_start3A_152 : memref<128xi32, #tpu.memory_space<vmem>>) semaphore(%run_scoped3A_149 : memref<!tpu.dma_semaphore, #tpu.memory_space<semaphore_mem>>) {add = true}
        %dma_wait3A_156 = arith.constant 0 : i32
        %dma_wait3A_157 = tpu.memref_slice %arg7[%run_scoped3A_147, %dma_wait3A_156] : memref<8x128xi32, #tpu.memory_space<vmem>> -> memref<1x128xi32, #tpu.memory_space<vmem>>
        %dma_wait3A_158 = tpu.memref_squeeze %dma_wait3A_157 : memref<1x128xi32, #tpu.memory_space<vmem>> -> memref<128xi32, #tpu.memory_space<vmem>>
        %dma_wait3A_159 = arith.constant 0 : i32
        %dma_wait3A_160 = arith.constant 0 : i32
        %dma_wait3A_161 = tpu.memref_slice %arg10[%dma_wait3A_159, %dma_wait3A_160] : memref<51200x32xf32, #tpu.memory_space<vmem_shared>> -> memref<51200x32xf32, #tpu.memory_space<vmem_shared>>
        tpu.wait_indirect_dma semaphore(%run_scoped3A_149 : memref<!tpu.dma_semaphore, #tpu.memory_space<semaphore_mem>>) src(%arg8 : memref<128x32xf32, #tpu.memory_space<vmem>>) dst(%dma_wait3A_161 : memref<51200x32xf32, #tpu.memory_space<vmem_shared>>)
        tpu.yield
      }) : () -> ()
      %scan3A_148 = arith.constant 0 : i32
      scf.yield %scan3A_148 : i32
    }
    %scan3A_20 = arith.constant 50 : i32
    %barrier3A_21 = arith.constant 0 : index
    tpu.barrier barrier_id(%barrier3A_21)
    %mul3A = arith.constant 3200 : i32
    %mul3A_22 = arith.muli %arg1, %mul3A : i32
    %mul3A_23 = arith.constant 3200 : i32
    %mul3A_24 = arith.muli %arg1, %mul3A_23 : i32
    "tpu.region"() ({
      %run_scoped3A = tpu.sem_alloc : memref<!tpu.dma_semaphore, #tpu.memory_space<semaphore_mem>>
      %dma_start3A = arith.constant 0 : i32
      %dma_start3A_25 = tpu.memref_slice %arg5[%arg0, %mul3A_24, %dma_start3A] : memref<2x51200x32xf32, #tpu.memory_space<hbm>> -> memref<1x3200x32xf32, #tpu.memory_space<hbm>>
      %dma_start3A_26 = tpu.memref_squeeze %dma_start3A_25 : memref<1x3200x32xf32, #tpu.memory_space<hbm>> -> memref<3200x32xf32, #tpu.memory_space<hbm>>
      %dma_start3A_27 = arith.constant 0 : i32
      %dma_start3A_28 = tpu.memref_slice %arg10[%mul3A_22, %dma_start3A_27] : memref<51200x32xf32, #tpu.memory_space<vmem_shared>> -> memref<3200x32xf32, #tpu.memory_space<vmem_shared>>
      tpu.enqueue_dma source(%dma_start3A_28 : memref<3200x32xf32, #tpu.memory_space<vmem_shared>>) target(%dma_start3A_26 : memref<3200x32xf32, #tpu.memory_space<hbm>>) target_semaphore(%run_scoped3A : memref<!tpu.dma_semaphore, #tpu.memory_space<semaphore_mem>>)
      %dma_wait3A = arith.constant 0 : i32
      %dma_wait3A_29 = tpu.memref_slice %arg5[%arg0, %mul3A_24, %dma_wait3A] : memref<2x51200x32xf32, #tpu.memory_space<hbm>> -> memref<1x3200x32xf32, #tpu.memory_space<hbm>>
      %dma_wait3A_30 = tpu.memref_squeeze %dma_wait3A_29 : memref<1x3200x32xf32, #tpu.memory_space<hbm>> -> memref<3200x32xf32, #tpu.memory_space<hbm>>
      %dma_wait3A_31 = arith.constant 0 : i32
      %dma_wait3A_32 = tpu.memref_slice %arg10[%mul3A_22, %dma_wait3A_31] : memref<51200x32xf32, #tpu.memory_space<vmem_shared>> -> memref<3200x32xf32, #tpu.memory_space<vmem_shared>>
      tpu.wait_dma2 semaphore(%run_scoped3A : memref<!tpu.dma_semaphore, #tpu.memory_space<semaphore_mem>>) src(%dma_wait3A_32 : memref<3200x32xf32, #tpu.memory_space<vmem_shared>>) dst(%dma_wait3A_30 : memref<3200x32xf32, #tpu.memory_space<hbm>>)
      tpu.yield
    }) : () -> ()
    return
  }
}

#map = affine_map<(d0, d1) -> (0, 0)>
module attributes {stable_mosaic.version = 14 : i64} {
  func.func @k(%arg0: i32, %arg1: i32, %arg2: memref<6400x128xi32, #tpu.memory_space<hbm>>, %arg3: memref<2x51200xf32, #tpu.memory_space<hbm>>, %arg4: memref<8x128xi32, #tpu.memory_space<vmem>>, %arg5: memref<128xf32, #tpu.memory_space<vmem>>, %arg6: memref<3200xf32, #tpu.memory_space<vmem>>, %arg7: memref<51200xf32, #tpu.memory_space<vmem_shared>>) attributes {dimension_semantics = [#tpu.dimension_semantics<core_parallel>, #tpu.dimension_semantics<subcore_parallel>], iteration_bounds = array<i64: 2, 16>, scalar_prefetch = 0 : i64, scratch_operands = 4 : i64, tpu.core_type = #tpu.core_type<sc_vector_subcore>, window_params = [{transform_indices = #map}, {transform_indices = #map}]} {
    %broadcast_in_dim3A = arith.constant 1.000000e+00 : f32
    %broadcast_in_dim3A_0 = vector.broadcast %broadcast_in_dim3A : f32 to vector<16xf32>
    %broadcast_in_dim3A_1 = arith.constant 0.000000e+00 : f32
    %broadcast_in_dim3A_2 = vector.broadcast %broadcast_in_dim3A_1 : f32 to vector<16xf32>
    %swap3A = arith.constant 0 : index
    %swap3A_3 = tpu.vector_load %arg5[%swap3A] {strides = array<i32>} : memref<128xf32, #tpu.memory_space<vmem>>, vector<16xf32>,
    %swap3A_4 = vector.shape_cast %swap3A_3 : vector<16xf32> to vector<16xf32>
    %swap3A_5 = vector.shape_cast %broadcast_in_dim3A_0 : vector<16xf32> to vector<16xf32>
    tpu.vector_store %arg5[%swap3A], %swap3A_5 {strides = array<i32>} : memref<128xf32, #tpu.memory_space<vmem>>, vector<16xf32>,
    %swap3A_6 = arith.constant 16 : index
    %swap3A_7 = tpu.vector_load %arg5[%swap3A_6] {strides = array<i32>} : memref<128xf32, #tpu.memory_space<vmem>>, vector<16xf32>,
    %swap3A_8 = vector.shape_cast %swap3A_7 : vector<16xf32> to vector<16xf32>
    %swap3A_9 = vector.shape_cast %broadcast_in_dim3A_0 : vector<16xf32> to vector<16xf32>
    tpu.vector_store %arg5[%swap3A_6], %swap3A_9 {strides = array<i32>} : memref<128xf32, #tpu.memory_space<vmem>>, vector<16xf32>,
    %swap3A_10 = arith.constant 32 : index
    %swap3A_11 = tpu.vector_load %arg5[%swap3A_10] {strides = array<i32>} : memref<128xf32, #tpu.memory_space<vmem>>, vector<16xf32>,
    %swap3A_12 = vector.shape_cast %swap3A_11 : vector<16xf32> to vector<16xf32>
    %swap3A_13 = vector.shape_cast %broadcast_in_dim3A_0 : vector<16xf32> to vector<16xf32>
    tpu.vector_store %arg5[%swap3A_10], %swap3A_13 {strides = array<i32>} : memref<128xf32, #tpu.memory_space<vmem>>, vector<16xf32>,
    %swap3A_14 = arith.constant 48 : index
    %swap3A_15 = tpu.vector_load %arg5[%swap3A_14] {strides = array<i32>} : memref<128xf32, #tpu.memory_space<vmem>>, vector<16xf32>,
    %swap3A_16 = vector.shape_cast %swap3A_15 : vector<16xf32> to vector<16xf32>
    %swap3A_17 = vector.shape_cast %broadcast_in_dim3A_0 : vector<16xf32> to vector<16xf32>
    tpu.vector_store %arg5[%swap3A_14], %swap3A_17 {strides = array<i32>} : memref<128xf32, #tpu.memory_space<vmem>>, vector<16xf32>,
    %swap3A_18 = arith.constant 64 : index
    %swap3A_19 = tpu.vector_load %arg5[%swap3A_18] {strides = array<i32>} : memref<128xf32, #tpu.memory_space<vmem>>, vector<16xf32>,
    %swap3A_20 = vector.shape_cast %swap3A_19 : vector<16xf32> to vector<16xf32>
    %swap3A_21 = vector.shape_cast %broadcast_in_dim3A_0 : vector<16xf32> to vector<16xf32>
    tpu.vector_store %arg5[%swap3A_18], %swap3A_21 {strides = array<i32>} : memref<128xf32, #tpu.memory_space<vmem>>, vector<16xf32>,
    %swap3A_22 = arith.constant 80 : index
    %swap3A_23 = tpu.vector_load %arg5[%swap3A_22] {strides = array<i32>} : memref<128xf32, #tpu.memory_space<vmem>>, vector<16xf32>,
    %swap3A_24 = vector.shape_cast %swap3A_23 : vector<16xf32> to vector<16xf32>
    %swap3A_25 = vector.shape_cast %broadcast_in_dim3A_0 : vector<16xf32> to vector<16xf32>
    tpu.vector_store %arg5[%swap3A_22], %swap3A_25 {strides = array<i32>} : memref<128xf32, #tpu.memory_space<vmem>>, vector<16xf32>,
    %swap3A_26 = arith.constant 96 : index
    %swap3A_27 = tpu.vector_load %arg5[%swap3A_26] {strides = array<i32>} : memref<128xf32, #tpu.memory_space<vmem>>, vector<16xf32>,
    %swap3A_28 = vector.shape_cast %swap3A_27 : vector<16xf32> to vector<16xf32>
    %swap3A_29 = vector.shape_cast %broadcast_in_dim3A_0 : vector<16xf32> to vector<16xf32>
    tpu.vector_store %arg5[%swap3A_26], %swap3A_29 {strides = array<i32>} : memref<128xf32, #tpu.memory_space<vmem>>, vector<16xf32>,
    %swap3A_30 = arith.constant 112 : index
    %swap3A_31 = tpu.vector_load %arg5[%swap3A_30] {strides = array<i32>} : memref<128xf32, #tpu.memory_space<vmem>>, vector<16xf32>,
    %swap3A_32 = vector.shape_cast %swap3A_31 : vector<16xf32> to vector<16xf32>
    %swap3A_33 = vector.shape_cast %broadcast_in_dim3A_0 : vector<16xf32> to vector<16xf32>
    tpu.vector_store %arg5[%swap3A_30], %swap3A_33 {strides = array<i32>} : memref<128xf32, #tpu.memory_space<vmem>>, vector<16xf32>,
    %scan3A = arith.constant 0 : i32
    %scan3A_34 = arith.constant 0 : i32
    %scan3A_35 = arith.constant 200 : i32
    %scan3A_36 = arith.addi %scan3A_34, %scan3A_35 : i32
    %scan3A_37 = arith.constant 1 : i32
    %scan3A_38 = scf.for %scan3A_57 = %scan3A_34 to %scan3A_36 step %scan3A_37 iter_args(%scan3A_58 = %scan3A) -> (i32)  : i32 {
      %mul3A_59 = arith.constant 16 : i32
      %mul3A_60 = arith.muli %scan3A_57, %mul3A_59 : i32
      %swap3A_61 = arith.index_cast %mul3A_60 : i32 to index
      %swap3A_62 = tpu.vector_load %arg6[%swap3A_61] {strides = array<i32>} : memref<3200xf32, #tpu.memory_space<vmem>>, vector<16xf32>,
      %swap3A_63 = vector.shape_cast %swap3A_62 : vector<16xf32> to vector<16xf32>
      %swap3A_64 = vector.shape_cast %broadcast_in_dim3A_2 : vector<16xf32> to vector<16xf32>
      tpu.vector_store %arg6[%swap3A_61], %swap3A_64 {strides = array<i32>} : memref<3200xf32, #tpu.memory_space<vmem>>, vector<16xf32>,
      %scan3A_65 = arith.constant 0 : i32
      scf.yield %scan3A_65 : i32
    }
    %scan3A_39 = arith.constant 200 : i32
    %mul3A = arith.constant 3200 : i32
    %mul3A_40 = arith.muli %arg1, %mul3A : i32
    "tpu.region"() ({
      %run_scoped3A = tpu.sem_alloc : memref<!tpu.dma_semaphore, #tpu.memory_space<semaphore_mem>>
      %dma_start3A = tpu.memref_slice %arg7[%mul3A_40] : memref<51200xf32, #tpu.memory_space<vmem_shared>> -> memref<3200xf32, #tpu.memory_space<vmem_shared>>
      %dma_start3A_57 = tpu.memref_slice %arg7[%mul3A_40] : memref<51200xf32, #tpu.memory_space<vmem_shared>> -> memref<3200xf32, #tpu.memory_space<vmem_shared>>
      tpu.enqueue_dma source(%arg6 : memref<3200xf32, #tpu.memory_space<vmem>>) target(%dma_start3A_57 : memref<3200xf32, #tpu.memory_space<vmem_shared>>) target_semaphore(%run_scoped3A : memref<!tpu.dma_semaphore, #tpu.memory_space<semaphore_mem>>)
      %dma_wait3A = tpu.memref_slice %arg7[%mul3A_40] : memref<51200xf32, #tpu.memory_space<vmem_shared>> -> memref<3200xf32, #tpu.memory_space<vmem_shared>>
      %dma_wait3A_58 = tpu.memref_slice %arg7[%mul3A_40] : memref<51200xf32, #tpu.memory_space<vmem_shared>> -> memref<3200xf32, #tpu.memory_space<vmem_shared>>
      tpu.wait_dma2 semaphore(%run_scoped3A : memref<!tpu.dma_semaphore, #tpu.memory_space<semaphore_mem>>) src(%arg6 : memref<3200xf32, #tpu.memory_space<vmem>>) dst(%dma_wait3A_58 : memref<3200xf32, #tpu.memory_space<vmem_shared>>)
      tpu.yield
    }) : () -> ()
    %barrier3A = arith.constant 0 : index
    tpu.barrier barrier_id(%barrier3A)
    %mul3A_41 = arith.constant 16 : i32
    %mul3A_42 = arith.muli %arg0, %mul3A_41 : i32
    %add3A = arith.addi %mul3A_42, %arg1 : i32
    %mul3A_43 = arith.constant 200 : i32
    %mul3A_44 = arith.muli %add3A, %mul3A_43 : i32
    %scan3A_45 = arith.constant 0 : i32
    %scan3A_46 = arith.constant 0 : i32
    %scan3A_47 = arith.constant 25 : i32
    %scan3A_48 = arith.addi %scan3A_46, %scan3A_47 : i32
    %scan3A_49 = arith.constant 1 : i32
    %scan3A_50 = scf.for %scan3A_57 = %scan3A_46 to %scan3A_48 step %scan3A_49 iter_args(%scan3A_58 = %scan3A_45) -> (i32)  : i32 {
      %mul3A_59 = arith.constant 8 : i32
      %mul3A_60 = arith.muli %scan3A_57, %mul3A_59 : i32
      %add3A_61 = arith.addi %mul3A_44, %mul3A_60 : i32
      "tpu.region"() ({
        %run_scoped3A_70 = tpu.sem_alloc : memref<!tpu.dma_semaphore, #tpu.memory_space<semaphore_mem>>
        %dma_start3A = arith.constant 0 : i32
        %dma_start3A_71 = tpu.memref_slice %arg2[%add3A_61, %dma_start3A] : memref<6400x128xi32, #tpu.memory_space<hbm>> -> memref<8x128xi32, #tpu.memory_space<hbm>>
        %dma_start3A_72 = arith.constant 0 : i32
        %dma_start3A_73 = tpu.memref_slice %arg2[%add3A_61, %dma_start3A_72] : memref<6400x128xi32, #tpu.memory_space<hbm>> -> memref<8x128xi32, #tpu.memory_space<hbm>>
        tpu.enqueue_dma source(%dma_start3A_73 : memref<8x128xi32, #tpu.memory_space<hbm>>) target(%arg4 : memref<8x128xi32, #tpu.memory_space<vmem>>) target_semaphore(%run_scoped3A_70 : memref<!tpu.dma_semaphore, #tpu.memory_space<semaphore_mem>>)
        %dma_wait3A = arith.constant 0 : i32
        %dma_wait3A_74 = tpu.memref_slice %arg2[%add3A_61, %dma_wait3A] : memref<6400x128xi32, #tpu.memory_space<hbm>> -> memref<8x128xi32, #tpu.memory_space<hbm>>
        %dma_wait3A_75 = arith.constant 0 : i32
        %dma_wait3A_76 = tpu.memref_slice %arg2[%add3A_61, %dma_wait3A_75] : memref<6400x128xi32, #tpu.memory_space<hbm>> -> memref<8x128xi32, #tpu.memory_space<hbm>>
        tpu.wait_dma2 semaphore(%run_scoped3A_70 : memref<!tpu.dma_semaphore, #tpu.memory_space<semaphore_mem>>) src(%dma_wait3A_76 : memref<8x128xi32, #tpu.memory_space<hbm>>) dst(%arg4 : memref<8x128xi32, #tpu.memory_space<vmem>>)
        tpu.yield
      }) : () -> ()
      %run_scoped3A = arith.constant 0 : i32
      "tpu.region"() ({
        %run_scoped3A_70 = tpu.sem_alloc : memref<!tpu.dma_semaphore, #tpu.memory_space<semaphore_mem>>
        %dma_start3A = arith.constant 0 : i32
        %dma_start3A_71 = tpu.memref_slice %arg4[%run_scoped3A, %dma_start3A] : memref<8x128xi32, #tpu.memory_space<vmem>> -> memref<1x128xi32, #tpu.memory_space<vmem>>
        %dma_start3A_72 = tpu.memref_squeeze %dma_start3A_71 : memref<1x128xi32, #tpu.memory_space<vmem>> -> memref<128xi32, #tpu.memory_space<vmem>>
        %dma_start3A_73 = arith.constant 0 : i32
        %dma_start3A_74 = tpu.memref_slice %arg7[%dma_start3A_73] : memref<51200xf32, #tpu.memory_space<vmem_shared>> -> memref<51200xf32, #tpu.memory_space<vmem_shared>>
        tpu.enqueue_indirect_dma source(%arg5 : memref<128xf32, #tpu.memory_space<vmem>>) target(%dma_start3A_74 : memref<51200xf32, #tpu.memory_space<vmem_shared>>) offsets(%dma_start3A_72 : memref<128xi32, #tpu.memory_space<vmem>>) semaphore(%run_scoped3A_70 : memref<!tpu.dma_semaphore, #tpu.memory_space<semaphore_mem>>) {add = true}
        %dma_wait3A = arith.constant 0 : i32
        %dma_wait3A_75 = tpu.memref_slice %arg4[%run_scoped3A, %dma_wait3A] : memref<8x128xi32, #tpu.memory_space<vmem>> -> memref<1x128xi32, #tpu.memory_space<vmem>>
        %dma_wait3A_76 = tpu.memref_squeeze %dma_wait3A_75 : memref<1x128xi32, #tpu.memory_space<vmem>> -> memref<128xi32, #tpu.memory_space<vmem>>
        %dma_wait3A_77 = arith.constant 0 : i32
        %dma_wait3A_78 = tpu.memref_slice %arg7[%dma_wait3A_77] : memref<51200xf32, #tpu.memory_space<vmem_shared>> -> memref<51200xf32, #tpu.memory_space<vmem_shared>>
        tpu.wait_indirect_dma semaphore(%run_scoped3A_70 : memref<!tpu.dma_semaphore, #tpu.memory_space<semaphore_mem>>) src(%arg5 : memref<128xf32, #tpu.memory_space<vmem>>) dst(%dma_wait3A_78 : memref<51200xf32, #tpu.memory_space<vmem_shared>>)
        tpu.yield
      }) : () -> ()
      %run_scoped3A_62 = arith.constant 1 : i32
      "tpu.region"() ({
        %run_scoped3A_70 = tpu.sem_alloc : memref<!tpu.dma_semaphore, #tpu.memory_space<semaphore_mem>>
        %dma_start3A = arith.constant 0 : i32
        %dma_start3A_71 = tpu.memref_slice %arg4[%run_scoped3A_62, %dma_start3A] : memref<8x128xi32, #tpu.memory_space<vmem>> -> memref<1x128xi32, #tpu.memory_space<vmem>>
        %dma_start3A_72 = tpu.memref_squeeze %dma_start3A_71 : memref<1x128xi32, #tpu.memory_space<vmem>> -> memref<128xi32, #tpu.memory_space<vmem>>
        %dma_start3A_73 = arith.constant 0 : i32
        %dma_start3A_74 = tpu.memref_slice %arg7[%dma_start3A_73] : memref<51200xf32, #tpu.memory_space<vmem_shared>> -> memref<51200xf32, #tpu.memory_space<vmem_shared>>
        tpu.enqueue_indirect_dma source(%arg5 : memref<128xf32, #tpu.memory_space<vmem>>) target(%dma_start3A_74 : memref<51200xf32, #tpu.memory_space<vmem_shared>>) offsets(%dma_start3A_72 : memref<128xi32, #tpu.memory_space<vmem>>) semaphore(%run_scoped3A_70 : memref<!tpu.dma_semaphore, #tpu.memory_space<semaphore_mem>>) {add = true}
        %dma_wait3A = arith.constant 0 : i32
        %dma_wait3A_75 = tpu.memref_slice %arg4[%run_scoped3A_62, %dma_wait3A] : memref<8x128xi32, #tpu.memory_space<vmem>> -> memref<1x128xi32, #tpu.memory_space<vmem>>
        %dma_wait3A_76 = tpu.memref_squeeze %dma_wait3A_75 : memref<1x128xi32, #tpu.memory_space<vmem>> -> memref<128xi32, #tpu.memory_space<vmem>>
        %dma_wait3A_77 = arith.constant 0 : i32
        %dma_wait3A_78 = tpu.memref_slice %arg7[%dma_wait3A_77] : memref<51200xf32, #tpu.memory_space<vmem_shared>> -> memref<51200xf32, #tpu.memory_space<vmem_shared>>
        tpu.wait_indirect_dma semaphore(%run_scoped3A_70 : memref<!tpu.dma_semaphore, #tpu.memory_space<semaphore_mem>>) src(%arg5 : memref<128xf32, #tpu.memory_space<vmem>>) dst(%dma_wait3A_78 : memref<51200xf32, #tpu.memory_space<vmem_shared>>)
        tpu.yield
      }) : () -> ()
      %run_scoped3A_63 = arith.constant 2 : i32
      "tpu.region"() ({
        %run_scoped3A_70 = tpu.sem_alloc : memref<!tpu.dma_semaphore, #tpu.memory_space<semaphore_mem>>
        %dma_start3A = arith.constant 0 : i32
        %dma_start3A_71 = tpu.memref_slice %arg4[%run_scoped3A_63, %dma_start3A] : memref<8x128xi32, #tpu.memory_space<vmem>> -> memref<1x128xi32, #tpu.memory_space<vmem>>
        %dma_start3A_72 = tpu.memref_squeeze %dma_start3A_71 : memref<1x128xi32, #tpu.memory_space<vmem>> -> memref<128xi32, #tpu.memory_space<vmem>>
        %dma_start3A_73 = arith.constant 0 : i32
        %dma_start3A_74 = tpu.memref_slice %arg7[%dma_start3A_73] : memref<51200xf32, #tpu.memory_space<vmem_shared>> -> memref<51200xf32, #tpu.memory_space<vmem_shared>>
        tpu.enqueue_indirect_dma source(%arg5 : memref<128xf32, #tpu.memory_space<vmem>>) target(%dma_start3A_74 : memref<51200xf32, #tpu.memory_space<vmem_shared>>) offsets(%dma_start3A_72 : memref<128xi32, #tpu.memory_space<vmem>>) semaphore(%run_scoped3A_70 : memref<!tpu.dma_semaphore, #tpu.memory_space<semaphore_mem>>) {add = true}
        %dma_wait3A = arith.constant 0 : i32
        %dma_wait3A_75 = tpu.memref_slice %arg4[%run_scoped3A_63, %dma_wait3A] : memref<8x128xi32, #tpu.memory_space<vmem>> -> memref<1x128xi32, #tpu.memory_space<vmem>>
        %dma_wait3A_76 = tpu.memref_squeeze %dma_wait3A_75 : memref<1x128xi32, #tpu.memory_space<vmem>> -> memref<128xi32, #tpu.memory_space<vmem>>
        %dma_wait3A_77 = arith.constant 0 : i32
        %dma_wait3A_78 = tpu.memref_slice %arg7[%dma_wait3A_77] : memref<51200xf32, #tpu.memory_space<vmem_shared>> -> memref<51200xf32, #tpu.memory_space<vmem_shared>>
        tpu.wait_indirect_dma semaphore(%run_scoped3A_70 : memref<!tpu.dma_semaphore, #tpu.memory_space<semaphore_mem>>) src(%arg5 : memref<128xf32, #tpu.memory_space<vmem>>) dst(%dma_wait3A_78 : memref<51200xf32, #tpu.memory_space<vmem_shared>>)
        tpu.yield
      }) : () -> ()
      %run_scoped3A_64 = arith.constant 3 : i32
      "tpu.region"() ({
        %run_scoped3A_70 = tpu.sem_alloc : memref<!tpu.dma_semaphore, #tpu.memory_space<semaphore_mem>>
        %dma_start3A = arith.constant 0 : i32
        %dma_start3A_71 = tpu.memref_slice %arg4[%run_scoped3A_64, %dma_start3A] : memref<8x128xi32, #tpu.memory_space<vmem>> -> memref<1x128xi32, #tpu.memory_space<vmem>>
        %dma_start3A_72 = tpu.memref_squeeze %dma_start3A_71 : memref<1x128xi32, #tpu.memory_space<vmem>> -> memref<128xi32, #tpu.memory_space<vmem>>
        %dma_start3A_73 = arith.constant 0 : i32
        %dma_start3A_74 = tpu.memref_slice %arg7[%dma_start3A_73] : memref<51200xf32, #tpu.memory_space<vmem_shared>> -> memref<51200xf32, #tpu.memory_space<vmem_shared>>
        tpu.enqueue_indirect_dma source(%arg5 : memref<128xf32, #tpu.memory_space<vmem>>) target(%dma_start3A_74 : memref<51200xf32, #tpu.memory_space<vmem_shared>>) offsets(%dma_start3A_72 : memref<128xi32, #tpu.memory_space<vmem>>) semaphore(%run_scoped3A_70 : memref<!tpu.dma_semaphore, #tpu.memory_space<semaphore_mem>>) {add = true}
        %dma_wait3A = arith.constant 0 : i32
        %dma_wait3A_75 = tpu.memref_slice %arg4[%run_scoped3A_64, %dma_wait3A] : memref<8x128xi32, #tpu.memory_space<vmem>> -> memref<1x128xi32, #tpu.memory_space<vmem>>
        %dma_wait3A_76 = tpu.memref_squeeze %dma_wait3A_75 : memref<1x128xi32, #tpu.memory_space<vmem>> -> memref<128xi32, #tpu.memory_space<vmem>>
        %dma_wait3A_77 = arith.constant 0 : i32
        %dma_wait3A_78 = tpu.memref_slice %arg7[%dma_wait3A_77] : memref<51200xf32, #tpu.memory_space<vmem_shared>> -> memref<51200xf32, #tpu.memory_space<vmem_shared>>
        tpu.wait_indirect_dma semaphore(%run_scoped3A_70 : memref<!tpu.dma_semaphore, #tpu.memory_space<semaphore_mem>>) src(%arg5 : memref<128xf32, #tpu.memory_space<vmem>>) dst(%dma_wait3A_78 : memref<51200xf32, #tpu.memory_space<vmem_shared>>)
        tpu.yield
      }) : () -> ()
      %run_scoped3A_65 = arith.constant 4 : i32
      "tpu.region"() ({
        %run_scoped3A_70 = tpu.sem_alloc : memref<!tpu.dma_semaphore, #tpu.memory_space<semaphore_mem>>
        %dma_start3A = arith.constant 0 : i32
        %dma_start3A_71 = tpu.memref_slice %arg4[%run_scoped3A_65, %dma_start3A] : memref<8x128xi32, #tpu.memory_space<vmem>> -> memref<1x128xi32, #tpu.memory_space<vmem>>
        %dma_start3A_72 = tpu.memref_squeeze %dma_start3A_71 : memref<1x128xi32, #tpu.memory_space<vmem>> -> memref<128xi32, #tpu.memory_space<vmem>>
        %dma_start3A_73 = arith.constant 0 : i32
        %dma_start3A_74 = tpu.memref_slice %arg7[%dma_start3A_73] : memref<51200xf32, #tpu.memory_space<vmem_shared>> -> memref<51200xf32, #tpu.memory_space<vmem_shared>>
        tpu.enqueue_indirect_dma source(%arg5 : memref<128xf32, #tpu.memory_space<vmem>>) target(%dma_start3A_74 : memref<51200xf32, #tpu.memory_space<vmem_shared>>) offsets(%dma_start3A_72 : memref<128xi32, #tpu.memory_space<vmem>>) semaphore(%run_scoped3A_70 : memref<!tpu.dma_semaphore, #tpu.memory_space<semaphore_mem>>) {add = true}
        %dma_wait3A = arith.constant 0 : i32
        %dma_wait3A_75 = tpu.memref_slice %arg4[%run_scoped3A_65, %dma_wait3A] : memref<8x128xi32, #tpu.memory_space<vmem>> -> memref<1x128xi32, #tpu.memory_space<vmem>>
        %dma_wait3A_76 = tpu.memref_squeeze %dma_wait3A_75 : memref<1x128xi32, #tpu.memory_space<vmem>> -> memref<128xi32, #tpu.memory_space<vmem>>
        %dma_wait3A_77 = arith.constant 0 : i32
        %dma_wait3A_78 = tpu.memref_slice %arg7[%dma_wait3A_77] : memref<51200xf32, #tpu.memory_space<vmem_shared>> -> memref<51200xf32, #tpu.memory_space<vmem_shared>>
        tpu.wait_indirect_dma semaphore(%run_scoped3A_70 : memref<!tpu.dma_semaphore, #tpu.memory_space<semaphore_mem>>) src(%arg5 : memref<128xf32, #tpu.memory_space<vmem>>) dst(%dma_wait3A_78 : memref<51200xf32, #tpu.memory_space<vmem_shared>>)
        tpu.yield
      }) : () -> ()
      %run_scoped3A_66 = arith.constant 5 : i32
      "tpu.region"() ({
        %run_scoped3A_70 = tpu.sem_alloc : memref<!tpu.dma_semaphore, #tpu.memory_space<semaphore_mem>>
        %dma_start3A = arith.constant 0 : i32
        %dma_start3A_71 = tpu.memref_slice %arg4[%run_scoped3A_66, %dma_start3A] : memref<8x128xi32, #tpu.memory_space<vmem>> -> memref<1x128xi32, #tpu.memory_space<vmem>>
        %dma_start3A_72 = tpu.memref_squeeze %dma_start3A_71 : memref<1x128xi32, #tpu.memory_space<vmem>> -> memref<128xi32, #tpu.memory_space<vmem>>
        %dma_start3A_73 = arith.constant 0 : i32
        %dma_start3A_74 = tpu.memref_slice %arg7[%dma_start3A_73] : memref<51200xf32, #tpu.memory_space<vmem_shared>> -> memref<51200xf32, #tpu.memory_space<vmem_shared>>
        tpu.enqueue_indirect_dma source(%arg5 : memref<128xf32, #tpu.memory_space<vmem>>) target(%dma_start3A_74 : memref<51200xf32, #tpu.memory_space<vmem_shared>>) offsets(%dma_start3A_72 : memref<128xi32, #tpu.memory_space<vmem>>) semaphore(%run_scoped3A_70 : memref<!tpu.dma_semaphore, #tpu.memory_space<semaphore_mem>>) {add = true}
        %dma_wait3A = arith.constant 0 : i32
        %dma_wait3A_75 = tpu.memref_slice %arg4[%run_scoped3A_66, %dma_wait3A] : memref<8x128xi32, #tpu.memory_space<vmem>> -> memref<1x128xi32, #tpu.memory_space<vmem>>
        %dma_wait3A_76 = tpu.memref_squeeze %dma_wait3A_75 : memref<1x128xi32, #tpu.memory_space<vmem>> -> memref<128xi32, #tpu.memory_space<vmem>>
        %dma_wait3A_77 = arith.constant 0 : i32
        %dma_wait3A_78 = tpu.memref_slice %arg7[%dma_wait3A_77] : memref<51200xf32, #tpu.memory_space<vmem_shared>> -> memref<51200xf32, #tpu.memory_space<vmem_shared>>
        tpu.wait_indirect_dma semaphore(%run_scoped3A_70 : memref<!tpu.dma_semaphore, #tpu.memory_space<semaphore_mem>>) src(%arg5 : memref<128xf32, #tpu.memory_space<vmem>>) dst(%dma_wait3A_78 : memref<51200xf32, #tpu.memory_space<vmem_shared>>)
        tpu.yield
      }) : () -> ()
      %run_scoped3A_67 = arith.constant 6 : i32
      "tpu.region"() ({
        %run_scoped3A_70 = tpu.sem_alloc : memref<!tpu.dma_semaphore, #tpu.memory_space<semaphore_mem>>
        %dma_start3A = arith.constant 0 : i32
        %dma_start3A_71 = tpu.memref_slice %arg4[%run_scoped3A_67, %dma_start3A] : memref<8x128xi32, #tpu.memory_space<vmem>> -> memref<1x128xi32, #tpu.memory_space<vmem>>
        %dma_start3A_72 = tpu.memref_squeeze %dma_start3A_71 : memref<1x128xi32, #tpu.memory_space<vmem>> -> memref<128xi32, #tpu.memory_space<vmem>>
        %dma_start3A_73 = arith.constant 0 : i32
        %dma_start3A_74 = tpu.memref_slice %arg7[%dma_start3A_73] : memref<51200xf32, #tpu.memory_space<vmem_shared>> -> memref<51200xf32, #tpu.memory_space<vmem_shared>>
        tpu.enqueue_indirect_dma source(%arg5 : memref<128xf32, #tpu.memory_space<vmem>>) target(%dma_start3A_74 : memref<51200xf32, #tpu.memory_space<vmem_shared>>) offsets(%dma_start3A_72 : memref<128xi32, #tpu.memory_space<vmem>>) semaphore(%run_scoped3A_70 : memref<!tpu.dma_semaphore, #tpu.memory_space<semaphore_mem>>) {add = true}
        %dma_wait3A = arith.constant 0 : i32
        %dma_wait3A_75 = tpu.memref_slice %arg4[%run_scoped3A_67, %dma_wait3A] : memref<8x128xi32, #tpu.memory_space<vmem>> -> memref<1x128xi32, #tpu.memory_space<vmem>>
        %dma_wait3A_76 = tpu.memref_squeeze %dma_wait3A_75 : memref<1x128xi32, #tpu.memory_space<vmem>> -> memref<128xi32, #tpu.memory_space<vmem>>
        %dma_wait3A_77 = arith.constant 0 : i32
        %dma_wait3A_78 = tpu.memref_slice %arg7[%dma_wait3A_77] : memref<51200xf32, #tpu.memory_space<vmem_shared>> -> memref<51200xf32, #tpu.memory_space<vmem_shared>>
        tpu.wait_indirect_dma semaphore(%run_scoped3A_70 : memref<!tpu.dma_semaphore, #tpu.memory_space<semaphore_mem>>) src(%arg5 : memref<128xf32, #tpu.memory_space<vmem>>) dst(%dma_wait3A_78 : memref<51200xf32, #tpu.memory_space<vmem_shared>>)
        tpu.yield
      }) : () -> ()
      %run_scoped3A_68 = arith.constant 7 : i32
      "tpu.region"() ({
        %run_scoped3A_70 = tpu.sem_alloc : memref<!tpu.dma_semaphore, #tpu.memory_space<semaphore_mem>>
        %dma_start3A = arith.constant 0 : i32
        %dma_start3A_71 = tpu.memref_slice %arg4[%run_scoped3A_68, %dma_start3A] : memref<8x128xi32, #tpu.memory_space<vmem>> -> memref<1x128xi32, #tpu.memory_space<vmem>>
        %dma_start3A_72 = tpu.memref_squeeze %dma_start3A_71 : memref<1x128xi32, #tpu.memory_space<vmem>> -> memref<128xi32, #tpu.memory_space<vmem>>
        %dma_start3A_73 = arith.constant 0 : i32
        %dma_start3A_74 = tpu.memref_slice %arg7[%dma_start3A_73] : memref<51200xf32, #tpu.memory_space<vmem_shared>> -> memref<51200xf32, #tpu.memory_space<vmem_shared>>
        tpu.enqueue_indirect_dma source(%arg5 : memref<128xf32, #tpu.memory_space<vmem>>) target(%dma_start3A_74 : memref<51200xf32, #tpu.memory_space<vmem_shared>>) offsets(%dma_start3A_72 : memref<128xi32, #tpu.memory_space<vmem>>) semaphore(%run_scoped3A_70 : memref<!tpu.dma_semaphore, #tpu.memory_space<semaphore_mem>>) {add = true}
        %dma_wait3A = arith.constant 0 : i32
        %dma_wait3A_75 = tpu.memref_slice %arg4[%run_scoped3A_68, %dma_wait3A] : memref<8x128xi32, #tpu.memory_space<vmem>> -> memref<1x128xi32, #tpu.memory_space<vmem>>
        %dma_wait3A_76 = tpu.memref_squeeze %dma_wait3A_75 : memref<1x128xi32, #tpu.memory_space<vmem>> -> memref<128xi32, #tpu.memory_space<vmem>>
        %dma_wait3A_77 = arith.constant 0 : i32
        %dma_wait3A_78 = tpu.memref_slice %arg7[%dma_wait3A_77] : memref<51200xf32, #tpu.memory_space<vmem_shared>> -> memref<51200xf32, #tpu.memory_space<vmem_shared>>
        tpu.wait_indirect_dma semaphore(%run_scoped3A_70 : memref<!tpu.dma_semaphore, #tpu.memory_space<semaphore_mem>>) src(%arg5 : memref<128xf32, #tpu.memory_space<vmem>>) dst(%dma_wait3A_78 : memref<51200xf32, #tpu.memory_space<vmem_shared>>)
        tpu.yield
      }) : () -> ()
      %scan3A_69 = arith.constant 0 : i32
      scf.yield %scan3A_69 : i32
    }
    %scan3A_51 = arith.constant 25 : i32
    %barrier3A_52 = arith.constant 0 : index
    tpu.barrier barrier_id(%barrier3A_52)
    %mul3A_53 = arith.constant 3200 : i32
    %mul3A_54 = arith.muli %arg1, %mul3A_53 : i32
    %mul3A_55 = arith.constant 3200 : i32
    %mul3A_56 = arith.muli %arg1, %mul3A_55 : i32
    "tpu.region"() ({
      %run_scoped3A = tpu.sem_alloc : memref<!tpu.dma_semaphore, #tpu.memory_space<semaphore_mem>>
      %dma_start3A = tpu.memref_slice %arg3[%arg0, %mul3A_56] : memref<2x51200xf32, #tpu.memory_space<hbm>> -> memref<1x3200xf32, #tpu.memory_space<hbm>>
      %dma_start3A_57 = tpu.memref_squeeze %dma_start3A : memref<1x3200xf32, #tpu.memory_space<hbm>> -> memref<3200xf32, #tpu.memory_space<hbm>>
      %dma_start3A_58 = tpu.memref_slice %arg7[%mul3A_54] : memref<51200xf32, #tpu.memory_space<vmem_shared>> -> memref<3200xf32, #tpu.memory_space<vmem_shared>>
      tpu.enqueue_dma source(%dma_start3A_58 : memref<3200xf32, #tpu.memory_space<vmem_shared>>) target(%dma_start3A_57 : memref<3200xf32, #tpu.memory_space<hbm>>) target_semaphore(%run_scoped3A : memref<!tpu.dma_semaphore, #tpu.memory_space<semaphore_mem>>)
      %dma_wait3A = tpu.memref_slice %arg3[%arg0, %mul3A_56] : memref<2x51200xf32, #tpu.memory_space<hbm>> -> memref<1x3200xf32, #tpu.memory_space<hbm>>
      %dma_wait3A_59 = tpu.memref_squeeze %dma_wait3A : memref<1x3200xf32, #tpu.memory_space<hbm>> -> memref<3200xf32, #tpu.memory_space<hbm>>
      %dma_wait3A_60 = tpu.memref_slice %arg7[%mul3A_54] : memref<51200xf32, #tpu.memory_space<vmem_shared>> -> memref<3200xf32, #tpu.memory_space<vmem_shared>>
      tpu.wait_dma2 semaphore(%run_scoped3A : memref<!tpu.dma_semaphore, #tpu.memory_space<semaphore_mem>>) src(%dma_wait3A_60 : memref<3200xf32, #tpu.memory_space<vmem_shared>>) dst(%dma_wait3A_59 : memref<3200xf32, #tpu.memory_space<hbm>>)
      tpu.yield
    }) : () -> ()
    return
  }
}

#map = affine_map<(d0, d1) -> (0, 0)>
#map1 = affine_map<(d0, d1) -> (0, 0, 0)>
module attributes {stable_mosaic.version = 14 : i64} {
  func.func @k(%arg0: i32, %arg1: i32, %arg2: memref<102400x32xf32, #tpu.memory_space<hbm>>, %arg3: memref<2x6400x128xi32, #tpu.memory_space<hbm>>, %arg4: memref<6400x128xi32, #tpu.memory_space<hbm>>, %arg5: memref<2x51200x32xf32, #tpu.memory_space<hbm>>, %arg6: memref<8x128xi32, #tpu.memory_space<vmem>>, %arg7: memref<8x128xi32, #tpu.memory_space<vmem>>, %arg8: memref<128x32xf32, #tpu.memory_space<vmem>>, %arg9: memref<128x32xf32, #tpu.memory_space<vmem>>, %arg10: memref<51200x32xf32, #tpu.memory_space<vmem_shared>>, %arg11: memref<!tpu.dma_semaphore, #tpu.memory_space<semaphore_mem>>) attributes {dimension_semantics = [#tpu.dimension_semantics<core_parallel>, #tpu.dimension_semantics<subcore_parallel>], iteration_bounds = array<i64: 2, 16>, scalar_prefetch = 0 : i64, scratch_operands = 6 : i64, tpu.core_type = #tpu.core_type<sc_vector_subcore>, window_params = [{transform_indices = #map}, {transform_indices = #map1}, {transform_indices = #map}, {transform_indices = #map1}]} {
    %broadcast_in_dim3A = arith.constant 0.000000e+00 : f32
    %broadcast_in_dim3A_0 = vector.broadcast %broadcast_in_dim3A : f32 to vector<16xf32>
    %scan3A = arith.constant 0 : i32
    %scan3A_1 = arith.constant 0 : i32
    %scan3A_2 = arith.constant 128 : i32
    %scan3A_3 = arith.addi %scan3A_1, %scan3A_2 : i32
    %scan3A_4 = arith.constant 1 : i32
    %scan3A_5 = scf.for %scan3A_25 = %scan3A_1 to %scan3A_3 step %scan3A_4 iter_args(%scan3A_26 = %scan3A) -> (i32)  : i32 {
      %swap3A = arith.index_cast %scan3A_25 : i32 to index
      %swap3A_27 = arith.constant 0 : index
      %swap3A_28 = tpu.vector_load %arg9[%swap3A, %swap3A_27] {strides = array<i32>} : memref<128x32xf32, #tpu.memory_space<vmem>>, vector<1x16xf32>,
      %swap3A_29 = vector.shape_cast %swap3A_28 : vector<1x16xf32> to vector<16xf32>
      %swap3A_30 = vector.shape_cast %broadcast_in_dim3A_0 : vector<16xf32> to vector<1x16xf32>
      tpu.vector_store %arg9[%swap3A, %swap3A_27], %swap3A_30 {strides = array<i32>} : memref<128x32xf32, #tpu.memory_space<vmem>>, vector<1x16xf32>,
      %swap3A_31 = arith.index_cast %scan3A_25 : i32 to index
      %swap3A_32 = arith.constant 16 : index
      %swap3A_33 = tpu.vector_load %arg9[%swap3A_31, %swap3A_32] {strides = array<i32>} : memref<128x32xf32, #tpu.memory_space<vmem>>, vector<1x16xf32>,
      %swap3A_34 = vector.shape_cast %swap3A_33 : vector<1x16xf32> to vector<16xf32>
      %swap3A_35 = vector.shape_cast %broadcast_in_dim3A_0 : vector<16xf32> to vector<1x16xf32>
      tpu.vector_store %arg9[%swap3A_31, %swap3A_32], %swap3A_35 {strides = array<i32>} : memref<128x32xf32, #tpu.memory_space<vmem>>, vector<1x16xf32>,
      %scan3A_36 = arith.constant 0 : i32
      scf.yield %scan3A_36 : i32
    }
    %scan3A_6 = arith.constant 128 : i32
    %scan3A_7 = arith.constant 0 : i32
    %scan3A_8 = arith.constant 0 : i32
    %scan3A_9 = arith.constant 25 : i32
    %scan3A_10 = arith.addi %scan3A_8, %scan3A_9 : i32
    %scan3A_11 = arith.constant 1 : i32
    %scan3A_12 = scf.for %scan3A_25 = %scan3A_8 to %scan3A_10 step %scan3A_11 iter_args(%scan3A_26 = %scan3A_7) -> (i32)  : i32 {
      %mul3A_27 = arith.constant 3200 : i32
      %mul3A_28 = arith.muli %arg1, %mul3A_27 : i32
      %mul3A_29 = arith.constant 128 : i32
      %mul3A_30 = arith.muli %scan3A_25, %mul3A_29 : i32
      %add3A = arith.addi %mul3A_28, %mul3A_30 : i32
      "tpu.region"() ({
        %run_scoped3A = tpu.sem_alloc : memref<!tpu.dma_semaphore, #tpu.memory_space<semaphore_mem>>
        %dma_start3A = arith.constant 0 : i32
        %dma_start3A_32 = tpu.memref_slice %arg10[%add3A, %dma_start3A] : memref<51200x32xf32, #tpu.memory_space<vmem_shared>> -> memref<128x32xf32, #tpu.memory_space<vmem_shared>>
        %dma_start3A_33 = arith.constant 0 : i32
        %dma_start3A_34 = tpu.memref_slice %arg10[%add3A, %dma_start3A_33] : memref<51200x32xf32, #tpu.memory_space<vmem_shared>> -> memref<128x32xf32, #tpu.memory_space<vmem_shared>>
        tpu.enqueue_dma source(%arg9 : memref<128x32xf32, #tpu.memory_space<vmem>>) target(%dma_start3A_34 : memref<128x32xf32, #tpu.memory_space<vmem_shared>>) target_semaphore(%run_scoped3A : memref<!tpu.dma_semaphore, #tpu.memory_space<semaphore_mem>>)
        %dma_wait3A = arith.constant 0 : i32
        %dma_wait3A_35 = tpu.memref_slice %arg10[%add3A, %dma_wait3A] : memref<51200x32xf32, #tpu.memory_space<vmem_shared>> -> memref<128x32xf32, #tpu.memory_space<vmem_shared>>
        %dma_wait3A_36 = arith.constant 0 : i32
        %dma_wait3A_37 = tpu.memref_slice %arg10[%add3A, %dma_wait3A_36] : memref<51200x32xf32, #tpu.memory_space<vmem_shared>> -> memref<128x32xf32, #tpu.memory_space<vmem_shared>>
        tpu.wait_dma2 semaphore(%run_scoped3A : memref<!tpu.dma_semaphore, #tpu.memory_space<semaphore_mem>>) src(%arg9 : memref<128x32xf32, #tpu.memory_space<vmem>>) dst(%dma_wait3A_37 : memref<128x32xf32, #tpu.memory_space<vmem_shared>>)
        tpu.yield
      }) : () -> ()
      %scan3A_31 = arith.constant 0 : i32
      scf.yield %scan3A_31 : i32
    }
    %scan3A_13 = arith.constant 25 : i32
    %barrier3A = arith.constant 0 : index
    tpu.barrier barrier_id(%barrier3A)
    %scan3A_14 = arith.constant 0 : i32
    %scan3A_15 = arith.constant 0 : i32
    %scan3A_16 = arith.constant 50 : i32
    %scan3A_17 = arith.addi %scan3A_15, %scan3A_16 : i32
    %scan3A_18 = arith.constant 1 : i32
    %scan3A_19 = scf.for %scan3A_25 = %scan3A_15 to %scan3A_17 step %scan3A_18 iter_args(%scan3A_26 = %scan3A_14) -> (i32)  : i32 {
      %mul3A_27 = arith.constant 400 : i32
      %mul3A_28 = arith.muli %arg1, %mul3A_27 : i32
      %mul3A_29 = arith.constant 8 : i32
      %mul3A_30 = arith.muli %scan3A_25, %mul3A_29 : i32
      %add3A = arith.addi %mul3A_28, %mul3A_30 : i32
      "tpu.region"() ({
        %run_scoped3A_149 = tpu.sem_alloc : memref<!tpu.dma_semaphore, #tpu.memory_space<semaphore_mem>>
        %dma_start3A_150 = arith.constant 0 : i32
        %dma_start3A_151 = tpu.memref_slice %arg3[%arg0, %add3A, %dma_start3A_150] : memref<2x6400x128xi32, #tpu.memory_space<hbm>> -> memref<1x8x128xi32, #tpu.memory_space<hbm>>
        %dma_start3A_152 = tpu.memref_squeeze %dma_start3A_151 : memref<1x8x128xi32, #tpu.memory_space<hbm>> -> memref<8x128xi32, #tpu.memory_space<hbm>>
        %dma_start3A_153 = arith.constant 0 : i32
        %dma_start3A_154 = tpu.memref_slice %arg3[%arg0, %add3A, %dma_start3A_153] : memref<2x6400x128xi32, #tpu.memory_space<hbm>> -> memref<1x8x128xi32, #tpu.memory_space<hbm>>
        %dma_start3A_155 = tpu.memref_squeeze %dma_start3A_154 : memref<1x8x128xi32, #tpu.memory_space<hbm>> -> memref<8x128xi32, #tpu.memory_space<hbm>>
        tpu.enqueue_dma source(%dma_start3A_155 : memref<8x128xi32, #tpu.memory_space<hbm>>) target(%arg6 : memref<8x128xi32, #tpu.memory_space<vmem>>) target_semaphore(%run_scoped3A_149 : memref<!tpu.dma_semaphore, #tpu.memory_space<semaphore_mem>>)
        %dma_wait3A_156 = arith.constant 0 : i32
        %dma_wait3A_157 = tpu.memref_slice %arg3[%arg0, %add3A, %dma_wait3A_156] : memref<2x6400x128xi32, #tpu.memory_space<hbm>> -> memref<1x8x128xi32, #tpu.memory_space<hbm>>
        %dma_wait3A_158 = tpu.memref_squeeze %dma_wait3A_157 : memref<1x8x128xi32, #tpu.memory_space<hbm>> -> memref<8x128xi32, #tpu.memory_space<hbm>>
        %dma_wait3A_159 = arith.constant 0 : i32
        %dma_wait3A_160 = tpu.memref_slice %arg3[%arg0, %add3A, %dma_wait3A_159] : memref<2x6400x128xi32, #tpu.memory_space<hbm>> -> memref<1x8x128xi32, #tpu.memory_space<hbm>>
        %dma_wait3A_161 = tpu.memref_squeeze %dma_wait3A_160 : memref<1x8x128xi32, #tpu.memory_space<hbm>> -> memref<8x128xi32, #tpu.memory_space<hbm>>
        tpu.wait_dma2 semaphore(%run_scoped3A_149 : memref<!tpu.dma_semaphore, #tpu.memory_space<semaphore_mem>>) src(%dma_wait3A_161 : memref<8x128xi32, #tpu.memory_space<hbm>>) dst(%arg6 : memref<8x128xi32, #tpu.memory_space<vmem>>)
        tpu.yield
      }) : () -> ()
      "tpu.region"() ({
        %run_scoped3A_149 = tpu.sem_alloc : memref<!tpu.dma_semaphore, #tpu.memory_space<semaphore_mem>>
        %dma_start3A_150 = arith.constant 0 : i32
        %dma_start3A_151 = tpu.memref_slice %arg4[%add3A, %dma_start3A_150] : memref<6400x128xi32, #tpu.memory_space<hbm>> -> memref<8x128xi32, #tpu.memory_space<hbm>>
        %dma_start3A_152 = arith.constant 0 : i32
        %dma_start3A_153 = tpu.memref_slice %arg4[%add3A, %dma_start3A_152] : memref<6400x128xi32, #tpu.memory_space<hbm>> -> memref<8x128xi32, #tpu.memory_space<hbm>>
        tpu.enqueue_dma source(%dma_start3A_153 : memref<8x128xi32, #tpu.memory_space<hbm>>) target(%arg7 : memref<8x128xi32, #tpu.memory_space<vmem>>) target_semaphore(%run_scoped3A_149 : memref<!tpu.dma_semaphore, #tpu.memory_space<semaphore_mem>>)
        %dma_wait3A_154 = arith.constant 0 : i32
        %dma_wait3A_155 = tpu.memref_slice %arg4[%add3A, %dma_wait3A_154] : memref<6400x128xi32, #tpu.memory_space<hbm>> -> memref<8x128xi32, #tpu.memory_space<hbm>>
        %dma_wait3A_156 = arith.constant 0 : i32
        %dma_wait3A_157 = tpu.memref_slice %arg4[%add3A, %dma_wait3A_156] : memref<6400x128xi32, #tpu.memory_space<hbm>> -> memref<8x128xi32, #tpu.memory_space<hbm>>
        tpu.wait_dma2 semaphore(%run_scoped3A_149 : memref<!tpu.dma_semaphore, #tpu.memory_space<semaphore_mem>>) src(%dma_wait3A_157 : memref<8x128xi32, #tpu.memory_space<hbm>>) dst(%arg7 : memref<8x128xi32, #tpu.memory_space<vmem>>)
        tpu.yield
      }) : () -> ()
      %dma_start3A = arith.constant 0 : i32
      %dma_start3A_31 = arith.constant 0 : i32
      %dma_start3A_32 = tpu.memref_slice %arg6[%dma_start3A, %dma_start3A_31] : memref<8x128xi32, #tpu.memory_space<vmem>> -> memref<1x128xi32, #tpu.memory_space<vmem>>
      %dma_start3A_33 = tpu.memref_squeeze %dma_start3A_32 : memref<1x128xi32, #tpu.memory_space<vmem>> -> memref<128xi32, #tpu.memory_space<vmem>>
      %dma_start3A_34 = arith.constant 0 : i32
      %dma_start3A_35 = arith.constant 0 : i32
      %dma_start3A_36 = tpu.memref_slice %arg2[%dma_start3A_34, %dma_start3A_35] : memref<102400x32xf32, #tpu.memory_space<hbm>> -> memref<102400x32xf32, #tpu.memory_space<hbm>>
      tpu.enqueue_indirect_dma source(%dma_start3A_36 : memref<102400x32xf32, #tpu.memory_space<hbm>>) target(%arg8 : memref<128x32xf32, #tpu.memory_space<vmem>>) offsets(%dma_start3A_33 : memref<128xi32, #tpu.memory_space<vmem>>) semaphore(%arg11 : memref<!tpu.dma_semaphore, #tpu.memory_space<semaphore_mem>>)
      %dma_wait3A = arith.constant 0 : i32
      %dma_wait3A_37 = arith.constant 0 : i32
      %dma_wait3A_38 = tpu.memref_slice %arg6[%dma_wait3A, %dma_wait3A_37] : memref<8x128xi32, #tpu.memory_space<vmem>> -> memref<1x128xi32, #tpu.memory_space<vmem>>
      %dma_wait3A_39 = tpu.memref_squeeze %dma_wait3A_38 : memref<1x128xi32, #tpu.memory_space<vmem>> -> memref<128xi32, #tpu.memory_space<vmem>>
      %dma_wait3A_40 = arith.constant 0 : i32
      %dma_wait3A_41 = arith.constant 0 : i32
      %dma_wait3A_42 = tpu.memref_slice %arg2[%dma_wait3A_40, %dma_wait3A_41] : memref<102400x32xf32, #tpu.memory_space<hbm>> -> memref<102400x32xf32, #tpu.memory_space<hbm>>
      tpu.wait_indirect_dma semaphore(%arg11 : memref<!tpu.dma_semaphore, #tpu.memory_space<semaphore_mem>>) src(%dma_wait3A_42 : memref<102400x32xf32, #tpu.memory_space<hbm>>) dst(%arg8 : memref<128x32xf32, #tpu.memory_space<vmem>>)
      %run_scoped3A = arith.constant 0 : i32
      "tpu.region"() ({
        %run_scoped3A_149 = tpu.sem_alloc : memref<!tpu.dma_semaphore, #tpu.memory_space<semaphore_mem>>
        %dma_start3A_150 = arith.constant 0 : i32
        %dma_start3A_151 = tpu.memref_slice %arg7[%run_scoped3A, %dma_start3A_150] : memref<8x128xi32, #tpu.memory_space<vmem>> -> memref<1x128xi32, #tpu.memory_space<vmem>>
        %dma_start3A_152 = tpu.memref_squeeze %dma_start3A_151 : memref<1x128xi32, #tpu.memory_space<vmem>> -> memref<128xi32, #tpu.memory_space<vmem>>
        %dma_start3A_153 = arith.constant 0 : i32
        %dma_start3A_154 = arith.constant 0 : i32
        %dma_start3A_155 = tpu.memref_slice %arg10[%dma_start3A_153, %dma_start3A_154] : memref<51200x32xf32, #tpu.memory_space<vmem_shared>> -> memref<51200x32xf32, #tpu.memory_space<vmem_shared>>
        tpu.enqueue_indirect_dma source(%arg8 : memref<128x32xf32, #tpu.memory_space<vmem>>) target(%dma_start3A_155 : memref<51200x32xf32, #tpu.memory_space<vmem_shared>>) offsets(%dma_start3A_152 : memref<128xi32, #tpu.memory_space<vmem>>) semaphore(%run_scoped3A_149 : memref<!tpu.dma_semaphore, #tpu.memory_space<semaphore_mem>>) {add = true}
        %dma_wait3A_156 = arith.constant 0 : i32
        %dma_wait3A_157 = tpu.memref_slice %arg7[%run_scoped3A, %dma_wait3A_156] : memref<8x128xi32, #tpu.memory_space<vmem>> -> memref<1x128xi32, #tpu.memory_space<vmem>>
        %dma_wait3A_158 = tpu.memref_squeeze %dma_wait3A_157 : memref<1x128xi32, #tpu.memory_space<vmem>> -> memref<128xi32, #tpu.memory_space<vmem>>
        %dma_wait3A_159 = arith.constant 0 : i32
        %dma_wait3A_160 = arith.constant 0 : i32
        %dma_wait3A_161 = tpu.memref_slice %arg10[%dma_wait3A_159, %dma_wait3A_160] : memref<51200x32xf32, #tpu.memory_space<vmem_shared>> -> memref<51200x32xf32, #tpu.memory_space<vmem_shared>>
        tpu.wait_indirect_dma semaphore(%run_scoped3A_149 : memref<!tpu.dma_semaphore, #tpu.memory_space<semaphore_mem>>) src(%arg8 : memref<128x32xf32, #tpu.memory_space<vmem>>) dst(%dma_wait3A_161 : memref<51200x32xf32, #tpu.memory_space<vmem_shared>>)
        tpu.yield
      }) : () -> ()
      %dma_start3A_43 = arith.constant 1 : i32
      %dma_start3A_44 = arith.constant 0 : i32
      %dma_start3A_45 = tpu.memref_slice %arg6[%dma_start3A_43, %dma_start3A_44] : memref<8x128xi32, #tpu.memory_space<vmem>> -> memref<1x128xi32, #tpu.memory_space<vmem>>
      %dma_start3A_46 = tpu.memref_squeeze %dma_start3A_45 : memref<1x128xi32, #tpu.memory_space<vmem>> -> memref<128xi32, #tpu.memory_space<vmem>>
      %dma_start3A_47 = arith.constant 0 : i32
      %dma_start3A_48 = arith.constant 0 : i32
      %dma_start3A_49 = tpu.memref_slice %arg2[%dma_start3A_47, %dma_start3A_48] : memref<102400x32xf32, #tpu.memory_space<hbm>> -> memref<102400x32xf32, #tpu.memory_space<hbm>>
      tpu.enqueue_indirect_dma source(%dma_start3A_49 : memref<102400x32xf32, #tpu.memory_space<hbm>>) target(%arg8 : memref<128x32xf32, #tpu.memory_space<vmem>>) offsets(%dma_start3A_46 : memref<128xi32, #tpu.memory_space<vmem>>) semaphore(%arg11 : memref<!tpu.dma_semaphore, #tpu.memory_space<semaphore_mem>>)
      %dma_wait3A_50 = arith.constant 1 : i32
      %dma_wait3A_51 = arith.constant 0 : i32
      %dma_wait3A_52 = tpu.memref_slice %arg6[%dma_wait3A_50, %dma_wait3A_51] : memref<8x128xi32, #tpu.memory_space<vmem>> -> memref<1x128xi32, #tpu.memory_space<vmem>>
      %dma_wait3A_53 = tpu.memref_squeeze %dma_wait3A_52 : memref<1x128xi32, #tpu.memory_space<vmem>> -> memref<128xi32, #tpu.memory_space<vmem>>
      %dma_wait3A_54 = arith.constant 0 : i32
      %dma_wait3A_55 = arith.constant 0 : i32
      %dma_wait3A_56 = tpu.memref_slice %arg2[%dma_wait3A_54, %dma_wait3A_55] : memref<102400x32xf32, #tpu.memory_space<hbm>> -> memref<102400x32xf32, #tpu.memory_space<hbm>>
      tpu.wait_indirect_dma semaphore(%arg11 : memref<!tpu.dma_semaphore, #tpu.memory_space<semaphore_mem>>) src(%dma_wait3A_56 : memref<102400x32xf32, #tpu.memory_space<hbm>>) dst(%arg8 : memref<128x32xf32, #tpu.memory_space<vmem>>)
      %run_scoped3A_57 = arith.constant 1 : i32
      "tpu.region"() ({
        %run_scoped3A_149 = tpu.sem_alloc : memref<!tpu.dma_semaphore, #tpu.memory_space<semaphore_mem>>
        %dma_start3A_150 = arith.constant 0 : i32
        %dma_start3A_151 = tpu.memref_slice %arg7[%run_scoped3A_57, %dma_start3A_150] : memref<8x128xi32, #tpu.memory_space<vmem>> -> memref<1x128xi32, #tpu.memory_space<vmem>>
        %dma_start3A_152 = tpu.memref_squeeze %dma_start3A_151 : memref<1x128xi32, #tpu.memory_space<vmem>> -> memref<128xi32, #tpu.memory_space<vmem>>
        %dma_start3A_153 = arith.constant 0 : i32
        %dma_start3A_154 = arith.constant 0 : i32
        %dma_start3A_155 = tpu.memref_slice %arg10[%dma_start3A_153, %dma_start3A_154] : memref<51200x32xf32, #tpu.memory_space<vmem_shared>> -> memref<51200x32xf32, #tpu.memory_space<vmem_shared>>
        tpu.enqueue_indirect_dma source(%arg8 : memref<128x32xf32, #tpu.memory_space<vmem>>) target(%dma_start3A_155 : memref<51200x32xf32, #tpu.memory_space<vmem_shared>>) offsets(%dma_start3A_152 : memref<128xi32, #tpu.memory_space<vmem>>) semaphore(%run_scoped3A_149 : memref<!tpu.dma_semaphore, #tpu.memory_space<semaphore_mem>>) {add = true}
        %dma_wait3A_156 = arith.constant 0 : i32
        %dma_wait3A_157 = tpu.memref_slice %arg7[%run_scoped3A_57, %dma_wait3A_156] : memref<8x128xi32, #tpu.memory_space<vmem>> -> memref<1x128xi32, #tpu.memory_space<vmem>>
        %dma_wait3A_158 = tpu.memref_squeeze %dma_wait3A_157 : memref<1x128xi32, #tpu.memory_space<vmem>> -> memref<128xi32, #tpu.memory_space<vmem>>
        %dma_wait3A_159 = arith.constant 0 : i32
        %dma_wait3A_160 = arith.constant 0 : i32
        %dma_wait3A_161 = tpu.memref_slice %arg10[%dma_wait3A_159, %dma_wait3A_160] : memref<51200x32xf32, #tpu.memory_space<vmem_shared>> -> memref<51200x32xf32, #tpu.memory_space<vmem_shared>>
        tpu.wait_indirect_dma semaphore(%run_scoped3A_149 : memref<!tpu.dma_semaphore, #tpu.memory_space<semaphore_mem>>) src(%arg8 : memref<128x32xf32, #tpu.memory_space<vmem>>) dst(%dma_wait3A_161 : memref<51200x32xf32, #tpu.memory_space<vmem_shared>>)
        tpu.yield
      }) : () -> ()
      %dma_start3A_58 = arith.constant 2 : i32
      %dma_start3A_59 = arith.constant 0 : i32
      %dma_start3A_60 = tpu.memref_slice %arg6[%dma_start3A_58, %dma_start3A_59] : memref<8x128xi32, #tpu.memory_space<vmem>> -> memref<1x128xi32, #tpu.memory_space<vmem>>
      %dma_start3A_61 = tpu.memref_squeeze %dma_start3A_60 : memref<1x128xi32, #tpu.memory_space<vmem>> -> memref<128xi32, #tpu.memory_space<vmem>>
      %dma_start3A_62 = arith.constant 0 : i32
      %dma_start3A_63 = arith.constant 0 : i32
      %dma_start3A_64 = tpu.memref_slice %arg2[%dma_start3A_62, %dma_start3A_63] : memref<102400x32xf32, #tpu.memory_space<hbm>> -> memref<102400x32xf32, #tpu.memory_space<hbm>>
      tpu.enqueue_indirect_dma source(%dma_start3A_64 : memref<102400x32xf32, #tpu.memory_space<hbm>>) target(%arg8 : memref<128x32xf32, #tpu.memory_space<vmem>>) offsets(%dma_start3A_61 : memref<128xi32, #tpu.memory_space<vmem>>) semaphore(%arg11 : memref<!tpu.dma_semaphore, #tpu.memory_space<semaphore_mem>>)
      %dma_wait3A_65 = arith.constant 2 : i32
      %dma_wait3A_66 = arith.constant 0 : i32
      %dma_wait3A_67 = tpu.memref_slice %arg6[%dma_wait3A_65, %dma_wait3A_66] : memref<8x128xi32, #tpu.memory_space<vmem>> -> memref<1x128xi32, #tpu.memory_space<vmem>>
      %dma_wait3A_68 = tpu.memref_squeeze %dma_wait3A_67 : memref<1x128xi32, #tpu.memory_space<vmem>> -> memref<128xi32, #tpu.memory_space<vmem>>
      %dma_wait3A_69 = arith.constant 0 : i32
      %dma_wait3A_70 = arith.constant 0 : i32
      %dma_wait3A_71 = tpu.memref_slice %arg2[%dma_wait3A_69, %dma_wait3A_70] : memref<102400x32xf32, #tpu.memory_space<hbm>> -> memref<102400x32xf32, #tpu.memory_space<hbm>>
      tpu.wait_indirect_dma semaphore(%arg11 : memref<!tpu.dma_semaphore, #tpu.memory_space<semaphore_mem>>) src(%dma_wait3A_71 : memref<102400x32xf32, #tpu.memory_space<hbm>>) dst(%arg8 : memref<128x32xf32, #tpu.memory_space<vmem>>)
      %run_scoped3A_72 = arith.constant 2 : i32
      "tpu.region"() ({
        %run_scoped3A_149 = tpu.sem_alloc : memref<!tpu.dma_semaphore, #tpu.memory_space<semaphore_mem>>
        %dma_start3A_150 = arith.constant 0 : i32
        %dma_start3A_151 = tpu.memref_slice %arg7[%run_scoped3A_72, %dma_start3A_150] : memref<8x128xi32, #tpu.memory_space<vmem>> -> memref<1x128xi32, #tpu.memory_space<vmem>>
        %dma_start3A_152 = tpu.memref_squeeze %dma_start3A_151 : memref<1x128xi32, #tpu.memory_space<vmem>> -> memref<128xi32, #tpu.memory_space<vmem>>
        %dma_start3A_153 = arith.constant 0 : i32
        %dma_start3A_154 = arith.constant 0 : i32
        %dma_start3A_155 = tpu.memref_slice %arg10[%dma_start3A_153, %dma_start3A_154] : memref<51200x32xf32, #tpu.memory_space<vmem_shared>> -> memref<51200x32xf32, #tpu.memory_space<vmem_shared>>
        tpu.enqueue_indirect_dma source(%arg8 : memref<128x32xf32, #tpu.memory_space<vmem>>) target(%dma_start3A_155 : memref<51200x32xf32, #tpu.memory_space<vmem_shared>>) offsets(%dma_start3A_152 : memref<128xi32, #tpu.memory_space<vmem>>) semaphore(%run_scoped3A_149 : memref<!tpu.dma_semaphore, #tpu.memory_space<semaphore_mem>>) {add = true}
        %dma_wait3A_156 = arith.constant 0 : i32
        %dma_wait3A_157 = tpu.memref_slice %arg7[%run_scoped3A_72, %dma_wait3A_156] : memref<8x128xi32, #tpu.memory_space<vmem>> -> memref<1x128xi32, #tpu.memory_space<vmem>>
        %dma_wait3A_158 = tpu.memref_squeeze %dma_wait3A_157 : memref<1x128xi32, #tpu.memory_space<vmem>> -> memref<128xi32, #tpu.memory_space<vmem>>
        %dma_wait3A_159 = arith.constant 0 : i32
        %dma_wait3A_160 = arith.constant 0 : i32
        %dma_wait3A_161 = tpu.memref_slice %arg10[%dma_wait3A_159, %dma_wait3A_160] : memref<51200x32xf32, #tpu.memory_space<vmem_shared>> -> memref<51200x32xf32, #tpu.memory_space<vmem_shared>>
        tpu.wait_indirect_dma semaphore(%run_scoped3A_149 : memref<!tpu.dma_semaphore, #tpu.memory_space<semaphore_mem>>) src(%arg8 : memref<128x32xf32, #tpu.memory_space<vmem>>) dst(%dma_wait3A_161 : memref<51200x32xf32, #tpu.memory_space<vmem_shared>>)
        tpu.yield
      }) : () -> ()
      %dma_start3A_73 = arith.constant 3 : i32
      %dma_start3A_74 = arith.constant 0 : i32
      %dma_start3A_75 = tpu.memref_slice %arg6[%dma_start3A_73, %dma_start3A_74] : memref<8x128xi32, #tpu.memory_space<vmem>> -> memref<1x128xi32, #tpu.memory_space<vmem>>
      %dma_start3A_76 = tpu.memref_squeeze %dma_start3A_75 : memref<1x128xi32, #tpu.memory_space<vmem>> -> memref<128xi32, #tpu.memory_space<vmem>>
      %dma_start3A_77 = arith.constant 0 : i32
      %dma_start3A_78 = arith.constant 0 : i32
      %dma_start3A_79 = tpu.memref_slice %arg2[%dma_start3A_77, %dma_start3A_78] : memref<102400x32xf32, #tpu.memory_space<hbm>> -> memref<102400x32xf32, #tpu.memory_space<hbm>>
      tpu.enqueue_indirect_dma source(%dma_start3A_79 : memref<102400x32xf32, #tpu.memory_space<hbm>>) target(%arg8 : memref<128x32xf32, #tpu.memory_space<vmem>>) offsets(%dma_start3A_76 : memref<128xi32, #tpu.memory_space<vmem>>) semaphore(%arg11 : memref<!tpu.dma_semaphore, #tpu.memory_space<semaphore_mem>>)
      %dma_wait3A_80 = arith.constant 3 : i32
      %dma_wait3A_81 = arith.constant 0 : i32
      %dma_wait3A_82 = tpu.memref_slice %arg6[%dma_wait3A_80, %dma_wait3A_81] : memref<8x128xi32, #tpu.memory_space<vmem>> -> memref<1x128xi32, #tpu.memory_space<vmem>>
      %dma_wait3A_83 = tpu.memref_squeeze %dma_wait3A_82 : memref<1x128xi32, #tpu.memory_space<vmem>> -> memref<128xi32, #tpu.memory_space<vmem>>
      %dma_wait3A_84 = arith.constant 0 : i32
      %dma_wait3A_85 = arith.constant 0 : i32
      %dma_wait3A_86 = tpu.memref_slice %arg2[%dma_wait3A_84, %dma_wait3A_85] : memref<102400x32xf32, #tpu.memory_space<hbm>> -> memref<102400x32xf32, #tpu.memory_space<hbm>>
      tpu.wait_indirect_dma semaphore(%arg11 : memref<!tpu.dma_semaphore, #tpu.memory_space<semaphore_mem>>) src(%dma_wait3A_86 : memref<102400x32xf32, #tpu.memory_space<hbm>>) dst(%arg8 : memref<128x32xf32, #tpu.memory_space<vmem>>)
      %run_scoped3A_87 = arith.constant 3 : i32
      "tpu.region"() ({
        %run_scoped3A_149 = tpu.sem_alloc : memref<!tpu.dma_semaphore, #tpu.memory_space<semaphore_mem>>
        %dma_start3A_150 = arith.constant 0 : i32
        %dma_start3A_151 = tpu.memref_slice %arg7[%run_scoped3A_87, %dma_start3A_150] : memref<8x128xi32, #tpu.memory_space<vmem>> -> memref<1x128xi32, #tpu.memory_space<vmem>>
        %dma_start3A_152 = tpu.memref_squeeze %dma_start3A_151 : memref<1x128xi32, #tpu.memory_space<vmem>> -> memref<128xi32, #tpu.memory_space<vmem>>
        %dma_start3A_153 = arith.constant 0 : i32
        %dma_start3A_154 = arith.constant 0 : i32
        %dma_start3A_155 = tpu.memref_slice %arg10[%dma_start3A_153, %dma_start3A_154] : memref<51200x32xf32, #tpu.memory_space<vmem_shared>> -> memref<51200x32xf32, #tpu.memory_space<vmem_shared>>
        tpu.enqueue_indirect_dma source(%arg8 : memref<128x32xf32, #tpu.memory_space<vmem>>) target(%dma_start3A_155 : memref<51200x32xf32, #tpu.memory_space<vmem_shared>>) offsets(%dma_start3A_152 : memref<128xi32, #tpu.memory_space<vmem>>) semaphore(%run_scoped3A_149 : memref<!tpu.dma_semaphore, #tpu.memory_space<semaphore_mem>>) {add = true}
        %dma_wait3A_156 = arith.constant 0 : i32
        %dma_wait3A_157 = tpu.memref_slice %arg7[%run_scoped3A_87, %dma_wait3A_156] : memref<8x128xi32, #tpu.memory_space<vmem>> -> memref<1x128xi32, #tpu.memory_space<vmem>>
        %dma_wait3A_158 = tpu.memref_squeeze %dma_wait3A_157 : memref<1x128xi32, #tpu.memory_space<vmem>> -> memref<128xi32, #tpu.memory_space<vmem>>
        %dma_wait3A_159 = arith.constant 0 : i32
        %dma_wait3A_160 = arith.constant 0 : i32
        %dma_wait3A_161 = tpu.memref_slice %arg10[%dma_wait3A_159, %dma_wait3A_160] : memref<51200x32xf32, #tpu.memory_space<vmem_shared>> -> memref<51200x32xf32, #tpu.memory_space<vmem_shared>>
        tpu.wait_indirect_dma semaphore(%run_scoped3A_149 : memref<!tpu.dma_semaphore, #tpu.memory_space<semaphore_mem>>) src(%arg8 : memref<128x32xf32, #tpu.memory_space<vmem>>) dst(%dma_wait3A_161 : memref<51200x32xf32, #tpu.memory_space<vmem_shared>>)
        tpu.yield
      }) : () -> ()
      %dma_start3A_88 = arith.constant 4 : i32
      %dma_start3A_89 = arith.constant 0 : i32
      %dma_start3A_90 = tpu.memref_slice %arg6[%dma_start3A_88, %dma_start3A_89] : memref<8x128xi32, #tpu.memory_space<vmem>> -> memref<1x128xi32, #tpu.memory_space<vmem>>
      %dma_start3A_91 = tpu.memref_squeeze %dma_start3A_90 : memref<1x128xi32, #tpu.memory_space<vmem>> -> memref<128xi32, #tpu.memory_space<vmem>>
      %dma_start3A_92 = arith.constant 0 : i32
      %dma_start3A_93 = arith.constant 0 : i32
      %dma_start3A_94 = tpu.memref_slice %arg2[%dma_start3A_92, %dma_start3A_93] : memref<102400x32xf32, #tpu.memory_space<hbm>> -> memref<102400x32xf32, #tpu.memory_space<hbm>>
      tpu.enqueue_indirect_dma source(%dma_start3A_94 : memref<102400x32xf32, #tpu.memory_space<hbm>>) target(%arg8 : memref<128x32xf32, #tpu.memory_space<vmem>>) offsets(%dma_start3A_91 : memref<128xi32, #tpu.memory_space<vmem>>) semaphore(%arg11 : memref<!tpu.dma_semaphore, #tpu.memory_space<semaphore_mem>>)
      %dma_wait3A_95 = arith.constant 4 : i32
      %dma_wait3A_96 = arith.constant 0 : i32
      %dma_wait3A_97 = tpu.memref_slice %arg6[%dma_wait3A_95, %dma_wait3A_96] : memref<8x128xi32, #tpu.memory_space<vmem>> -> memref<1x128xi32, #tpu.memory_space<vmem>>
      %dma_wait3A_98 = tpu.memref_squeeze %dma_wait3A_97 : memref<1x128xi32, #tpu.memory_space<vmem>> -> memref<128xi32, #tpu.memory_space<vmem>>
      %dma_wait3A_99 = arith.constant 0 : i32
      %dma_wait3A_100 = arith.constant 0 : i32
      %dma_wait3A_101 = tpu.memref_slice %arg2[%dma_wait3A_99, %dma_wait3A_100] : memref<102400x32xf32, #tpu.memory_space<hbm>> -> memref<102400x32xf32, #tpu.memory_space<hbm>>
      tpu.wait_indirect_dma semaphore(%arg11 : memref<!tpu.dma_semaphore, #tpu.memory_space<semaphore_mem>>) src(%dma_wait3A_101 : memref<102400x32xf32, #tpu.memory_space<hbm>>) dst(%arg8 : memref<128x32xf32, #tpu.memory_space<vmem>>)
      %run_scoped3A_102 = arith.constant 4 : i32
      "tpu.region"() ({
        %run_scoped3A_149 = tpu.sem_alloc : memref<!tpu.dma_semaphore, #tpu.memory_space<semaphore_mem>>
        %dma_start3A_150 = arith.constant 0 : i32
        %dma_start3A_151 = tpu.memref_slice %arg7[%run_scoped3A_102, %dma_start3A_150] : memref<8x128xi32, #tpu.memory_space<vmem>> -> memref<1x128xi32, #tpu.memory_space<vmem>>
        %dma_start3A_152 = tpu.memref_squeeze %dma_start3A_151 : memref<1x128xi32, #tpu.memory_space<vmem>> -> memref<128xi32, #tpu.memory_space<vmem>>
        %dma_start3A_153 = arith.constant 0 : i32
        %dma_start3A_154 = arith.constant 0 : i32
        %dma_start3A_155 = tpu.memref_slice %arg10[%dma_start3A_153, %dma_start3A_154] : memref<51200x32xf32, #tpu.memory_space<vmem_shared>> -> memref<51200x32xf32, #tpu.memory_space<vmem_shared>>
        tpu.enqueue_indirect_dma source(%arg8 : memref<128x32xf32, #tpu.memory_space<vmem>>) target(%dma_start3A_155 : memref<51200x32xf32, #tpu.memory_space<vmem_shared>>) offsets(%dma_start3A_152 : memref<128xi32, #tpu.memory_space<vmem>>) semaphore(%run_scoped3A_149 : memref<!tpu.dma_semaphore, #tpu.memory_space<semaphore_mem>>) {add = true}
        %dma_wait3A_156 = arith.constant 0 : i32
        %dma_wait3A_157 = tpu.memref_slice %arg7[%run_scoped3A_102, %dma_wait3A_156] : memref<8x128xi32, #tpu.memory_space<vmem>> -> memref<1x128xi32, #tpu.memory_space<vmem>>
        %dma_wait3A_158 = tpu.memref_squeeze %dma_wait3A_157 : memref<1x128xi32, #tpu.memory_space<vmem>> -> memref<128xi32, #tpu.memory_space<vmem>>
        %dma_wait3A_159 = arith.constant 0 : i32
        %dma_wait3A_160 = arith.constant 0 : i32
        %dma_wait3A_161 = tpu.memref_slice %arg10[%dma_wait3A_159, %dma_wait3A_160] : memref<51200x32xf32, #tpu.memory_space<vmem_shared>> -> memref<51200x32xf32, #tpu.memory_space<vmem_shared>>
        tpu.wait_indirect_dma semaphore(%run_scoped3A_149 : memref<!tpu.dma_semaphore, #tpu.memory_space<semaphore_mem>>) src(%arg8 : memref<128x32xf32, #tpu.memory_space<vmem>>) dst(%dma_wait3A_161 : memref<51200x32xf32, #tpu.memory_space<vmem_shared>>)
        tpu.yield
      }) : () -> ()
      %dma_start3A_103 = arith.constant 5 : i32
      %dma_start3A_104 = arith.constant 0 : i32
      %dma_start3A_105 = tpu.memref_slice %arg6[%dma_start3A_103, %dma_start3A_104] : memref<8x128xi32, #tpu.memory_space<vmem>> -> memref<1x128xi32, #tpu.memory_space<vmem>>
      %dma_start3A_106 = tpu.memref_squeeze %dma_start3A_105 : memref<1x128xi32, #tpu.memory_space<vmem>> -> memref<128xi32, #tpu.memory_space<vmem>>
      %dma_start3A_107 = arith.constant 0 : i32
      %dma_start3A_108 = arith.constant 0 : i32
      %dma_start3A_109 = tpu.memref_slice %arg2[%dma_start3A_107, %dma_start3A_108] : memref<102400x32xf32, #tpu.memory_space<hbm>> -> memref<102400x32xf32, #tpu.memory_space<hbm>>
      tpu.enqueue_indirect_dma source(%dma_start3A_109 : memref<102400x32xf32, #tpu.memory_space<hbm>>) target(%arg8 : memref<128x32xf32, #tpu.memory_space<vmem>>) offsets(%dma_start3A_106 : memref<128xi32, #tpu.memory_space<vmem>>) semaphore(%arg11 : memref<!tpu.dma_semaphore, #tpu.memory_space<semaphore_mem>>)
      %dma_wait3A_110 = arith.constant 5 : i32
      %dma_wait3A_111 = arith.constant 0 : i32
      %dma_wait3A_112 = tpu.memref_slice %arg6[%dma_wait3A_110, %dma_wait3A_111] : memref<8x128xi32, #tpu.memory_space<vmem>> -> memref<1x128xi32, #tpu.memory_space<vmem>>
      %dma_wait3A_113 = tpu.memref_squeeze %dma_wait3A_112 : memref<1x128xi32, #tpu.memory_space<vmem>> -> memref<128xi32, #tpu.memory_space<vmem>>
      %dma_wait3A_114 = arith.constant 0 : i32
      %dma_wait3A_115 = arith.constant 0 : i32
      %dma_wait3A_116 = tpu.memref_slice %arg2[%dma_wait3A_114, %dma_wait3A_115] : memref<102400x32xf32, #tpu.memory_space<hbm>> -> memref<102400x32xf32, #tpu.memory_space<hbm>>
      tpu.wait_indirect_dma semaphore(%arg11 : memref<!tpu.dma_semaphore, #tpu.memory_space<semaphore_mem>>) src(%dma_wait3A_116 : memref<102400x32xf32, #tpu.memory_space<hbm>>) dst(%arg8 : memref<128x32xf32, #tpu.memory_space<vmem>>)
      %run_scoped3A_117 = arith.constant 5 : i32
      "tpu.region"() ({
        %run_scoped3A_149 = tpu.sem_alloc : memref<!tpu.dma_semaphore, #tpu.memory_space<semaphore_mem>>
        %dma_start3A_150 = arith.constant 0 : i32
        %dma_start3A_151 = tpu.memref_slice %arg7[%run_scoped3A_117, %dma_start3A_150] : memref<8x128xi32, #tpu.memory_space<vmem>> -> memref<1x128xi32, #tpu.memory_space<vmem>>
        %dma_start3A_152 = tpu.memref_squeeze %dma_start3A_151 : memref<1x128xi32, #tpu.memory_space<vmem>> -> memref<128xi32, #tpu.memory_space<vmem>>
        %dma_start3A_153 = arith.constant 0 : i32
        %dma_start3A_154 = arith.constant 0 : i32
        %dma_start3A_155 = tpu.memref_slice %arg10[%dma_start3A_153, %dma_start3A_154] : memref<51200x32xf32, #tpu.memory_space<vmem_shared>> -> memref<51200x32xf32, #tpu.memory_space<vmem_shared>>
        tpu.enqueue_indirect_dma source(%arg8 : memref<128x32xf32, #tpu.memory_space<vmem>>) target(%dma_start3A_155 : memref<51200x32xf32, #tpu.memory_space<vmem_shared>>) offsets(%dma_start3A_152 : memref<128xi32, #tpu.memory_space<vmem>>) semaphore(%run_scoped3A_149 : memref<!tpu.dma_semaphore, #tpu.memory_space<semaphore_mem>>) {add = true}
        %dma_wait3A_156 = arith.constant 0 : i32
        %dma_wait3A_157 = tpu.memref_slice %arg7[%run_scoped3A_117, %dma_wait3A_156] : memref<8x128xi32, #tpu.memory_space<vmem>> -> memref<1x128xi32, #tpu.memory_space<vmem>>
        %dma_wait3A_158 = tpu.memref_squeeze %dma_wait3A_157 : memref<1x128xi32, #tpu.memory_space<vmem>> -> memref<128xi32, #tpu.memory_space<vmem>>
        %dma_wait3A_159 = arith.constant 0 : i32
        %dma_wait3A_160 = arith.constant 0 : i32
        %dma_wait3A_161 = tpu.memref_slice %arg10[%dma_wait3A_159, %dma_wait3A_160] : memref<51200x32xf32, #tpu.memory_space<vmem_shared>> -> memref<51200x32xf32, #tpu.memory_space<vmem_shared>>
        tpu.wait_indirect_dma semaphore(%run_scoped3A_149 : memref<!tpu.dma_semaphore, #tpu.memory_space<semaphore_mem>>) src(%arg8 : memref<128x32xf32, #tpu.memory_space<vmem>>) dst(%dma_wait3A_161 : memref<51200x32xf32, #tpu.memory_space<vmem_shared>>)
        tpu.yield
      }) : () -> ()
      %dma_start3A_118 = arith.constant 6 : i32
      %dma_start3A_119 = arith.constant 0 : i32
      %dma_start3A_120 = tpu.memref_slice %arg6[%dma_start3A_118, %dma_start3A_119] : memref<8x128xi32, #tpu.memory_space<vmem>> -> memref<1x128xi32, #tpu.memory_space<vmem>>
      %dma_start3A_121 = tpu.memref_squeeze %dma_start3A_120 : memref<1x128xi32, #tpu.memory_space<vmem>> -> memref<128xi32, #tpu.memory_space<vmem>>
      %dma_start3A_122 = arith.constant 0 : i32
      %dma_start3A_123 = arith.constant 0 : i32
      %dma_start3A_124 = tpu.memref_slice %arg2[%dma_start3A_122, %dma_start3A_123] : memref<102400x32xf32, #tpu.memory_space<hbm>> -> memref<102400x32xf32, #tpu.memory_space<hbm>>
      tpu.enqueue_indirect_dma source(%dma_start3A_124 : memref<102400x32xf32, #tpu.memory_space<hbm>>) target(%arg8 : memref<128x32xf32, #tpu.memory_space<vmem>>) offsets(%dma_start3A_121 : memref<128xi32, #tpu.memory_space<vmem>>) semaphore(%arg11 : memref<!tpu.dma_semaphore, #tpu.memory_space<semaphore_mem>>)
      %dma_wait3A_125 = arith.constant 6 : i32
      %dma_wait3A_126 = arith.constant 0 : i32
      %dma_wait3A_127 = tpu.memref_slice %arg6[%dma_wait3A_125, %dma_wait3A_126] : memref<8x128xi32, #tpu.memory_space<vmem>> -> memref<1x128xi32, #tpu.memory_space<vmem>>
      %dma_wait3A_128 = tpu.memref_squeeze %dma_wait3A_127 : memref<1x128xi32, #tpu.memory_space<vmem>> -> memref<128xi32, #tpu.memory_space<vmem>>
      %dma_wait3A_129 = arith.constant 0 : i32
      %dma_wait3A_130 = arith.constant 0 : i32
      %dma_wait3A_131 = tpu.memref_slice %arg2[%dma_wait3A_129, %dma_wait3A_130] : memref<102400x32xf32, #tpu.memory_space<hbm>> -> memref<102400x32xf32, #tpu.memory_space<hbm>>
      tpu.wait_indirect_dma semaphore(%arg11 : memref<!tpu.dma_semaphore, #tpu.memory_space<semaphore_mem>>) src(%dma_wait3A_131 : memref<102400x32xf32, #tpu.memory_space<hbm>>) dst(%arg8 : memref<128x32xf32, #tpu.memory_space<vmem>>)
      %run_scoped3A_132 = arith.constant 6 : i32
      "tpu.region"() ({
        %run_scoped3A_149 = tpu.sem_alloc : memref<!tpu.dma_semaphore, #tpu.memory_space<semaphore_mem>>
        %dma_start3A_150 = arith.constant 0 : i32
        %dma_start3A_151 = tpu.memref_slice %arg7[%run_scoped3A_132, %dma_start3A_150] : memref<8x128xi32, #tpu.memory_space<vmem>> -> memref<1x128xi32, #tpu.memory_space<vmem>>
        %dma_start3A_152 = tpu.memref_squeeze %dma_start3A_151 : memref<1x128xi32, #tpu.memory_space<vmem>> -> memref<128xi32, #tpu.memory_space<vmem>>
        %dma_start3A_153 = arith.constant 0 : i32
        %dma_start3A_154 = arith.constant 0 : i32
        %dma_start3A_155 = tpu.memref_slice %arg10[%dma_start3A_153, %dma_start3A_154] : memref<51200x32xf32, #tpu.memory_space<vmem_shared>> -> memref<51200x32xf32, #tpu.memory_space<vmem_shared>>
        tpu.enqueue_indirect_dma source(%arg8 : memref<128x32xf32, #tpu.memory_space<vmem>>) target(%dma_start3A_155 : memref<51200x32xf32, #tpu.memory_space<vmem_shared>>) offsets(%dma_start3A_152 : memref<128xi32, #tpu.memory_space<vmem>>) semaphore(%run_scoped3A_149 : memref<!tpu.dma_semaphore, #tpu.memory_space<semaphore_mem>>) {add = true}
        %dma_wait3A_156 = arith.constant 0 : i32
        %dma_wait3A_157 = tpu.memref_slice %arg7[%run_scoped3A_132, %dma_wait3A_156] : memref<8x128xi32, #tpu.memory_space<vmem>> -> memref<1x128xi32, #tpu.memory_space<vmem>>
        %dma_wait3A_158 = tpu.memref_squeeze %dma_wait3A_157 : memref<1x128xi32, #tpu.memory_space<vmem>> -> memref<128xi32, #tpu.memory_space<vmem>>
        %dma_wait3A_159 = arith.constant 0 : i32
        %dma_wait3A_160 = arith.constant 0 : i32
        %dma_wait3A_161 = tpu.memref_slice %arg10[%dma_wait3A_159, %dma_wait3A_160] : memref<51200x32xf32, #tpu.memory_space<vmem_shared>> -> memref<51200x32xf32, #tpu.memory_space<vmem_shared>>
        tpu.wait_indirect_dma semaphore(%run_scoped3A_149 : memref<!tpu.dma_semaphore, #tpu.memory_space<semaphore_mem>>) src(%arg8 : memref<128x32xf32, #tpu.memory_space<vmem>>) dst(%dma_wait3A_161 : memref<51200x32xf32, #tpu.memory_space<vmem_shared>>)
        tpu.yield
      }) : () -> ()
      %dma_start3A_133 = arith.constant 7 : i32
      %dma_start3A_134 = arith.constant 0 : i32
      %dma_start3A_135 = tpu.memref_slice %arg6[%dma_start3A_133, %dma_start3A_134] : memref<8x128xi32, #tpu.memory_space<vmem>> -> memref<1x128xi32, #tpu.memory_space<vmem>>
      %dma_start3A_136 = tpu.memref_squeeze %dma_start3A_135 : memref<1x128xi32, #tpu.memory_space<vmem>> -> memref<128xi32, #tpu.memory_space<vmem>>
      %dma_start3A_137 = arith.constant 0 : i32
      %dma_start3A_138 = arith.constant 0 : i32
      %dma_start3A_139 = tpu.memref_slice %arg2[%dma_start3A_137, %dma_start3A_138] : memref<102400x32xf32, #tpu.memory_space<hbm>> -> memref<102400x32xf32, #tpu.memory_space<hbm>>
      tpu.enqueue_indirect_dma source(%dma_start3A_139 : memref<102400x32xf32, #tpu.memory_space<hbm>>) target(%arg8 : memref<128x32xf32, #tpu.memory_space<vmem>>) offsets(%dma_start3A_136 : memref<128xi32, #tpu.memory_space<vmem>>) semaphore(%arg11 : memref<!tpu.dma_semaphore, #tpu.memory_space<semaphore_mem>>)
      %dma_wait3A_140 = arith.constant 7 : i32
      %dma_wait3A_141 = arith.constant 0 : i32
      %dma_wait3A_142 = tpu.memref_slice %arg6[%dma_wait3A_140, %dma_wait3A_141] : memref<8x128xi32, #tpu.memory_space<vmem>> -> memref<1x128xi32, #tpu.memory_space<vmem>>
      %dma_wait3A_143 = tpu.memref_squeeze %dma_wait3A_142 : memref<1x128xi32, #tpu.memory_space<vmem>> -> memref<128xi32, #tpu.memory_space<vmem>>
      %dma_wait3A_144 = arith.constant 0 : i32
      %dma_wait3A_145 = arith.constant 0 : i32
      %dma_wait3A_146 = tpu.memref_slice %arg2[%dma_wait3A_144, %dma_wait3A_145] : memref<102400x32xf32, #tpu.memory_space<hbm>> -> memref<102400x32xf32, #tpu.memory_space<hbm>>
      tpu.wait_indirect_dma semaphore(%arg11 : memref<!tpu.dma_semaphore, #tpu.memory_space<semaphore_mem>>) src(%dma_wait3A_146 : memref<102400x32xf32, #tpu.memory_space<hbm>>) dst(%arg8 : memref<128x32xf32, #tpu.memory_space<vmem>>)
      %run_scoped3A_147 = arith.constant 7 : i32
      "tpu.region"() ({
        %run_scoped3A_149 = tpu.sem_alloc : memref<!tpu.dma_semaphore, #tpu.memory_space<semaphore_mem>>
        %dma_start3A_150 = arith.constant 0 : i32
        %dma_start3A_151 = tpu.memref_slice %arg7[%run_scoped3A_147, %dma_start3A_150] : memref<8x128xi32, #tpu.memory_space<vmem>> -> memref<1x128xi32, #tpu.memory_space<vmem>>
        %dma_start3A_152 = tpu.memref_squeeze %dma_start3A_151 : memref<1x128xi32, #tpu.memory_space<vmem>> -> memref<128xi32, #tpu.memory_space<vmem>>
        %dma_start3A_153 = arith.constant 0 : i32
        %dma_start3A_154 = arith.constant 0 : i32
        %dma_start3A_155 = tpu.memref_slice %arg10[%dma_start3A_153, %dma_start3A_154] : memref<51200x32xf32, #tpu.memory_space<vmem_shared>> -> memref<51200x32xf32, #tpu.memory_space<vmem_shared>>
        tpu.enqueue_indirect_dma source(%arg8 : memref<128x32xf32, #tpu.memory_space<vmem>>) target(%dma_start3A_155 : memref<51200x32xf32, #tpu.memory_space<vmem_shared>>) offsets(%dma_start3A_152 : memref<128xi32, #tpu.memory_space<vmem>>) semaphore(%run_scoped3A_149 : memref<!tpu.dma_semaphore, #tpu.memory_space<semaphore_mem>>) {add = true}
        %dma_wait3A_156 = arith.constant 0 : i32
        %dma_wait3A_157 = tpu.memref_slice %arg7[%run_scoped3A_147, %dma_wait3A_156] : memref<8x128xi32, #tpu.memory_space<vmem>> -> memref<1x128xi32, #tpu.memory_space<vmem>>
        %dma_wait3A_158 = tpu.memref_squeeze %dma_wait3A_157 : memref<1x128xi32, #tpu.memory_space<vmem>> -> memref<128xi32, #tpu.memory_space<vmem>>
        %dma_wait3A_159 = arith.constant 0 : i32
        %dma_wait3A_160 = arith.constant 0 : i32
        %dma_wait3A_161 = tpu.memref_slice %arg10[%dma_wait3A_159, %dma_wait3A_160] : memref<51200x32xf32, #tpu.memory_space<vmem_shared>> -> memref<51200x32xf32, #tpu.memory_space<vmem_shared>>
        tpu.wait_indirect_dma semaphore(%run_scoped3A_149 : memref<!tpu.dma_semaphore, #tpu.memory_space<semaphore_mem>>) src(%arg8 : memref<128x32xf32, #tpu.memory_space<vmem>>) dst(%dma_wait3A_161 : memref<51200x32xf32, #tpu.memory_space<vmem_shared>>)
        tpu.yield
      }) : () -> ()
      %scan3A_148 = arith.constant 0 : i32
      scf.yield %scan3A_148 : i32
    }
    %scan3A_20 = arith.constant 50 : i32
    %barrier3A_21 = arith.constant 0 : index
    tpu.barrier barrier_id(%barrier3A_21)
    %mul3A = arith.constant 3200 : i32
    %mul3A_22 = arith.muli %arg1, %mul3A : i32
    %mul3A_23 = arith.constant 3200 : i32
    %mul3A_24 = arith.muli %arg1, %mul3A_23 : i32
    "tpu.region"() ({
      %run_scoped3A = tpu.sem_alloc : memref<!tpu.dma_semaphore, #tpu.memory_space<semaphore_mem>>
      %dma_start3A = arith.constant 0 : i32
      %dma_start3A_25 = tpu.memref_slice %arg5[%arg0, %mul3A_24, %dma_start3A] : memref<2x51200x32xf32, #tpu.memory_space<hbm>> -> memref<1x3200x32xf32, #tpu.memory_space<hbm>>
      %dma_start3A_26 = tpu.memref_squeeze %dma_start3A_25 : memref<1x3200x32xf32, #tpu.memory_space<hbm>> -> memref<3200x32xf32, #tpu.memory_space<hbm>>
      %dma_start3A_27 = arith.constant 0 : i32
      %dma_start3A_28 = tpu.memref_slice %arg10[%mul3A_22, %dma_start3A_27] : memref<51200x32xf32, #tpu.memory_space<vmem_shared>> -> memref<3200x32xf32, #tpu.memory_space<vmem_shared>>
      tpu.enqueue_dma source(%dma_start3A_28 : memref<3200x32xf32, #tpu.memory_space<vmem_shared>>) target(%dma_start3A_26 : memref<3200x32xf32, #tpu.memory_space<hbm>>) target_semaphore(%run_scoped3A : memref<!tpu.dma_semaphore, #tpu.memory_space<semaphore_mem>>)
      %dma_wait3A = arith.constant 0 : i32
      %dma_wait3A_29 = tpu.memref_slice %arg5[%arg0, %mul3A_24, %dma_wait3A] : memref<2x51200x32xf32, #tpu.memory_space<hbm>> -> memref<1x3200x32xf32, #tpu.memory_space<hbm>>
      %dma_wait3A_30 = tpu.memref_squeeze %dma_wait3A_29 : memref<1x3200x32xf32, #tpu.memory_space<hbm>> -> memref<3200x32xf32, #tpu.memory_space<hbm>>
      %dma_wait3A_31 = arith.constant 0 : i32
      %dma_wait3A_32 = tpu.memref_slice %arg10[%mul3A_22, %dma_wait3A_31] : memref<51200x32xf32, #tpu.memory_space<vmem_shared>> -> memref<3200x32xf32, #tpu.memory_space<vmem_shared>>
      tpu.wait_dma2 semaphore(%run_scoped3A : memref<!tpu.dma_semaphore, #tpu.memory_space<semaphore_mem>>) src(%dma_wait3A_32 : memref<3200x32xf32, #tpu.memory_space<vmem_shared>>) dst(%dma_wait3A_30 : memref<3200x32xf32, #tpu.memory_space<hbm>>)
      tpu.yield
    }) : () -> ()
    return
  }
}

#map = affine_map<(d0, d1) -> (0, 0)>
#map1 = affine_map<(d0, d1) -> (0, 0, 0)>
module attributes {stable_mosaic.version = 14 : i64} {
  func.func @k(%arg0: i32, %arg1: i32, %arg2: memref<102400x32xf32, #tpu.memory_space<hbm>>, %arg3: memref<2x6400x128xi32, #tpu.memory_space<hbm>>, %arg4: memref<6400x128xi32, #tpu.memory_space<hbm>>, %arg5: memref<2x51200x32xf32, #tpu.memory_space<hbm>>, %arg6: memref<8x128xi32, #tpu.memory_space<vmem>>, %arg7: memref<8x128xi32, #tpu.memory_space<vmem>>, %arg8: memref<128x32xf32, #tpu.memory_space<vmem>>, %arg9: memref<128x32xf32, #tpu.memory_space<vmem>>, %arg10: memref<51200x32xf32, #tpu.memory_space<vmem_shared>>, %arg11: memref<!tpu.dma_semaphore, #tpu.memory_space<semaphore_mem>>) attributes {dimension_semantics = [#tpu.dimension_semantics<core_parallel>, #tpu.dimension_semantics<subcore_parallel>], iteration_bounds = array<i64: 2, 16>, scalar_prefetch = 0 : i64, scratch_operands = 6 : i64, tpu.core_type = #tpu.core_type<sc_vector_subcore>, window_params = [{transform_indices = #map}, {transform_indices = #map1}, {transform_indices = #map}, {transform_indices = #map1}]} {
    %broadcast_in_dim3A = arith.constant 0.000000e+00 : f32
    %broadcast_in_dim3A_0 = vector.broadcast %broadcast_in_dim3A : f32 to vector<16xf32>
    %scan3A = arith.constant 0 : i32
    %scan3A_1 = arith.constant 0 : i32
    %scan3A_2 = arith.constant 128 : i32
    %scan3A_3 = arith.addi %scan3A_1, %scan3A_2 : i32
    %scan3A_4 = arith.constant 1 : i32
    %scan3A_5 = scf.for %scan3A_25 = %scan3A_1 to %scan3A_3 step %scan3A_4 iter_args(%scan3A_26 = %scan3A) -> (i32)  : i32 {
      %swap3A = arith.index_cast %scan3A_25 : i32 to index
      %swap3A_27 = arith.constant 0 : index
      %swap3A_28 = tpu.vector_load %arg9[%swap3A, %swap3A_27] {strides = array<i32>} : memref<128x32xf32, #tpu.memory_space<vmem>>, vector<1x16xf32>,
      %swap3A_29 = vector.shape_cast %swap3A_28 : vector<1x16xf32> to vector<16xf32>
      %swap3A_30 = vector.shape_cast %broadcast_in_dim3A_0 : vector<16xf32> to vector<1x16xf32>
      tpu.vector_store %arg9[%swap3A, %swap3A_27], %swap3A_30 {strides = array<i32>} : memref<128x32xf32, #tpu.memory_space<vmem>>, vector<1x16xf32>,
      %swap3A_31 = arith.index_cast %scan3A_25 : i32 to index
      %swap3A_32 = arith.constant 16 : index
      %swap3A_33 = tpu.vector_load %arg9[%swap3A_31, %swap3A_32] {strides = array<i32>} : memref<128x32xf32, #tpu.memory_space<vmem>>, vector<1x16xf32>,
      %swap3A_34 = vector.shape_cast %swap3A_33 : vector<1x16xf32> to vector<16xf32>
      %swap3A_35 = vector.shape_cast %broadcast_in_dim3A_0 : vector<16xf32> to vector<1x16xf32>
      tpu.vector_store %arg9[%swap3A_31, %swap3A_32], %swap3A_35 {strides = array<i32>} : memref<128x32xf32, #tpu.memory_space<vmem>>, vector<1x16xf32>,
      %scan3A_36 = arith.constant 0 : i32
      scf.yield %scan3A_36 : i32
    }
    %scan3A_6 = arith.constant 128 : i32
    %scan3A_7 = arith.constant 0 : i32
    %scan3A_8 = arith.constant 0 : i32
    %scan3A_9 = arith.constant 25 : i32
    %scan3A_10 = arith.addi %scan3A_8, %scan3A_9 : i32
    %scan3A_11 = arith.constant 1 : i32
    %scan3A_12 = scf.for %scan3A_25 = %scan3A_8 to %scan3A_10 step %scan3A_11 iter_args(%scan3A_26 = %scan3A_7) -> (i32)  : i32 {
      %mul3A_27 = arith.constant 3200 : i32
      %mul3A_28 = arith.muli %arg1, %mul3A_27 : i32
      %mul3A_29 = arith.constant 128 : i32
      %mul3A_30 = arith.muli %scan3A_25, %mul3A_29 : i32
      %add3A = arith.addi %mul3A_28, %mul3A_30 : i32
      "tpu.region"() ({
        %run_scoped3A = tpu.sem_alloc : memref<!tpu.dma_semaphore, #tpu.memory_space<semaphore_mem>>
        %dma_start3A = arith.constant 0 : i32
        %dma_start3A_32 = tpu.memref_slice %arg10[%add3A, %dma_start3A] : memref<51200x32xf32, #tpu.memory_space<vmem_shared>> -> memref<128x32xf32, #tpu.memory_space<vmem_shared>>
        %dma_start3A_33 = arith.constant 0 : i32
        %dma_start3A_34 = tpu.memref_slice %arg10[%add3A, %dma_start3A_33] : memref<51200x32xf32, #tpu.memory_space<vmem_shared>> -> memref<128x32xf32, #tpu.memory_space<vmem_shared>>
        tpu.enqueue_dma source(%arg9 : memref<128x32xf32, #tpu.memory_space<vmem>>) target(%dma_start3A_34 : memref<128x32xf32, #tpu.memory_space<vmem_shared>>) target_semaphore(%run_scoped3A : memref<!tpu.dma_semaphore, #tpu.memory_space<semaphore_mem>>)
        %dma_wait3A = arith.constant 0 : i32
        %dma_wait3A_35 = tpu.memref_slice %arg10[%add3A, %dma_wait3A] : memref<51200x32xf32, #tpu.memory_space<vmem_shared>> -> memref<128x32xf32, #tpu.memory_space<vmem_shared>>
        %dma_wait3A_36 = arith.constant 0 : i32
        %dma_wait3A_37 = tpu.memref_slice %arg10[%add3A, %dma_wait3A_36] : memref<51200x32xf32, #tpu.memory_space<vmem_shared>> -> memref<128x32xf32, #tpu.memory_space<vmem_shared>>
        tpu.wait_dma2 semaphore(%run_scoped3A : memref<!tpu.dma_semaphore, #tpu.memory_space<semaphore_mem>>) src(%arg9 : memref<128x32xf32, #tpu.memory_space<vmem>>) dst(%dma_wait3A_37 : memref<128x32xf32, #tpu.memory_space<vmem_shared>>)
        tpu.yield
      }) : () -> ()
      %scan3A_31 = arith.constant 0 : i32
      scf.yield %scan3A_31 : i32
    }
    %scan3A_13 = arith.constant 25 : i32
    %barrier3A = arith.constant 0 : index
    tpu.barrier barrier_id(%barrier3A)
    %scan3A_14 = arith.constant 0 : i32
    %scan3A_15 = arith.constant 0 : i32
    %scan3A_16 = arith.constant 50 : i32
    %scan3A_17 = arith.addi %scan3A_15, %scan3A_16 : i32
    %scan3A_18 = arith.constant 1 : i32
    %scan3A_19 = scf.for %scan3A_25 = %scan3A_15 to %scan3A_17 step %scan3A_18 iter_args(%scan3A_26 = %scan3A_14) -> (i32)  : i32 {
      %mul3A_27 = arith.constant 400 : i32
      %mul3A_28 = arith.muli %arg1, %mul3A_27 : i32
      %mul3A_29 = arith.constant 8 : i32
      %mul3A_30 = arith.muli %scan3A_25, %mul3A_29 : i32
      %add3A = arith.addi %mul3A_28, %mul3A_30 : i32
      "tpu.region"() ({
        %run_scoped3A_149 = tpu.sem_alloc : memref<!tpu.dma_semaphore, #tpu.memory_space<semaphore_mem>>
        %dma_start3A_150 = arith.constant 0 : i32
        %dma_start3A_151 = tpu.memref_slice %arg3[%arg0, %add3A, %dma_start3A_150] : memref<2x6400x128xi32, #tpu.memory_space<hbm>> -> memref<1x8x128xi32, #tpu.memory_space<hbm>>
        %dma_start3A_152 = tpu.memref_squeeze %dma_start3A_151 : memref<1x8x128xi32, #tpu.memory_space<hbm>> -> memref<8x128xi32, #tpu.memory_space<hbm>>
        %dma_start3A_153 = arith.constant 0 : i32
        %dma_start3A_154 = tpu.memref_slice %arg3[%arg0, %add3A, %dma_start3A_153] : memref<2x6400x128xi32, #tpu.memory_space<hbm>> -> memref<1x8x128xi32, #tpu.memory_space<hbm>>
        %dma_start3A_155 = tpu.memref_squeeze %dma_start3A_154 : memref<1x8x128xi32, #tpu.memory_space<hbm>> -> memref<8x128xi32, #tpu.memory_space<hbm>>
        tpu.enqueue_dma source(%dma_start3A_155 : memref<8x128xi32, #tpu.memory_space<hbm>>) target(%arg6 : memref<8x128xi32, #tpu.memory_space<vmem>>) target_semaphore(%run_scoped3A_149 : memref<!tpu.dma_semaphore, #tpu.memory_space<semaphore_mem>>)
        %dma_wait3A_156 = arith.constant 0 : i32
        %dma_wait3A_157 = tpu.memref_slice %arg3[%arg0, %add3A, %dma_wait3A_156] : memref<2x6400x128xi32, #tpu.memory_space<hbm>> -> memref<1x8x128xi32, #tpu.memory_space<hbm>>
        %dma_wait3A_158 = tpu.memref_squeeze %dma_wait3A_157 : memref<1x8x128xi32, #tpu.memory_space<hbm>> -> memref<8x128xi32, #tpu.memory_space<hbm>>
        %dma_wait3A_159 = arith.constant 0 : i32
        %dma_wait3A_160 = tpu.memref_slice %arg3[%arg0, %add3A, %dma_wait3A_159] : memref<2x6400x128xi32, #tpu.memory_space<hbm>> -> memref<1x8x128xi32, #tpu.memory_space<hbm>>
        %dma_wait3A_161 = tpu.memref_squeeze %dma_wait3A_160 : memref<1x8x128xi32, #tpu.memory_space<hbm>> -> memref<8x128xi32, #tpu.memory_space<hbm>>
        tpu.wait_dma2 semaphore(%run_scoped3A_149 : memref<!tpu.dma_semaphore, #tpu.memory_space<semaphore_mem>>) src(%dma_wait3A_161 : memref<8x128xi32, #tpu.memory_space<hbm>>) dst(%arg6 : memref<8x128xi32, #tpu.memory_space<vmem>>)
        tpu.yield
      }) : () -> ()
      "tpu.region"() ({
        %run_scoped3A_149 = tpu.sem_alloc : memref<!tpu.dma_semaphore, #tpu.memory_space<semaphore_mem>>
        %dma_start3A_150 = arith.constant 0 : i32
        %dma_start3A_151 = tpu.memref_slice %arg4[%add3A, %dma_start3A_150] : memref<6400x128xi32, #tpu.memory_space<hbm>> -> memref<8x128xi32, #tpu.memory_space<hbm>>
        %dma_start3A_152 = arith.constant 0 : i32
        %dma_start3A_153 = tpu.memref_slice %arg4[%add3A, %dma_start3A_152] : memref<6400x128xi32, #tpu.memory_space<hbm>> -> memref<8x128xi32, #tpu.memory_space<hbm>>
        tpu.enqueue_dma source(%dma_start3A_153 : memref<8x128xi32, #tpu.memory_space<hbm>>) target(%arg7 : memref<8x128xi32, #tpu.memory_space<vmem>>) target_semaphore(%run_scoped3A_149 : memref<!tpu.dma_semaphore, #tpu.memory_space<semaphore_mem>>)
        %dma_wait3A_154 = arith.constant 0 : i32
        %dma_wait3A_155 = tpu.memref_slice %arg4[%add3A, %dma_wait3A_154] : memref<6400x128xi32, #tpu.memory_space<hbm>> -> memref<8x128xi32, #tpu.memory_space<hbm>>
        %dma_wait3A_156 = arith.constant 0 : i32
        %dma_wait3A_157 = tpu.memref_slice %arg4[%add3A, %dma_wait3A_156] : memref<6400x128xi32, #tpu.memory_space<hbm>> -> memref<8x128xi32, #tpu.memory_space<hbm>>
        tpu.wait_dma2 semaphore(%run_scoped3A_149 : memref<!tpu.dma_semaphore, #tpu.memory_space<semaphore_mem>>) src(%dma_wait3A_157 : memref<8x128xi32, #tpu.memory_space<hbm>>) dst(%arg7 : memref<8x128xi32, #tpu.memory_space<vmem>>)
        tpu.yield
      }) : () -> ()
      %dma_start3A = arith.constant 0 : i32
      %dma_start3A_31 = arith.constant 0 : i32
      %dma_start3A_32 = tpu.memref_slice %arg6[%dma_start3A, %dma_start3A_31] : memref<8x128xi32, #tpu.memory_space<vmem>> -> memref<1x128xi32, #tpu.memory_space<vmem>>
      %dma_start3A_33 = tpu.memref_squeeze %dma_start3A_32 : memref<1x128xi32, #tpu.memory_space<vmem>> -> memref<128xi32, #tpu.memory_space<vmem>>
      %dma_start3A_34 = arith.constant 0 : i32
      %dma_start3A_35 = arith.constant 0 : i32
      %dma_start3A_36 = tpu.memref_slice %arg2[%dma_start3A_34, %dma_start3A_35] : memref<102400x32xf32, #tpu.memory_space<hbm>> -> memref<102400x32xf32, #tpu.memory_space<hbm>>
      tpu.enqueue_indirect_dma source(%dma_start3A_36 : memref<102400x32xf32, #tpu.memory_space<hbm>>) target(%arg8 : memref<128x32xf32, #tpu.memory_space<vmem>>) offsets(%dma_start3A_33 : memref<128xi32, #tpu.memory_space<vmem>>) semaphore(%arg11 : memref<!tpu.dma_semaphore, #tpu.memory_space<semaphore_mem>>)
      %dma_wait3A = arith.constant 0 : i32
      %dma_wait3A_37 = arith.constant 0 : i32
      %dma_wait3A_38 = tpu.memref_slice %arg6[%dma_wait3A, %dma_wait3A_37] : memref<8x128xi32, #tpu.memory_space<vmem>> -> memref<1x128xi32, #tpu.memory_space<vmem>>
      %dma_wait3A_39 = tpu.memref_squeeze %dma_wait3A_38 : memref<1x128xi32, #tpu.memory_space<vmem>> -> memref<128xi32, #tpu.memory_space<vmem>>
      %dma_wait3A_40 = arith.constant 0 : i32
      %dma_wait3A_41 = arith.constant 0 : i32
      %dma_wait3A_42 = tpu.memref_slice %arg2[%dma_wait3A_40, %dma_wait3A_41] : memref<102400x32xf32, #tpu.memory_space<hbm>> -> memref<102400x32xf32, #tpu.memory_space<hbm>>
      tpu.wait_indirect_dma semaphore(%arg11 : memref<!tpu.dma_semaphore, #tpu.memory_space<semaphore_mem>>) src(%dma_wait3A_42 : memref<102400x32xf32, #tpu.memory_space<hbm>>) dst(%arg8 : memref<128x32xf32, #tpu.memory_space<vmem>>)
      %run_scoped3A = arith.constant 0 : i32
      "tpu.region"() ({
        %run_scoped3A_149 = tpu.sem_alloc : memref<!tpu.dma_semaphore, #tpu.memory_space<semaphore_mem>>
        %dma_start3A_150 = arith.constant 0 : i32
        %dma_start3A_151 = tpu.memref_slice %arg7[%run_scoped3A, %dma_start3A_150] : memref<8x128xi32, #tpu.memory_space<vmem>> -> memref<1x128xi32, #tpu.memory_space<vmem>>
        %dma_start3A_152 = tpu.memref_squeeze %dma_start3A_151 : memref<1x128xi32, #tpu.memory_space<vmem>> -> memref<128xi32, #tpu.memory_space<vmem>>
        %dma_start3A_153 = arith.constant 0 : i32
        %dma_start3A_154 = arith.constant 0 : i32
        %dma_start3A_155 = tpu.memref_slice %arg10[%dma_start3A_153, %dma_start3A_154] : memref<51200x32xf32, #tpu.memory_space<vmem_shared>> -> memref<51200x32xf32, #tpu.memory_space<vmem_shared>>
        tpu.enqueue_indirect_dma source(%arg8 : memref<128x32xf32, #tpu.memory_space<vmem>>) target(%dma_start3A_155 : memref<51200x32xf32, #tpu.memory_space<vmem_shared>>) offsets(%dma_start3A_152 : memref<128xi32, #tpu.memory_space<vmem>>) semaphore(%run_scoped3A_149 : memref<!tpu.dma_semaphore, #tpu.memory_space<semaphore_mem>>) {add = true}
        %dma_wait3A_156 = arith.constant 0 : i32
        %dma_wait3A_157 = tpu.memref_slice %arg7[%run_scoped3A, %dma_wait3A_156] : memref<8x128xi32, #tpu.memory_space<vmem>> -> memref<1x128xi32, #tpu.memory_space<vmem>>
        %dma_wait3A_158 = tpu.memref_squeeze %dma_wait3A_157 : memref<1x128xi32, #tpu.memory_space<vmem>> -> memref<128xi32, #tpu.memory_space<vmem>>
        %dma_wait3A_159 = arith.constant 0 : i32
        %dma_wait3A_160 = arith.constant 0 : i32
        %dma_wait3A_161 = tpu.memref_slice %arg10[%dma_wait3A_159, %dma_wait3A_160] : memref<51200x32xf32, #tpu.memory_space<vmem_shared>> -> memref<51200x32xf32, #tpu.memory_space<vmem_shared>>
        tpu.wait_indirect_dma semaphore(%run_scoped3A_149 : memref<!tpu.dma_semaphore, #tpu.memory_space<semaphore_mem>>) src(%arg8 : memref<128x32xf32, #tpu.memory_space<vmem>>) dst(%dma_wait3A_161 : memref<51200x32xf32, #tpu.memory_space<vmem_shared>>)
        tpu.yield
      }) : () -> ()
      %dma_start3A_43 = arith.constant 1 : i32
      %dma_start3A_44 = arith.constant 0 : i32
      %dma_start3A_45 = tpu.memref_slice %arg6[%dma_start3A_43, %dma_start3A_44] : memref<8x128xi32, #tpu.memory_space<vmem>> -> memref<1x128xi32, #tpu.memory_space<vmem>>
      %dma_start3A_46 = tpu.memref_squeeze %dma_start3A_45 : memref<1x128xi32, #tpu.memory_space<vmem>> -> memref<128xi32, #tpu.memory_space<vmem>>
      %dma_start3A_47 = arith.constant 0 : i32
      %dma_start3A_48 = arith.constant 0 : i32
      %dma_start3A_49 = tpu.memref_slice %arg2[%dma_start3A_47, %dma_start3A_48] : memref<102400x32xf32, #tpu.memory_space<hbm>> -> memref<102400x32xf32, #tpu.memory_space<hbm>>
      tpu.enqueue_indirect_dma source(%dma_start3A_49 : memref<102400x32xf32, #tpu.memory_space<hbm>>) target(%arg8 : memref<128x32xf32, #tpu.memory_space<vmem>>) offsets(%dma_start3A_46 : memref<128xi32, #tpu.memory_space<vmem>>) semaphore(%arg11 : memref<!tpu.dma_semaphore, #tpu.memory_space<semaphore_mem>>)
      %dma_wait3A_50 = arith.constant 1 : i32
      %dma_wait3A_51 = arith.constant 0 : i32
      %dma_wait3A_52 = tpu.memref_slice %arg6[%dma_wait3A_50, %dma_wait3A_51] : memref<8x128xi32, #tpu.memory_space<vmem>> -> memref<1x128xi32, #tpu.memory_space<vmem>>
      %dma_wait3A_53 = tpu.memref_squeeze %dma_wait3A_52 : memref<1x128xi32, #tpu.memory_space<vmem>> -> memref<128xi32, #tpu.memory_space<vmem>>
      %dma_wait3A_54 = arith.constant 0 : i32
      %dma_wait3A_55 = arith.constant 0 : i32
      %dma_wait3A_56 = tpu.memref_slice %arg2[%dma_wait3A_54, %dma_wait3A_55] : memref<102400x32xf32, #tpu.memory_space<hbm>> -> memref<102400x32xf32, #tpu.memory_space<hbm>>
      tpu.wait_indirect_dma semaphore(%arg11 : memref<!tpu.dma_semaphore, #tpu.memory_space<semaphore_mem>>) src(%dma_wait3A_56 : memref<102400x32xf32, #tpu.memory_space<hbm>>) dst(%arg8 : memref<128x32xf32, #tpu.memory_space<vmem>>)
      %run_scoped3A_57 = arith.constant 1 : i32
      "tpu.region"() ({
        %run_scoped3A_149 = tpu.sem_alloc : memref<!tpu.dma_semaphore, #tpu.memory_space<semaphore_mem>>
        %dma_start3A_150 = arith.constant 0 : i32
        %dma_start3A_151 = tpu.memref_slice %arg7[%run_scoped3A_57, %dma_start3A_150] : memref<8x128xi32, #tpu.memory_space<vmem>> -> memref<1x128xi32, #tpu.memory_space<vmem>>
        %dma_start3A_152 = tpu.memref_squeeze %dma_start3A_151 : memref<1x128xi32, #tpu.memory_space<vmem>> -> memref<128xi32, #tpu.memory_space<vmem>>
        %dma_start3A_153 = arith.constant 0 : i32
        %dma_start3A_154 = arith.constant 0 : i32
        %dma_start3A_155 = tpu.memref_slice %arg10[%dma_start3A_153, %dma_start3A_154] : memref<51200x32xf32, #tpu.memory_space<vmem_shared>> -> memref<51200x32xf32, #tpu.memory_space<vmem_shared>>
        tpu.enqueue_indirect_dma source(%arg8 : memref<128x32xf32, #tpu.memory_space<vmem>>) target(%dma_start3A_155 : memref<51200x32xf32, #tpu.memory_space<vmem_shared>>) offsets(%dma_start3A_152 : memref<128xi32, #tpu.memory_space<vmem>>) semaphore(%run_scoped3A_149 : memref<!tpu.dma_semaphore, #tpu.memory_space<semaphore_mem>>) {add = true}
        %dma_wait3A_156 = arith.constant 0 : i32
        %dma_wait3A_157 = tpu.memref_slice %arg7[%run_scoped3A_57, %dma_wait3A_156] : memref<8x128xi32, #tpu.memory_space<vmem>> -> memref<1x128xi32, #tpu.memory_space<vmem>>
        %dma_wait3A_158 = tpu.memref_squeeze %dma_wait3A_157 : memref<1x128xi32, #tpu.memory_space<vmem>> -> memref<128xi32, #tpu.memory_space<vmem>>
        %dma_wait3A_159 = arith.constant 0 : i32
        %dma_wait3A_160 = arith.constant 0 : i32
        %dma_wait3A_161 = tpu.memref_slice %arg10[%dma_wait3A_159, %dma_wait3A_160] : memref<51200x32xf32, #tpu.memory_space<vmem_shared>> -> memref<51200x32xf32, #tpu.memory_space<vmem_shared>>
        tpu.wait_indirect_dma semaphore(%run_scoped3A_149 : memref<!tpu.dma_semaphore, #tpu.memory_space<semaphore_mem>>) src(%arg8 : memref<128x32xf32, #tpu.memory_space<vmem>>) dst(%dma_wait3A_161 : memref<51200x32xf32, #tpu.memory_space<vmem_shared>>)
        tpu.yield
      }) : () -> ()
      %dma_start3A_58 = arith.constant 2 : i32
      %dma_start3A_59 = arith.constant 0 : i32
      %dma_start3A_60 = tpu.memref_slice %arg6[%dma_start3A_58, %dma_start3A_59] : memref<8x128xi32, #tpu.memory_space<vmem>> -> memref<1x128xi32, #tpu.memory_space<vmem>>
      %dma_start3A_61 = tpu.memref_squeeze %dma_start3A_60 : memref<1x128xi32, #tpu.memory_space<vmem>> -> memref<128xi32, #tpu.memory_space<vmem>>
      %dma_start3A_62 = arith.constant 0 : i32
      %dma_start3A_63 = arith.constant 0 : i32
      %dma_start3A_64 = tpu.memref_slice %arg2[%dma_start3A_62, %dma_start3A_63] : memref<102400x32xf32, #tpu.memory_space<hbm>> -> memref<102400x32xf32, #tpu.memory_space<hbm>>
      tpu.enqueue_indirect_dma source(%dma_start3A_64 : memref<102400x32xf32, #tpu.memory_space<hbm>>) target(%arg8 : memref<128x32xf32, #tpu.memory_space<vmem>>) offsets(%dma_start3A_61 : memref<128xi32, #tpu.memory_space<vmem>>) semaphore(%arg11 : memref<!tpu.dma_semaphore, #tpu.memory_space<semaphore_mem>>)
      %dma_wait3A_65 = arith.constant 2 : i32
      %dma_wait3A_66 = arith.constant 0 : i32
      %dma_wait3A_67 = tpu.memref_slice %arg6[%dma_wait3A_65, %dma_wait3A_66] : memref<8x128xi32, #tpu.memory_space<vmem>> -> memref<1x128xi32, #tpu.memory_space<vmem>>
      %dma_wait3A_68 = tpu.memref_squeeze %dma_wait3A_67 : memref<1x128xi32, #tpu.memory_space<vmem>> -> memref<128xi32, #tpu.memory_space<vmem>>
      %dma_wait3A_69 = arith.constant 0 : i32
      %dma_wait3A_70 = arith.constant 0 : i32
      %dma_wait3A_71 = tpu.memref_slice %arg2[%dma_wait3A_69, %dma_wait3A_70] : memref<102400x32xf32, #tpu.memory_space<hbm>> -> memref<102400x32xf32, #tpu.memory_space<hbm>>
      tpu.wait_indirect_dma semaphore(%arg11 : memref<!tpu.dma_semaphore, #tpu.memory_space<semaphore_mem>>) src(%dma_wait3A_71 : memref<102400x32xf32, #tpu.memory_space<hbm>>) dst(%arg8 : memref<128x32xf32, #tpu.memory_space<vmem>>)
      %run_scoped3A_72 = arith.constant 2 : i32
      "tpu.region"() ({
        %run_scoped3A_149 = tpu.sem_alloc : memref<!tpu.dma_semaphore, #tpu.memory_space<semaphore_mem>>
        %dma_start3A_150 = arith.constant 0 : i32
        %dma_start3A_151 = tpu.memref_slice %arg7[%run_scoped3A_72, %dma_start3A_150] : memref<8x128xi32, #tpu.memory_space<vmem>> -> memref<1x128xi32, #tpu.memory_space<vmem>>
        %dma_start3A_152 = tpu.memref_squeeze %dma_start3A_151 : memref<1x128xi32, #tpu.memory_space<vmem>> -> memref<128xi32, #tpu.memory_space<vmem>>
        %dma_start3A_153 = arith.constant 0 : i32
        %dma_start3A_154 = arith.constant 0 : i32
        %dma_start3A_155 = tpu.memref_slice %arg10[%dma_start3A_153, %dma_start3A_154] : memref<51200x32xf32, #tpu.memory_space<vmem_shared>> -> memref<51200x32xf32, #tpu.memory_space<vmem_shared>>
        tpu.enqueue_indirect_dma source(%arg8 : memref<128x32xf32, #tpu.memory_space<vmem>>) target(%dma_start3A_155 : memref<51200x32xf32, #tpu.memory_space<vmem_shared>>) offsets(%dma_start3A_152 : memref<128xi32, #tpu.memory_space<vmem>>) semaphore(%run_scoped3A_149 : memref<!tpu.dma_semaphore, #tpu.memory_space<semaphore_mem>>) {add = true}
        %dma_wait3A_156 = arith.constant 0 : i32
        %dma_wait3A_157 = tpu.memref_slice %arg7[%run_scoped3A_72, %dma_wait3A_156] : memref<8x128xi32, #tpu.memory_space<vmem>> -> memref<1x128xi32, #tpu.memory_space<vmem>>
        %dma_wait3A_158 = tpu.memref_squeeze %dma_wait3A_157 : memref<1x128xi32, #tpu.memory_space<vmem>> -> memref<128xi32, #tpu.memory_space<vmem>>
        %dma_wait3A_159 = arith.constant 0 : i32
        %dma_wait3A_160 = arith.constant 0 : i32
        %dma_wait3A_161 = tpu.memref_slice %arg10[%dma_wait3A_159, %dma_wait3A_160] : memref<51200x32xf32, #tpu.memory_space<vmem_shared>> -> memref<51200x32xf32, #tpu.memory_space<vmem_shared>>
        tpu.wait_indirect_dma semaphore(%run_scoped3A_149 : memref<!tpu.dma_semaphore, #tpu.memory_space<semaphore_mem>>) src(%arg8 : memref<128x32xf32, #tpu.memory_space<vmem>>) dst(%dma_wait3A_161 : memref<51200x32xf32, #tpu.memory_space<vmem_shared>>)
        tpu.yield
      }) : () -> ()
      %dma_start3A_73 = arith.constant 3 : i32
      %dma_start3A_74 = arith.constant 0 : i32
      %dma_start3A_75 = tpu.memref_slice %arg6[%dma_start3A_73, %dma_start3A_74] : memref<8x128xi32, #tpu.memory_space<vmem>> -> memref<1x128xi32, #tpu.memory_space<vmem>>
      %dma_start3A_76 = tpu.memref_squeeze %dma_start3A_75 : memref<1x128xi32, #tpu.memory_space<vmem>> -> memref<128xi32, #tpu.memory_space<vmem>>
      %dma_start3A_77 = arith.constant 0 : i32
      %dma_start3A_78 = arith.constant 0 : i32
      %dma_start3A_79 = tpu.memref_slice %arg2[%dma_start3A_77, %dma_start3A_78] : memref<102400x32xf32, #tpu.memory_space<hbm>> -> memref<102400x32xf32, #tpu.memory_space<hbm>>
      tpu.enqueue_indirect_dma source(%dma_start3A_79 : memref<102400x32xf32, #tpu.memory_space<hbm>>) target(%arg8 : memref<128x32xf32, #tpu.memory_space<vmem>>) offsets(%dma_start3A_76 : memref<128xi32, #tpu.memory_space<vmem>>) semaphore(%arg11 : memref<!tpu.dma_semaphore, #tpu.memory_space<semaphore_mem>>)
      %dma_wait3A_80 = arith.constant 3 : i32
      %dma_wait3A_81 = arith.constant 0 : i32
      %dma_wait3A_82 = tpu.memref_slice %arg6[%dma_wait3A_80, %dma_wait3A_81] : memref<8x128xi32, #tpu.memory_space<vmem>> -> memref<1x128xi32, #tpu.memory_space<vmem>>
      %dma_wait3A_83 = tpu.memref_squeeze %dma_wait3A_82 : memref<1x128xi32, #tpu.memory_space<vmem>> -> memref<128xi32, #tpu.memory_space<vmem>>
      %dma_wait3A_84 = arith.constant 0 : i32
      %dma_wait3A_85 = arith.constant 0 : i32
      %dma_wait3A_86 = tpu.memref_slice %arg2[%dma_wait3A_84, %dma_wait3A_85] : memref<102400x32xf32, #tpu.memory_space<hbm>> -> memref<102400x32xf32, #tpu.memory_space<hbm>>
      tpu.wait_indirect_dma semaphore(%arg11 : memref<!tpu.dma_semaphore, #tpu.memory_space<semaphore_mem>>) src(%dma_wait3A_86 : memref<102400x32xf32, #tpu.memory_space<hbm>>) dst(%arg8 : memref<128x32xf32, #tpu.memory_space<vmem>>)
      %run_scoped3A_87 = arith.constant 3 : i32
      "tpu.region"() ({
        %run_scoped3A_149 = tpu.sem_alloc : memref<!tpu.dma_semaphore, #tpu.memory_space<semaphore_mem>>
        %dma_start3A_150 = arith.constant 0 : i32
        %dma_start3A_151 = tpu.memref_slice %arg7[%run_scoped3A_87, %dma_start3A_150] : memref<8x128xi32, #tpu.memory_space<vmem>> -> memref<1x128xi32, #tpu.memory_space<vmem>>
        %dma_start3A_152 = tpu.memref_squeeze %dma_start3A_151 : memref<1x128xi32, #tpu.memory_space<vmem>> -> memref<128xi32, #tpu.memory_space<vmem>>
        %dma_start3A_153 = arith.constant 0 : i32
        %dma_start3A_154 = arith.constant 0 : i32
        %dma_start3A_155 = tpu.memref_slice %arg10[%dma_start3A_153, %dma_start3A_154] : memref<51200x32xf32, #tpu.memory_space<vmem_shared>> -> memref<51200x32xf32, #tpu.memory_space<vmem_shared>>
        tpu.enqueue_indirect_dma source(%arg8 : memref<128x32xf32, #tpu.memory_space<vmem>>) target(%dma_start3A_155 : memref<51200x32xf32, #tpu.memory_space<vmem_shared>>) offsets(%dma_start3A_152 : memref<128xi32, #tpu.memory_space<vmem>>) semaphore(%run_scoped3A_149 : memref<!tpu.dma_semaphore, #tpu.memory_space<semaphore_mem>>) {add = true}
        %dma_wait3A_156 = arith.constant 0 : i32
        %dma_wait3A_157 = tpu.memref_slice %arg7[%run_scoped3A_87, %dma_wait3A_156] : memref<8x128xi32, #tpu.memory_space<vmem>> -> memref<1x128xi32, #tpu.memory_space<vmem>>
        %dma_wait3A_158 = tpu.memref_squeeze %dma_wait3A_157 : memref<1x128xi32, #tpu.memory_space<vmem>> -> memref<128xi32, #tpu.memory_space<vmem>>
        %dma_wait3A_159 = arith.constant 0 : i32
        %dma_wait3A_160 = arith.constant 0 : i32
        %dma_wait3A_161 = tpu.memref_slice %arg10[%dma_wait3A_159, %dma_wait3A_160] : memref<51200x32xf32, #tpu.memory_space<vmem_shared>> -> memref<51200x32xf32, #tpu.memory_space<vmem_shared>>
        tpu.wait_indirect_dma semaphore(%run_scoped3A_149 : memref<!tpu.dma_semaphore, #tpu.memory_space<semaphore_mem>>) src(%arg8 : memref<128x32xf32, #tpu.memory_space<vmem>>) dst(%dma_wait3A_161 : memref<51200x32xf32, #tpu.memory_space<vmem_shared>>)
        tpu.yield
      }) : () -> ()
      %dma_start3A_88 = arith.constant 4 : i32
      %dma_start3A_89 = arith.constant 0 : i32
      %dma_start3A_90 = tpu.memref_slice %arg6[%dma_start3A_88, %dma_start3A_89] : memref<8x128xi32, #tpu.memory_space<vmem>> -> memref<1x128xi32, #tpu.memory_space<vmem>>
      %dma_start3A_91 = tpu.memref_squeeze %dma_start3A_90 : memref<1x128xi32, #tpu.memory_space<vmem>> -> memref<128xi32, #tpu.memory_space<vmem>>
      %dma_start3A_92 = arith.constant 0 : i32
      %dma_start3A_93 = arith.constant 0 : i32
      %dma_start3A_94 = tpu.memref_slice %arg2[%dma_start3A_92, %dma_start3A_93] : memref<102400x32xf32, #tpu.memory_space<hbm>> -> memref<102400x32xf32, #tpu.memory_space<hbm>>
      tpu.enqueue_indirect_dma source(%dma_start3A_94 : memref<102400x32xf32, #tpu.memory_space<hbm>>) target(%arg8 : memref<128x32xf32, #tpu.memory_space<vmem>>) offsets(%dma_start3A_91 : memref<128xi32, #tpu.memory_space<vmem>>) semaphore(%arg11 : memref<!tpu.dma_semaphore, #tpu.memory_space<semaphore_mem>>)
      %dma_wait3A_95 = arith.constant 4 : i32
      %dma_wait3A_96 = arith.constant 0 : i32
      %dma_wait3A_97 = tpu.memref_slice %arg6[%dma_wait3A_95, %dma_wait3A_96] : memref<8x128xi32, #tpu.memory_space<vmem>> -> memref<1x128xi32, #tpu.memory_space<vmem>>
      %dma_wait3A_98 = tpu.memref_squeeze %dma_wait3A_97 : memref<1x128xi32, #tpu.memory_space<vmem>> -> memref<128xi32, #tpu.memory_space<vmem>>
      %dma_wait3A_99 = arith.constant 0 : i32
      %dma_wait3A_100 = arith.constant 0 : i32
      %dma_wait3A_101 = tpu.memref_slice %arg2[%dma_wait3A_99, %dma_wait3A_100] : memref<102400x32xf32, #tpu.memory_space<hbm>> -> memref<102400x32xf32, #tpu.memory_space<hbm>>
      tpu.wait_indirect_dma semaphore(%arg11 : memref<!tpu.dma_semaphore, #tpu.memory_space<semaphore_mem>>) src(%dma_wait3A_101 : memref<102400x32xf32, #tpu.memory_space<hbm>>) dst(%arg8 : memref<128x32xf32, #tpu.memory_space<vmem>>)
      %run_scoped3A_102 = arith.constant 4 : i32
      "tpu.region"() ({
        %run_scoped3A_149 = tpu.sem_alloc : memref<!tpu.dma_semaphore, #tpu.memory_space<semaphore_mem>>
        %dma_start3A_150 = arith.constant 0 : i32
        %dma_start3A_151 = tpu.memref_slice %arg7[%run_scoped3A_102, %dma_start3A_150] : memref<8x128xi32, #tpu.memory_space<vmem>> -> memref<1x128xi32, #tpu.memory_space<vmem>>
        %dma_start3A_152 = tpu.memref_squeeze %dma_start3A_151 : memref<1x128xi32, #tpu.memory_space<vmem>> -> memref<128xi32, #tpu.memory_space<vmem>>
        %dma_start3A_153 = arith.constant 0 : i32
        %dma_start3A_154 = arith.constant 0 : i32
        %dma_start3A_155 = tpu.memref_slice %arg10[%dma_start3A_153, %dma_start3A_154] : memref<51200x32xf32, #tpu.memory_space<vmem_shared>> -> memref<51200x32xf32, #tpu.memory_space<vmem_shared>>
        tpu.enqueue_indirect_dma source(%arg8 : memref<128x32xf32, #tpu.memory_space<vmem>>) target(%dma_start3A_155 : memref<51200x32xf32, #tpu.memory_space<vmem_shared>>) offsets(%dma_start3A_152 : memref<128xi32, #tpu.memory_space<vmem>>) semaphore(%run_scoped3A_149 : memref<!tpu.dma_semaphore, #tpu.memory_space<semaphore_mem>>) {add = true}
        %dma_wait3A_156 = arith.constant 0 : i32
        %dma_wait3A_157 = tpu.memref_slice %arg7[%run_scoped3A_102, %dma_wait3A_156] : memref<8x128xi32, #tpu.memory_space<vmem>> -> memref<1x128xi32, #tpu.memory_space<vmem>>
        %dma_wait3A_158 = tpu.memref_squeeze %dma_wait3A_157 : memref<1x128xi32, #tpu.memory_space<vmem>> -> memref<128xi32, #tpu.memory_space<vmem>>
        %dma_wait3A_159 = arith.constant 0 : i32
        %dma_wait3A_160 = arith.constant 0 : i32
        %dma_wait3A_161 = tpu.memref_slice %arg10[%dma_wait3A_159, %dma_wait3A_160] : memref<51200x32xf32, #tpu.memory_space<vmem_shared>> -> memref<51200x32xf32, #tpu.memory_space<vmem_shared>>
        tpu.wait_indirect_dma semaphore(%run_scoped3A_149 : memref<!tpu.dma_semaphore, #tpu.memory_space<semaphore_mem>>) src(%arg8 : memref<128x32xf32, #tpu.memory_space<vmem>>) dst(%dma_wait3A_161 : memref<51200x32xf32, #tpu.memory_space<vmem_shared>>)
        tpu.yield
      }) : () -> ()
      %dma_start3A_103 = arith.constant 5 : i32
      %dma_start3A_104 = arith.constant 0 : i32
      %dma_start3A_105 = tpu.memref_slice %arg6[%dma_start3A_103, %dma_start3A_104] : memref<8x128xi32, #tpu.memory_space<vmem>> -> memref<1x128xi32, #tpu.memory_space<vmem>>
      %dma_start3A_106 = tpu.memref_squeeze %dma_start3A_105 : memref<1x128xi32, #tpu.memory_space<vmem>> -> memref<128xi32, #tpu.memory_space<vmem>>
      %dma_start3A_107 = arith.constant 0 : i32
      %dma_start3A_108 = arith.constant 0 : i32
      %dma_start3A_109 = tpu.memref_slice %arg2[%dma_start3A_107, %dma_start3A_108] : memref<102400x32xf32, #tpu.memory_space<hbm>> -> memref<102400x32xf32, #tpu.memory_space<hbm>>
      tpu.enqueue_indirect_dma source(%dma_start3A_109 : memref<102400x32xf32, #tpu.memory_space<hbm>>) target(%arg8 : memref<128x32xf32, #tpu.memory_space<vmem>>) offsets(%dma_start3A_106 : memref<128xi32, #tpu.memory_space<vmem>>) semaphore(%arg11 : memref<!tpu.dma_semaphore, #tpu.memory_space<semaphore_mem>>)
      %dma_wait3A_110 = arith.constant 5 : i32
      %dma_wait3A_111 = arith.constant 0 : i32
      %dma_wait3A_112 = tpu.memref_slice %arg6[%dma_wait3A_110, %dma_wait3A_111] : memref<8x128xi32, #tpu.memory_space<vmem>> -> memref<1x128xi32, #tpu.memory_space<vmem>>
      %dma_wait3A_113 = tpu.memref_squeeze %dma_wait3A_112 : memref<1x128xi32, #tpu.memory_space<vmem>> -> memref<128xi32, #tpu.memory_space<vmem>>
      %dma_wait3A_114 = arith.constant 0 : i32
      %dma_wait3A_115 = arith.constant 0 : i32
      %dma_wait3A_116 = tpu.memref_slice %arg2[%dma_wait3A_114, %dma_wait3A_115] : memref<102400x32xf32, #tpu.memory_space<hbm>> -> memref<102400x32xf32, #tpu.memory_space<hbm>>
      tpu.wait_indirect_dma semaphore(%arg11 : memref<!tpu.dma_semaphore, #tpu.memory_space<semaphore_mem>>) src(%dma_wait3A_116 : memref<102400x32xf32, #tpu.memory_space<hbm>>) dst(%arg8 : memref<128x32xf32, #tpu.memory_space<vmem>>)
      %run_scoped3A_117 = arith.constant 5 : i32
      "tpu.region"() ({
        %run_scoped3A_149 = tpu.sem_alloc : memref<!tpu.dma_semaphore, #tpu.memory_space<semaphore_mem>>
        %dma_start3A_150 = arith.constant 0 : i32
        %dma_start3A_151 = tpu.memref_slice %arg7[%run_scoped3A_117, %dma_start3A_150] : memref<8x128xi32, #tpu.memory_space<vmem>> -> memref<1x128xi32, #tpu.memory_space<vmem>>
        %dma_start3A_152 = tpu.memref_squeeze %dma_start3A_151 : memref<1x128xi32, #tpu.memory_space<vmem>> -> memref<128xi32, #tpu.memory_space<vmem>>
        %dma_start3A_153 = arith.constant 0 : i32
        %dma_start3A_154 = arith.constant 0 : i32
        %dma_start3A_155 = tpu.memref_slice %arg10[%dma_start3A_153, %dma_start3A_154] : memref<51200x32xf32, #tpu.memory_space<vmem_shared>> -> memref<51200x32xf32, #tpu.memory_space<vmem_shared>>
        tpu.enqueue_indirect_dma source(%arg8 : memref<128x32xf32, #tpu.memory_space<vmem>>) target(%dma_start3A_155 : memref<51200x32xf32, #tpu.memory_space<vmem_shared>>) offsets(%dma_start3A_152 : memref<128xi32, #tpu.memory_space<vmem>>) semaphore(%run_scoped3A_149 : memref<!tpu.dma_semaphore, #tpu.memory_space<semaphore_mem>>) {add = true}
        %dma_wait3A_156 = arith.constant 0 : i32
        %dma_wait3A_157 = tpu.memref_slice %arg7[%run_scoped3A_117, %dma_wait3A_156] : memref<8x128xi32, #tpu.memory_space<vmem>> -> memref<1x128xi32, #tpu.memory_space<vmem>>
        %dma_wait3A_158 = tpu.memref_squeeze %dma_wait3A_157 : memref<1x128xi32, #tpu.memory_space<vmem>> -> memref<128xi32, #tpu.memory_space<vmem>>
        %dma_wait3A_159 = arith.constant 0 : i32
        %dma_wait3A_160 = arith.constant 0 : i32
        %dma_wait3A_161 = tpu.memref_slice %arg10[%dma_wait3A_159, %dma_wait3A_160] : memref<51200x32xf32, #tpu.memory_space<vmem_shared>> -> memref<51200x32xf32, #tpu.memory_space<vmem_shared>>
        tpu.wait_indirect_dma semaphore(%run_scoped3A_149 : memref<!tpu.dma_semaphore, #tpu.memory_space<semaphore_mem>>) src(%arg8 : memref<128x32xf32, #tpu.memory_space<vmem>>) dst(%dma_wait3A_161 : memref<51200x32xf32, #tpu.memory_space<vmem_shared>>)
        tpu.yield
      }) : () -> ()
      %dma_start3A_118 = arith.constant 6 : i32
      %dma_start3A_119 = arith.constant 0 : i32
      %dma_start3A_120 = tpu.memref_slice %arg6[%dma_start3A_118, %dma_start3A_119] : memref<8x128xi32, #tpu.memory_space<vmem>> -> memref<1x128xi32, #tpu.memory_space<vmem>>
      %dma_start3A_121 = tpu.memref_squeeze %dma_start3A_120 : memref<1x128xi32, #tpu.memory_space<vmem>> -> memref<128xi32, #tpu.memory_space<vmem>>
      %dma_start3A_122 = arith.constant 0 : i32
      %dma_start3A_123 = arith.constant 0 : i32
      %dma_start3A_124 = tpu.memref_slice %arg2[%dma_start3A_122, %dma_start3A_123] : memref<102400x32xf32, #tpu.memory_space<hbm>> -> memref<102400x32xf32, #tpu.memory_space<hbm>>
      tpu.enqueue_indirect_dma source(%dma_start3A_124 : memref<102400x32xf32, #tpu.memory_space<hbm>>) target(%arg8 : memref<128x32xf32, #tpu.memory_space<vmem>>) offsets(%dma_start3A_121 : memref<128xi32, #tpu.memory_space<vmem>>) semaphore(%arg11 : memref<!tpu.dma_semaphore, #tpu.memory_space<semaphore_mem>>)
      %dma_wait3A_125 = arith.constant 6 : i32
      %dma_wait3A_126 = arith.constant 0 : i32
      %dma_wait3A_127 = tpu.memref_slice %arg6[%dma_wait3A_125, %dma_wait3A_126] : memref<8x128xi32, #tpu.memory_space<vmem>> -> memref<1x128xi32, #tpu.memory_space<vmem>>
      %dma_wait3A_128 = tpu.memref_squeeze %dma_wait3A_127 : memref<1x128xi32, #tpu.memory_space<vmem>> -> memref<128xi32, #tpu.memory_space<vmem>>
      %dma_wait3A_129 = arith.constant 0 : i32
      %dma_wait3A_130 = arith.constant 0 : i32
      %dma_wait3A_131 = tpu.memref_slice %arg2[%dma_wait3A_129, %dma_wait3A_130] : memref<102400x32xf32, #tpu.memory_space<hbm>> -> memref<102400x32xf32, #tpu.memory_space<hbm>>
      tpu.wait_indirect_dma semaphore(%arg11 : memref<!tpu.dma_semaphore, #tpu.memory_space<semaphore_mem>>) src(%dma_wait3A_131 : memref<102400x32xf32, #tpu.memory_space<hbm>>) dst(%arg8 : memref<128x32xf32, #tpu.memory_space<vmem>>)
      %run_scoped3A_132 = arith.constant 6 : i32
      "tpu.region"() ({
        %run_scoped3A_149 = tpu.sem_alloc : memref<!tpu.dma_semaphore, #tpu.memory_space<semaphore_mem>>
        %dma_start3A_150 = arith.constant 0 : i32
        %dma_start3A_151 = tpu.memref_slice %arg7[%run_scoped3A_132, %dma_start3A_150] : memref<8x128xi32, #tpu.memory_space<vmem>> -> memref<1x128xi32, #tpu.memory_space<vmem>>
        %dma_start3A_152 = tpu.memref_squeeze %dma_start3A_151 : memref<1x128xi32, #tpu.memory_space<vmem>> -> memref<128xi32, #tpu.memory_space<vmem>>
        %dma_start3A_153 = arith.constant 0 : i32
        %dma_start3A_154 = arith.constant 0 : i32
        %dma_start3A_155 = tpu.memref_slice %arg10[%dma_start3A_153, %dma_start3A_154] : memref<51200x32xf32, #tpu.memory_space<vmem_shared>> -> memref<51200x32xf32, #tpu.memory_space<vmem_shared>>
        tpu.enqueue_indirect_dma source(%arg8 : memref<128x32xf32, #tpu.memory_space<vmem>>) target(%dma_start3A_155 : memref<51200x32xf32, #tpu.memory_space<vmem_shared>>) offsets(%dma_start3A_152 : memref<128xi32, #tpu.memory_space<vmem>>) semaphore(%run_scoped3A_149 : memref<!tpu.dma_semaphore, #tpu.memory_space<semaphore_mem>>) {add = true}
        %dma_wait3A_156 = arith.constant 0 : i32
        %dma_wait3A_157 = tpu.memref_slice %arg7[%run_scoped3A_132, %dma_wait3A_156] : memref<8x128xi32, #tpu.memory_space<vmem>> -> memref<1x128xi32, #tpu.memory_space<vmem>>
        %dma_wait3A_158 = tpu.memref_squeeze %dma_wait3A_157 : memref<1x128xi32, #tpu.memory_space<vmem>> -> memref<128xi32, #tpu.memory_space<vmem>>
        %dma_wait3A_159 = arith.constant 0 : i32
        %dma_wait3A_160 = arith.constant 0 : i32
        %dma_wait3A_161 = tpu.memref_slice %arg10[%dma_wait3A_159, %dma_wait3A_160] : memref<51200x32xf32, #tpu.memory_space<vmem_shared>> -> memref<51200x32xf32, #tpu.memory_space<vmem_shared>>
        tpu.wait_indirect_dma semaphore(%run_scoped3A_149 : memref<!tpu.dma_semaphore, #tpu.memory_space<semaphore_mem>>) src(%arg8 : memref<128x32xf32, #tpu.memory_space<vmem>>) dst(%dma_wait3A_161 : memref<51200x32xf32, #tpu.memory_space<vmem_shared>>)
        tpu.yield
      }) : () -> ()
      %dma_start3A_133 = arith.constant 7 : i32
      %dma_start3A_134 = arith.constant 0 : i32
      %dma_start3A_135 = tpu.memref_slice %arg6[%dma_start3A_133, %dma_start3A_134] : memref<8x128xi32, #tpu.memory_space<vmem>> -> memref<1x128xi32, #tpu.memory_space<vmem>>
      %dma_start3A_136 = tpu.memref_squeeze %dma_start3A_135 : memref<1x128xi32, #tpu.memory_space<vmem>> -> memref<128xi32, #tpu.memory_space<vmem>>
      %dma_start3A_137 = arith.constant 0 : i32
      %dma_start3A_138 = arith.constant 0 : i32
      %dma_start3A_139 = tpu.memref_slice %arg2[%dma_start3A_137, %dma_start3A_138] : memref<102400x32xf32, #tpu.memory_space<hbm>> -> memref<102400x32xf32, #tpu.memory_space<hbm>>
      tpu.enqueue_indirect_dma source(%dma_start3A_139 : memref<102400x32xf32, #tpu.memory_space<hbm>>) target(%arg8 : memref<128x32xf32, #tpu.memory_space<vmem>>) offsets(%dma_start3A_136 : memref<128xi32, #tpu.memory_space<vmem>>) semaphore(%arg11 : memref<!tpu.dma_semaphore, #tpu.memory_space<semaphore_mem>>)
      %dma_wait3A_140 = arith.constant 7 : i32
      %dma_wait3A_141 = arith.constant 0 : i32
      %dma_wait3A_142 = tpu.memref_slice %arg6[%dma_wait3A_140, %dma_wait3A_141] : memref<8x128xi32, #tpu.memory_space<vmem>> -> memref<1x128xi32, #tpu.memory_space<vmem>>
      %dma_wait3A_143 = tpu.memref_squeeze %dma_wait3A_142 : memref<1x128xi32, #tpu.memory_space<vmem>> -> memref<128xi32, #tpu.memory_space<vmem>>
      %dma_wait3A_144 = arith.constant 0 : i32
      %dma_wait3A_145 = arith.constant 0 : i32
      %dma_wait3A_146 = tpu.memref_slice %arg2[%dma_wait3A_144, %dma_wait3A_145] : memref<102400x32xf32, #tpu.memory_space<hbm>> -> memref<102400x32xf32, #tpu.memory_space<hbm>>
      tpu.wait_indirect_dma semaphore(%arg11 : memref<!tpu.dma_semaphore, #tpu.memory_space<semaphore_mem>>) src(%dma_wait3A_146 : memref<102400x32xf32, #tpu.memory_space<hbm>>) dst(%arg8 : memref<128x32xf32, #tpu.memory_space<vmem>>)
      %run_scoped3A_147 = arith.constant 7 : i32
      "tpu.region"() ({
        %run_scoped3A_149 = tpu.sem_alloc : memref<!tpu.dma_semaphore, #tpu.memory_space<semaphore_mem>>
        %dma_start3A_150 = arith.constant 0 : i32
        %dma_start3A_151 = tpu.memref_slice %arg7[%run_scoped3A_147, %dma_start3A_150] : memref<8x128xi32, #tpu.memory_space<vmem>> -> memref<1x128xi32, #tpu.memory_space<vmem>>
        %dma_start3A_152 = tpu.memref_squeeze %dma_start3A_151 : memref<1x128xi32, #tpu.memory_space<vmem>> -> memref<128xi32, #tpu.memory_space<vmem>>
        %dma_start3A_153 = arith.constant 0 : i32
        %dma_start3A_154 = arith.constant 0 : i32
        %dma_start3A_155 = tpu.memref_slice %arg10[%dma_start3A_153, %dma_start3A_154] : memref<51200x32xf32, #tpu.memory_space<vmem_shared>> -> memref<51200x32xf32, #tpu.memory_space<vmem_shared>>
        tpu.enqueue_indirect_dma source(%arg8 : memref<128x32xf32, #tpu.memory_space<vmem>>) target(%dma_start3A_155 : memref<51200x32xf32, #tpu.memory_space<vmem_shared>>) offsets(%dma_start3A_152 : memref<128xi32, #tpu.memory_space<vmem>>) semaphore(%run_scoped3A_149 : memref<!tpu.dma_semaphore, #tpu.memory_space<semaphore_mem>>) {add = true}
        %dma_wait3A_156 = arith.constant 0 : i32
        %dma_wait3A_157 = tpu.memref_slice %arg7[%run_scoped3A_147, %dma_wait3A_156] : memref<8x128xi32, #tpu.memory_space<vmem>> -> memref<1x128xi32, #tpu.memory_space<vmem>>
        %dma_wait3A_158 = tpu.memref_squeeze %dma_wait3A_157 : memref<1x128xi32, #tpu.memory_space<vmem>> -> memref<128xi32, #tpu.memory_space<vmem>>
        %dma_wait3A_159 = arith.constant 0 : i32
        %dma_wait3A_160 = arith.constant 0 : i32
        %dma_wait3A_161 = tpu.memref_slice %arg10[%dma_wait3A_159, %dma_wait3A_160] : memref<51200x32xf32, #tpu.memory_space<vmem_shared>> -> memref<51200x32xf32, #tpu.memory_space<vmem_shared>>
        tpu.wait_indirect_dma semaphore(%run_scoped3A_149 : memref<!tpu.dma_semaphore, #tpu.memory_space<semaphore_mem>>) src(%arg8 : memref<128x32xf32, #tpu.memory_space<vmem>>) dst(%dma_wait3A_161 : memref<51200x32xf32, #tpu.memory_space<vmem_shared>>)
        tpu.yield
      }) : () -> ()
      %scan3A_148 = arith.constant 0 : i32
      scf.yield %scan3A_148 : i32
    }
    %scan3A_20 = arith.constant 50 : i32
    %barrier3A_21 = arith.constant 0 : index
    tpu.barrier barrier_id(%barrier3A_21)
    %mul3A = arith.constant 3200 : i32
    %mul3A_22 = arith.muli %arg1, %mul3A : i32
    %mul3A_23 = arith.constant 3200 : i32
    %mul3A_24 = arith.muli %arg1, %mul3A_23 : i32
    "tpu.region"() ({
      %run_scoped3A = tpu.sem_alloc : memref<!tpu.dma_semaphore, #tpu.memory_space<semaphore_mem>>
      %dma_start3A = arith.constant 0 : i32
      %dma_start3A_25 = tpu.memref_slice %arg5[%arg0, %mul3A_24, %dma_start3A] : memref<2x51200x32xf32, #tpu.memory_space<hbm>> -> memref<1x3200x32xf32, #tpu.memory_space<hbm>>
      %dma_start3A_26 = tpu.memref_squeeze %dma_start3A_25 : memref<1x3200x32xf32, #tpu.memory_space<hbm>> -> memref<3200x32xf32, #tpu.memory_space<hbm>>
      %dma_start3A_27 = arith.constant 0 : i32
      %dma_start3A_28 = tpu.memref_slice %arg10[%mul3A_22, %dma_start3A_27] : memref<51200x32xf32, #tpu.memory_space<vmem_shared>> -> memref<3200x32xf32, #tpu.memory_space<vmem_shared>>
      tpu.enqueue_dma source(%dma_start3A_28 : memref<3200x32xf32, #tpu.memory_space<vmem_shared>>) target(%dma_start3A_26 : memref<3200x32xf32, #tpu.memory_space<hbm>>) target_semaphore(%run_scoped3A : memref<!tpu.dma_semaphore, #tpu.memory_space<semaphore_mem>>)
      %dma_wait3A = arith.constant 0 : i32
      %dma_wait3A_29 = tpu.memref_slice %arg5[%arg0, %mul3A_24, %dma_wait3A] : memref<2x51200x32xf32, #tpu.memory_space<hbm>> -> memref<1x3200x32xf32, #tpu.memory_space<hbm>>
      %dma_wait3A_30 = tpu.memref_squeeze %dma_wait3A_29 : memref<1x3200x32xf32, #tpu.memory_space<hbm>> -> memref<3200x32xf32, #tpu.memory_space<hbm>>
      %dma_wait3A_31 = arith.constant 0 : i32
      %dma_wait3A_32 = tpu.memref_slice %arg10[%mul3A_22, %dma_wait3A_31] : memref<51200x32xf32, #tpu.memory_space<vmem_shared>> -> memref<3200x32xf32, #tpu.memory_space<vmem_shared>>
      tpu.wait_dma2 semaphore(%run_scoped3A : memref<!tpu.dma_semaphore, #tpu.memory_space<semaphore_mem>>) src(%dma_wait3A_32 : memref<3200x32xf32, #tpu.memory_space<vmem_shared>>) dst(%dma_wait3A_30 : memref<3200x32xf32, #tpu.memory_space<hbm>>)
      tpu.yield
    }) : () -> ()
    return
  }
}

module attributes {stable_mosaic.version = 14 : i64} {
  func.func @body(%arg0: i32, %arg1: i32, %arg2: memref<1x512x32xf32, #tpu.memory_space<vmem>>, %arg3: memref<2x512xf32, #tpu.memory_space<vmem>>, %arg4: memref<1x512x32xf32, #tpu.memory_space<vmem>>, %arg5: memref<512xf32, #tpu.memory_space<vmem>>) attributes {dimension_semantics = [#tpu.dimension_semantics<arbitrary>, #tpu.dimension_semantics<arbitrary>], iteration_bounds = array<i64: 2, 100>, scalar_prefetch = 0 : i64, scratch_operands = 0 : i64, tpu.core_type = #tpu.core_type<tc>, window_params = [{transform_indices = @transform_0, window_bounds = array<i64: 1, 512, 32>}, {transform_indices = @transform_1, window_bounds = array<i64: 2, 512>}, {transform_indices = @transform_2, window_bounds = array<i64: 1, 512, 32>}, {transform_indices = @transform_3, window_bounds = array<i64: 512>}]} {
    %get3A = arith.constant 0 : index
    %get3A_0 = arith.constant 0 : index
    %get3A_1 = vector.load %arg3[%get3A, %get3A_0] : memref<2x512xf32, #tpu.memory_space<vmem>>, vector<1x512xf32>
    %get3A_2 = vector.shape_cast %get3A_1 : vector<1x512xf32> to vector<512xf32>
    %get3A_3 = arith.constant 1 : index
    %get3A_4 = arith.constant 0 : index
    %get3A_5 = vector.load %arg3[%get3A_3, %get3A_4] : memref<2x512xf32, #tpu.memory_space<vmem>>, vector<1x512xf32>
    %get3A_6 = vector.shape_cast %get3A_5 : vector<1x512xf32> to vector<512xf32>
    %add3A = arith.addf %get3A_2, %get3A_6 : vector<512xf32>
    %gt3A = arith.constant 0.000000e+00 : f32
    %gt3A_7 = vector.broadcast %gt3A : f32 to vector<512xf32>
    %gt3A_8 = arith.cmpf ogt, %add3A, %gt3A_7 : vector<512xf32>
    %rsqrt3A = math.rsqrt %add3A : vector<512xf32>
    %jit3A = arith.constant 0.000000e+00 : f32
    %broadcast_in_dim3A = vector.broadcast %jit3A : f32 to vector<512xf32>
    %select_n3A = arith.select %gt3A_8, %rsqrt3A, %broadcast_in_dim3A : vector<512xi1>, vector<512xf32>
    %swap3A = arith.constant 0 : index
    %swap3A_9 = vector.load %arg5[%swap3A] : memref<512xf32, #tpu.memory_space<vmem>>, vector<512xf32>
    tpu.vector_store %arg5[%swap3A], %select_n3A {strides = array<i32>} : memref<512xf32, #tpu.memory_space<vmem>>, vector<512xf32>,
    %get3A_10 = arith.constant 0 : index
    %get3A_11 = arith.constant 0 : index
    %get3A_12 = arith.constant 0 : index
    %get3A_13 = vector.load %arg2[%get3A_10, %get3A_11, %get3A_12] : memref<1x512x32xf32, #tpu.memory_space<vmem>>, vector<1x512x32xf32>
    %get3A_14 = vector.shape_cast %get3A_13 : vector<1x512x32xf32> to vector<512x32xf32>
    %broadcast_in_dim3A_15 = vector.shape_cast %select_n3A : vector<512xf32> to vector<512x1xf32>
    %mul3A = vector.broadcast %broadcast_in_dim3A_15 : vector<512x1xf32> to vector<512x32xf32>
    %mul3A_16 = arith.mulf %get3A_14, %mul3A : vector<512x32xf32>
    %swap3A_17 = arith.constant 0 : index
    %swap3A_18 = arith.constant 0 : index
    %swap3A_19 = arith.constant 0 : index
    %swap3A_20 = vector.load %arg4[%swap3A_17, %swap3A_18, %swap3A_19] : memref<1x512x32xf32, #tpu.memory_space<vmem>>, vector<1x512x32xf32>
    %swap3A_21 = vector.shape_cast %swap3A_20 : vector<1x512x32xf32> to vector<512x32xf32>
    %swap3A_22 = vector.shape_cast %mul3A_16 : vector<512x32xf32> to vector<1x512x32xf32>
    tpu.vector_store %arg4[%swap3A_17, %swap3A_18, %swap3A_19], %swap3A_22 {strides = array<i32>} : memref<1x512x32xf32, #tpu.memory_space<vmem>>, vector<1x512x32xf32>,
    return
  }
  func.func @transform_0(%arg0: i32, %arg1: i32) -> (i32, i32, i32) {
    %c0_i32 = arith.constant 0 : i32
    %c0_i32_0 = arith.constant 0 : i32
    return %arg0, %arg1, %c0_i32 : i32, i32, i32
  }
  func.func @transform_1(%arg0: i32, %arg1: i32) -> (i32, i32) {
    %c0_i32 = arith.constant 0 : i32
    %c0_i32_0 = arith.constant 0 : i32
    return %c0_i32, %arg1 : i32, i32
  }
  func.func @transform_2(%arg0: i32, %arg1: i32) -> (i32, i32, i32) {
    %c0_i32 = arith.constant 0 : i32
    %c0_i32_0 = arith.constant 0 : i32
    return %arg0, %arg1, %c0_i32 : i32, i32, i32
  }
  func.func @transform_3(%arg0: i32, %arg1: i32) -> i32 {
    %c0_i32 = arith.constant 0 : i32
    return %arg1 : i32
  }
}

module attributes {stable_mosaic.version = 14 : i64} {
  func.func @body(%arg0: i32, %arg1: i32, %arg2: memref<1x512x32xf32, #tpu.memory_space<vmem>>, %arg3: memref<512xf32, #tpu.memory_space<vmem>>, %arg4: memref<1x512x32xf32, #tpu.memory_space<vmem>>) attributes {dimension_semantics = [#tpu.dimension_semantics<arbitrary>, #tpu.dimension_semantics<arbitrary>], iteration_bounds = array<i64: 2, 100>, scalar_prefetch = 0 : i64, scratch_operands = 0 : i64, tpu.core_type = #tpu.core_type<tc>, window_params = [{transform_indices = @transform_0, window_bounds = array<i64: 1, 512, 32>}, {transform_indices = @transform_1, window_bounds = array<i64: 512>}, {transform_indices = @transform_2, window_bounds = array<i64: 1, 512, 32>}]} {
    %get3A = arith.constant 0 : index
    %get3A_0 = vector.load %arg3[%get3A] : memref<512xf32, #tpu.memory_space<vmem>>, vector<512xf32>
    %get3A_1 = arith.constant 0 : index
    %get3A_2 = arith.constant 0 : index
    %get3A_3 = arith.constant 0 : index
    %get3A_4 = vector.load %arg2[%get3A_1, %get3A_2, %get3A_3] : memref<1x512x32xf32, #tpu.memory_space<vmem>>, vector<1x512x32xf32>
    %get3A_5 = vector.shape_cast %get3A_4 : vector<1x512x32xf32> to vector<512x32xf32>
    %mul3A = arith.mulf %get3A_0, %get3A_0 : vector<512xf32>
    %broadcast_in_dim3A = vector.shape_cast %mul3A : vector<512xf32> to vector<512x1xf32>
    %mul3A_6 = vector.broadcast %broadcast_in_dim3A : vector<512x1xf32> to vector<512x32xf32>
    %mul3A_7 = arith.mulf %get3A_5, %mul3A_6 : vector<512x32xf32>
    %swap3A = arith.constant 0 : index
    %swap3A_8 = arith.constant 0 : index
    %swap3A_9 = arith.constant 0 : index
    %swap3A_10 = vector.load %arg4[%swap3A, %swap3A_8, %swap3A_9] : memref<1x512x32xf32, #tpu.memory_space<vmem>>, vector<1x512x32xf32>
    %swap3A_11 = vector.shape_cast %swap3A_10 : vector<1x512x32xf32> to vector<512x32xf32>
    %swap3A_12 = vector.shape_cast %mul3A_7 : vector<512x32xf32> to vector<1x512x32xf32>
    tpu.vector_store %arg4[%swap3A, %swap3A_8, %swap3A_9], %swap3A_12 {strides = array<i32>} : memref<1x512x32xf32, #tpu.memory_space<vmem>>, vector<1x512x32xf32>,
    return
  }
  func.func @transform_0(%arg0: i32, %arg1: i32) -> (i32, i32, i32) {
    %c0_i32 = arith.constant 0 : i32
    %c0_i32_0 = arith.constant 0 : i32
    return %arg0, %arg1, %c0_i32 : i32, i32, i32
  }
  func.func @transform_1(%arg0: i32, %arg1: i32) -> i32 {
    %c0_i32 = arith.constant 0 : i32
    return %arg1 : i32
  }
  func.func @transform_2(%arg0: i32, %arg1: i32) -> (i32, i32, i32) {
    %c0_i32 = arith.constant 0 : i32
    %c0_i32_0 = arith.constant 0 : i32
    return %arg0, %arg1, %c0_i32 : i32, i32, i32
  }
}

module attributes {stable_mosaic.version = 14 : i64} {
  func.func @body(%arg0: i32, %arg1: i32, %arg2: memref<1x512x32xf32, #tpu.memory_space<vmem>>, %arg3: memref<1x512x32xf32, #tpu.memory_space<vmem>>, %arg4: memref<1x512x32xf32, #tpu.memory_space<vmem>>, %arg5: memref<1x512x32xf32, #tpu.memory_space<vmem>>, %arg6: memref<512xf32, #tpu.memory_space<vmem>>, %arg7: memref<1x512x32xf32, #tpu.memory_space<vmem>>) attributes {dimension_semantics = [#tpu.dimension_semantics<arbitrary>, #tpu.dimension_semantics<arbitrary>], iteration_bounds = array<i64: 2, 100>, scalar_prefetch = 0 : i64, scratch_operands = 0 : i64, tpu.core_type = #tpu.core_type<tc>, window_params = [{transform_indices = @transform_0, window_bounds = array<i64: 1, 512, 32>}, {transform_indices = @transform_1, window_bounds = array<i64: 1, 512, 32>}, {transform_indices = @transform_2, window_bounds = array<i64: 1, 512, 32>}, {transform_indices = @transform_3, window_bounds = array<i64: 1, 512, 32>}, {transform_indices = @transform_4, window_bounds = array<i64: 512>}, {transform_indices = @transform_5, window_bounds = array<i64: 1, 512, 32>}]} {
    %get3A = arith.constant 0 : index
    %get3A_0 = arith.constant 0 : index
    %get3A_1 = arith.constant 0 : index
    %get3A_2 = vector.load %arg3[%get3A, %get3A_0, %get3A_1] : memref<1x512x32xf32, #tpu.memory_space<vmem>>, vector<1x512x32xf32>
    %get3A_3 = vector.shape_cast %get3A_2 : vector<1x512x32xf32> to vector<512x32xf32>
    %get3A_4 = arith.constant 0 : index
    %get3A_5 = arith.constant 0 : index
    %get3A_6 = arith.constant 0 : index
    %get3A_7 = vector.load %arg4[%get3A_4, %get3A_5, %get3A_6] : memref<1x512x32xf32, #tpu.memory_space<vmem>>, vector<1x512x32xf32>
    %get3A_8 = vector.shape_cast %get3A_7 : vector<1x512x32xf32> to vector<512x32xf32>
    %add3A = arith.addf %get3A_3, %get3A_8 : vector<512x32xf32>
    %get3A_9 = arith.constant 0 : index
    %get3A_10 = arith.constant 0 : index
    %get3A_11 = arith.constant 0 : index
    %get3A_12 = vector.load %arg5[%get3A_9, %get3A_10, %get3A_11] : memref<1x512x32xf32, #tpu.memory_space<vmem>>, vector<1x512x32xf32>
    %get3A_13 = vector.shape_cast %get3A_12 : vector<1x512x32xf32> to vector<512x32xf32>
    %add3A_14 = arith.addf %add3A, %get3A_13 : vector<512x32xf32>
    %get3A_15 = arith.constant 0 : index
    %get3A_16 = vector.load %arg6[%get3A_15] : memref<512xf32, #tpu.memory_space<vmem>>, vector<512xf32>
    %get3A_17 = arith.constant 0 : index
    %get3A_18 = arith.constant 0 : index
    %get3A_19 = arith.constant 0 : index
    %get3A_20 = vector.load %arg2[%get3A_17, %get3A_18, %get3A_19] : memref<1x512x32xf32, #tpu.memory_space<vmem>>, vector<1x512x32xf32>
    %get3A_21 = vector.shape_cast %get3A_20 : vector<1x512x32xf32> to vector<512x32xf32>
    %mul3A = arith.constant 2.500000e-01 : f32
    %mul3A_22 = vector.broadcast %mul3A : f32 to vector<512x32xf32>
    %mul3A_23 = arith.mulf %mul3A_22, %get3A_21 : vector<512x32xf32>
    %broadcast_in_dim3A = vector.shape_cast %get3A_16 : vector<512xf32> to vector<512x1xf32>
    %mul3A_24 = arith.constant 2.500000e-01 : f32
    %mul3A_25 = vector.broadcast %mul3A_24 : f32 to vector<512x1xf32>
    %mul3A_26 = arith.mulf %mul3A_25, %broadcast_in_dim3A : vector<512x1xf32>
    %mul3A_27 = vector.broadcast %mul3A_26 : vector<512x1xf32> to vector<512x32xf32>
    %mul3A_28 = arith.mulf %mul3A_27, %add3A_14 : vector<512x32xf32>
    %add3A_29 = arith.addf %mul3A_23, %mul3A_28 : vector<512x32xf32>
    %swap3A = arith.constant 0 : index
    %swap3A_30 = arith.constant 0 : index
    %swap3A_31 = arith.constant 0 : index
    %swap3A_32 = vector.load %arg7[%swap3A, %swap3A_30, %swap3A_31] : memref<1x512x32xf32, #tpu.memory_space<vmem>>, vector<1x512x32xf32>
    %swap3A_33 = vector.shape_cast %swap3A_32 : vector<1x512x32xf32> to vector<512x32xf32>
    %swap3A_34 = vector.shape_cast %add3A_29 : vector<512x32xf32> to vector<1x512x32xf32>
    tpu.vector_store %arg7[%swap3A, %swap3A_30, %swap3A_31], %swap3A_34 {strides = array<i32>} : memref<1x512x32xf32, #tpu.memory_space<vmem>>, vector<1x512x32xf32>,
    return
  }
  func.func @transform_0(%arg0: i32, %arg1: i32) -> (i32, i32, i32) {
    %c0_i32 = arith.constant 0 : i32
    %c0_i32_0 = arith.constant 0 : i32
    return %arg0, %arg1, %c0_i32 : i32, i32, i32
  }
  func.func @transform_1(%arg0: i32, %arg1: i32) -> (i32, i32, i32) {
    %c0_i32 = arith.constant 0 : i32
    %c0_i32_0 = arith.constant 0 : i32
    return %arg0, %arg1, %c0_i32 : i32, i32, i32
  }
  func.func @transform_2(%arg0: i32, %arg1: i32) -> (i32, i32, i32) {
    %c0_i32 = arith.constant 0 : i32
    %c0_i32_0 = arith.constant 0 : i32
    return %arg0, %arg1, %c0_i32 : i32, i32, i32
  }
  func.func @transform_3(%arg0: i32, %arg1: i32) -> (i32, i32, i32) {
    %c0_i32 = arith.constant 0 : i32
    %c0_i32_0 = arith.constant 0 : i32
    return %arg0, %arg1, %c0_i32 : i32, i32, i32
  }
  func.func @transform_4(%arg0: i32, %arg1: i32) -> i32 {
    %c0_i32 = arith.constant 0 : i32
    return %arg1 : i32
  }
  func.func @transform_5(%arg0: i32, %arg1: i32) -> (i32, i32, i32) {
    %c0_i32 = arith.constant 0 : i32
    %c0_i32_0 = arith.constant 0 : i32
    return %arg0, %arg1, %c0_i32 : i32, i32, i32
  }
}

</mosaic_0001>

<sc_bundles>
// kernel: kernel.10.cloned.1.call-start
scs
__scs_entry_jumppad:
0x0: {  	(pc) =	sbr.rel $0x88, $3  }
0x1: {  	(tag) =	ssettag $0x0;
	lr =	simm.s32 $0x1  }
0x2: {  	[smem:$0x3F9E] =	sst lr;
	_ =	strace $0xD0000000  }
0x3: {  	_ = 	snop  }
0x4: {  	_ = 	snop  }
0x5: {  	_ = 	snop  }
0x6: {  	_ = 	snop  }
0x7: {  	_ = 	snop  }
__scs_overlays_trampoline_lowered:
0x8: {  	[smem:$0x3FAD] =	sst s0  }
0x9: {  	[smem:$0x3FAE] =	sst s1  }
0xa: {  	[smem:$0x3FAF] =	sst s2  }
0xb: {  	[smem:$0x3FB0] =	sst s3  }
0xc: {  	[smem:$0x3FB1] =	sst s4  }
0xd: {  	[smem:$0x3FB2] =	sst s5  }
0xe: {  	[smem:$0x3FB3] =	sst s6  }
0xf: {  	[smem:$0x3FB4] =	sst s7  }
0x10: {  	[smem:$0x3FB5] =	sst s8  }
0x11: {  	[smem:$0x3FB6] =	sst s9;
	s0 =	simm.s32 @!p0 $0x0  }
0x12: {  	s1 =	sld [smem:$0x3F9C];
	s0 =	simm.s32 @p0 $0x1  }
0x13: {  	[smem:$0x3FB7] =	sst s0;
	s0 =	simm.s32 @!p1 $0x0  }
0x14: {  	s2 =	sld [smem:$0x3F9B];
	s0 =	simm.s32 @p1 $0x1  }
0x15: {  	[smem:$0x3FB8] =	sst s0;
	s0 =	simm.s32 @!p2 $0x0  }
0x16: {  	s3 =	sld [smem:$0x3FDB];
	s0 =	simm.s32 @p2 $0x1  }
0x17: {  	s4 =	simm.s32 $0x1BF5;
	[smem:$0x3FBA] =	sst s0  }
0x18: {  	s0 =	sld [smem:$0x3F9D];
	_ =	swait.ge [sflag:s4], $0x0  }
0x19: {  	s7 =	sld [smem:$0x3F9E]  }
0x1a: {  	s8 =	sadd.s32 $0xFFFFE003, lr  }
0x1b: {  	s9 =	sadd.s32 $0xFFFFFEF7, lr;
	s5 =	simm.s32 $0xFFFFFFFF;
	p2 =	slt.u32 s8, $0xFFFFF086  }
0x1c: {  	p1 =	slt.u32 s9, $0xF7A;
	s5 =	simm.s32 @!p2 $0x0  }
0x1d: {  	s5 =	simm.s32 @p1 $0x1;
	p0 =	seq.s32 s7, s2  }
0x1e: {  	s7 =	smul.u32 @!p0 $0xF7A, s2;
	p2 =	seq.s32 @!p0 s5, $0x0  }
0x1f: {  	s9 =	smul.u32 $0xF7A, s1;
	s8 =	simm.s32 @!p0 $0x1BF5;
	p2 =	por !p2, p0  }
0x20: {  	[sflag:s8] =	ssyncset.s32 @!p0 $0xFFFFF086;
	s6 =	sadd.s32 @!p0 s3, s7;
	s7 =	simm.s32 @!p0 $0x108  }
0x21: {  	s3 =	sadd.s32 s3, s9;
	s6 =	sadd.s32 @!p0 $0x88, s6;
	s7 =	simm.s32 @p2 $0x1082  }
0x22: {  	[simem:s7], [sflag:s8] =	dma.local @!p0 [hbm:s6], $0xF7A  }
0x23: {  	s9 =	sor.u32 $0xD0000000, s2;
	s6 =	simm.s32 $0x108;
	_ =	swait.ge @!p0 [sflag:s8], $0x0  }
0x24: {  	s3 =	sadd.s32 $0x88, s3;
	s6 =	simm.s32 @!p1 $0x1082;
	[sflag:s4] =	ssyncset.s32 $0xFFFFF086  }
0x25: {  	[simem:s6], [sflag:s4] =	dma.local [hbm:s3], $0xF7A  }
0x26: {  	[smem:$0x3F9E] =	sst s1;
	(tag) =	ssettag s2;
	_ =	strace s9  }
0x27: {  	s1 =	sld [smem:$0x3FAE]  }
0x28: {  	s2 =	sld [smem:$0x3FAF]  }
0x29: {  	s4 =	sld [smem:$0x3FB1]  }
0x2a: {  	p0 =	seq.s32 s5, $0x0;
	s5 =	sld [smem:$0x3FB2]  }
0x2b: {  	s6 =	sld [smem:$0x3FB3]  }
0x2c: {  	s7 =	sld [smem:$0x3FB4]  }
0x2d: {  	s3 =	simm.s32 $0x108;
	s8 =	sld [smem:$0x3FB5]  }
0x2e: {  	s3 =	simm.s32 @!p0 $0x1082;
	s9 =	sld [smem:$0x3FB6]  }
0x2f: {  	lr =	sadd.s32 s0, s3;
	s0 =	sld [smem:$0x3FAD]  }
0x30: {  	s3 =	sld [smem:$0x3FB0]  }
0x31: {  	[smem:$0x3FB9] =	sst s10  }
0x32: {  	s10 =	sld [smem:$0x3FB7];
	_ =	sdelay $0x3  }
0x33: {  	p0 =	seq.s32 s10, $0x1;
	s10 =	sld [smem:$0x3FB9];
	_ =	sdelay $0x3  }
0x34: {  	[smem:$0x3FB9] =	sst s10  }
0x35: {  	s10 =	sld [smem:$0x3FB8];
	_ =	sdelay $0x3  }
0x36: {  	p1 =	seq.s32 s10, $0x1;
	s10 =	sld [smem:$0x3FB9];
	_ =	sdelay $0x3  }
0x37: {  	[smem:$0x3FB9] =	sst s10  }
0x38: {  	s10 =	sld [smem:$0x3FBA]  }
0x39: {  	_ = 	snop;
	(pc) =	sbr.ind lr, $3  }
0x3a: {  	_ = 	snop  }
0x3b: {  	_ = 	snop  }
0x3c: {  	p2 =	seq.s32 s10, $0x1;
	s10 =	sld [smem:$0x3FB9]  }
0x3d: {  	_ =	shalt  }
0x3e: {  	_ =	shalt  }
0x3f: {  	_ =	shalt  }
0x40: {  	_ =	shalt  }
0x41: {  	_ =	shalt  }
0x42: {  	_ =	shalt  }
0x43: {  	_ =	shalt  }
0x44: {  	_ =	shalt  }
0x45: {  	_ =	shalt  }
0x46: {  	_ =	shalt  }
0x47: {  	_ =	shalt  }
0x48: {  	_ =	shalt  }
0x49: {  	_ =	shalt  }
0x4a: {  	_ =	shalt  }
0x4b: {  	_ =	shalt  }
0x4c: {  	_ =	shalt  }
0x4d: {  	_ =	shalt  }
0x4e: {  	_ =	shalt  }
0x4f: {  	_ =	shalt  }
0x50: {  	_ =	shalt  }
0x51: {  	_ =	shalt  }
0x52: {  	_ =	shalt  }
0x53: {  	_ =	shalt  }
0x54: {  	_ =	shalt  }
0x55: {  	_ =	shalt  }
0x56: {  	_ =	shalt  }
0x57: {  	_ =	shalt  }
0x58: {  	_ =	shalt  }
0x59: {  	_ =	shalt  }
0x5a: {  	_ =	shalt  }
0x5b: {  	_ =	shalt  }
0x5c: {  	_ =	shalt  }
0x5d: {  	_ =	shalt  }
0x5e: {  	_ =	shalt  }
0x5f: {  	_ =	shalt  }
0x60: {  	_ =	shalt  }
0x61: {  	_ =	shalt  }
0x62: {  	_ =	shalt  }
0x63: {  	_ =	shalt  }
0x64: {  	_ =	shalt  }
0x65: {  	_ =	shalt  }
0x66: {  	_ =	shalt  }
0x67: {  	_ =	shalt  }
0x68: {  	_ =	shalt  }
0x69: {  	_ =	shalt  }
0x6a: {  	_ =	shalt  }
0x6b: {  	_ =	shalt  }
0x6c: {  	_ =	shalt  }
0x6d: {  	_ =	shalt  }
0x6e: {  	_ =	shalt  }
0x6f: {  	_ =	shalt  }
0x70: {  	_ =	shalt  }
0x71: {  	_ =	shalt  }
0x72: {  	_ =	shalt  }
0x73: {  	_ =	shalt  }
0x74: {  	_ =	shalt  }
0x75: {  	_ =	shalt  }
0x76: {  	_ =	shalt  }
0x77: {  	_ =	shalt  }
0x78: {  	_ =	shalt  }
0x79: {  	_ =	shalt  }
0x7a: {  	_ =	shalt  }
0x7b: {  	_ =	shalt  }
0x7c: {  	_ =	shalt  }
0x7d: {  	_ =	shalt  }
0x7e: {  	_ =	shalt  }
0x7f: {  	_ =	shalt  }
0x80: {  	_ =	shalt  }
0x81: {  	_ =	shalt  }
0x82: {  	_ =	shalt  }
0x83: {  	_ =	shalt  }
0x84: {  	_ =	shalt  }
0x85: {  	_ =	shalt  }
0x86: {  	_ =	shalt  }
0x87: {  	_ =	shalt  }
.Lfunc_end0:
.L_simem_size_0:
called_computation_lowered:
.L_overlay_start_0:
0x88: {  	s2 =	sld [smem:$0x3FD9]  }
0x89: {  	s3 =	sld [smem:$0x3FFE];
	_ =	sdelay $0x1  }
0x8a: {  	s1 =	srdreg.scid  }
0x8b: {  	s0 =	sand.u32 $0x1, s1  }
0x8c: {  	s14 =	sshll.u32 s0, $0xA;
	s2 =	sadd.s32 s3, s2  }
0x8d: {  	s2 =	sadd.s32 s2, s14  }
0x8e: {  	[smem:$0x3FC5] =	sst s2  }
0x8f: {  	_ = 	snop  }
0x90: {  	s2 =	sld [smem:$0x3FD0];
	_ =	sdelay $0x2  }
0x91: {  	s15 =	simm.s32 $0xA;
	s4 =	simm.s32 $0x10  }
0x92: {  	[smem:s4], [sflag:s15] =	dma.local [hbm:s2], $0x1  }
0x93: {  	_ =	swait.eq [sflag:s15], $0x1  }
0x94: {  	[sflag:s15] =	ssyncset.done $0x0  }
0x95: {  	[sflag:s15] =	ssyncadd.s32 $0xFFFFFFFF  }
0x96: {  	s16 =	sld [smem:$0x11];
	(tm) =	ssettm $0x1  }
0x97: {  	s17 =	sld [smem:$0x3FFB];
	_ =	sdelay $0x3  }
0x98: {  	_ =	strace s17  }
0x99: {  	s3 =	sld [smem:$0x3FFC];
	_ =	sdelay $0x3  }
0x9a: {  	_ =	strace s3  }
0x9b: {  	s3 =	sld [smem:$0x3FFD];
	_ =	sdelay $0x3  }
0x9c: {  	_ =	strace s3  }
0x9d: {  	_ =	strace $0x8FFFFFFF  }
0x9e: {  	s18 =	sld [smem:$0x3FDB];
	_ =	sdelay $0x1  }
0x9f: {  	s19 =	simm.s32 $_scs_section_size  }
0xa0: {  	s5 =	simm.s32 $_size__tile_overlayer_lowered;
	s6 =	simm.s32 $_tile_overlayer_lowered  }
0xa1: {  	s22 =	simm.s32 $0x1BFF;
	s21 =	sshll.u32 s6, $0x1;
	s3 =	sadd.s32 s19, s18  }
0xa2: {  	s7 =	simm.s32 $0x0;
	s20 =	sshll.u32 s5, $0x1;
	s5 =	sadd.s32 s21, s3  }
0xa3: {  	[timem:s7], [sflag:s22] =	dma.local [hbm:s5], s20  }
0xa4: {  	_ =	swait.ge [sflag:s22], s20  }
0xa5: {  	s4 =	ssub.s32 $0x0, s20;
	[sflag:s22] =	ssyncset.done $0x0  }
0xa6: {  	[sflag:s22] =	ssyncadd.s32 s4;
	_ =	sdelay $0x1  }
0xa7: {  	s23 =	simm.s32 $0x1B8B  }
0xa8: {  	_ =	swait.ge [sflag:s23], $0x1  }
0xa9: {  	[sflag:s23] =	ssyncset.done $0x0  }
0xaa: {  	s25 =	simm.s32 $0x1B8E;
	s24 =	sld [smem:$0x3FFE];
	[sflag:s23] =	ssyncadd.s32 $0xFFFFFFFF  }
0xab: {  	s26 =	simm.s32 $execute0_lowered;
	[smem:$0x3FD2] =	sst s25  }
0xac: {  	s5 =	sshll.u32 s26, $0x1;
	_ =	strace $0x80000046;
	[dreg:$0x1] =	wrdreg $0xFFFFFFFF  }
0xad: {  	s28 =	simm.s32 $_size_execute0_lowered;
	s3 =	sadd.s32 s3, s5;
	[dreg:$0x0] =	wrdreg $0x0  }
0xae: {  	s5 =	sshll.u32 s28, $0x1;
	[dreg:$0x2] =	wrdreg s3  }
0xaf: {  	[dreg:$0x3] =	wrdreg s5  }
0xb0: {  	[dreg:$0x4] =	wrdreg $0xC0  }
0xb1: {  	_ =	task [dreg:s7], $0x5FFFF  }
0xb2: {  	[dreg:$0x1] =	wrdreg $0xFFFFFFFF  }
0xb3: {  	[dreg:$0x0] =	wrdreg $0x60  }
0xb4: {  	[dreg:$0x2] =	wrdreg s16  }
0xb5: {  	[dreg:$0x3] =	wrdreg s24  }
0xb6: {  	[dreg:$0x4] =	wrdreg $0x11000  }
0xb7: {  	[dreg:$0x5] =	wrdreg $0x9  }
0xb8: {  	_ =	task.clear_ibuf [dreg:s7], $0x6FFFF;
	_ =	strace $0x90000046  }
0xb9: {  	s29 =	simm.s32 $0x9;
	_ =	strace $0x80000048  }
0xba: {  	_ =	swait.ge [sflag:s29], $0x1  }
0xbb: {  	[sflag:s29] =	ssyncadd.s32 $0xFFFFFFFF  }
0xbc: {  	_ =	strace $0x90000048  }
0xbd: {  	_ =	sfence  }
0xbe: {  	s30 =	sld [smem:$0x0];
	_ =	sdelay $0x2  }
0xbf: {  	s31 =	sshll.u32 s1, $0xD;
	s1 =	sshrl.u32 s1, $0x2  }
0xc0: {  	s3 =	sand.u32 $0x4000, s31;
	s1 =	sadd.s32 s1, s30  }
0xc1: {  	s0 =	sor.u32 s3, s0;
	s1 =	sshll.u32 s1, $0x11  }
0xc2: {  	s0 =	sor.u32 s1, s0  }
0xc3: {  	s0 =	sadd.s32 $0x8F2B, s0  }
0xc4: {  	[sflag:s0] =	ssyncadd.remote.s32 $0x1  }
0xc5: {  	_ =	sfence.sel $0xFFFF  }
0xc6: {  	[dreg:$0x0] =	wrdreg $0xFFFFFFFF;
	(pc) =	sbr.abs _section_cstart, $3  }
0xc7: {  	[dreg:$0x1] =	wrdreg $0xFFFFFFFF  }
0xc8: {  	_ =	task.clear_ibuf [dreg:s7], $0x2FFFF;
	_ =	strace $0x9FFFFFFF  }
0xc9: {  	(tm) =	ssettm $0x7FFFFFFF  }
tec
execute0_lowered:
.L_overlay_start_1:
0x0: {  	(tag) =	ssettag $0x1  }
0x1: {  	s7 =	rddreg [dreg:$0x0];
	s1 =	srdreg.scid  }
0x2: {  	s0 =	stileid.u32;
	s4 =	rddreg [dreg:$0x1]  }
0x3: {  	s2 =	rddreg [dreg:$0x2];
	s3 =	simm.s32 $0x0;
	s12 =	simm.s32 $0x100  }
0x4: {  	s13 =	simm.s32 $0x180;
	s14 =	simm.s32 $0x200;
	s15 =	simm.s32 $0x280  }
0x5: {  	s16 =	simm.s32 $0x300;
	s17 =	simm.s32 $0x380;
	s6 =	smul.u32 $0xC80, s0  }
0x6: {  	s5 =	sand.u32 $0x1, s1;
	s1 =	rddreg [dreg:$0x3];
	s10 =	smul.u32 $0x6400, s0  }
0x7: {  	s20 =	simm.s32 $0x0;
	[smem:$0x7FF] =	sst s3;
	s8 =	smul.u32 $0xC800, s5  }
0x8: {  	s18 =	sshll.u32 s0, $0x6;
	s9 =	smul.u32 $0x64000, s5;
	s5 =	ssub.s32 $0x2, s5  }
0x9: {  	_ =	strace $0x80000047;
	s18 =	sor.u32 $0x1C01, s18;
	s30 =	sshrl.u32 s5, $0x1  }
0xa: {  	s8 =	sadd.s32 s6, s8;
	s11 =	ssub.s32 s5, s30;
	s9 =	sadd.s32 s10, s9  }
0xb: {  	s10 =	simm.s32 $0x80;
	s8 =	sshrl.u32 s8, $0x3;
	s31 =	sshrl.u32 s9, $0x3  }
0xc: {  	s9 =	simm.s32 $0x1;
	s8 =	sadd.s32 s8, s4;
	s4 =	sadd.s32 s6, s2  }
0xd: {  	s6 =	smax.u32 s11, $0x1;
	s7 =	sadd.s32 s31, s7;
	s11 =	simm.s32 $0x400  }
0xe: {  	v0 =	vimm.f32 $1.000000000e+00;
	v1 =	vimm.f32 $0.0e+00;
	s5 =	sadd.s32 $0x1800, s8;
	s8 =	simm.s32 $0x480;
	s19 =	sshrl.u32 s4, $0x3  }
.LBB2_1:
0xf: {  	[tilespmem:$0x400] =	vst v0  }
0x10: {  	[tilespmem:$0x410] =	vst v0  }
0x11: {  	[tilespmem:$0x420] =	vst v0  }
0x12: {  	[tilespmem:$0x430] =	vst v0  }
0x13: {  	[tilespmem:$0x440] =	vst v0  }
0x14: {  	[tilespmem:$0x450] =	vst v0  }
0x15: {  	[tilespmem:$0x460] =	vst v0  }
0x16: {  	[tilespmem:$0x470] =	vst v0;
	s21 =	simm.s32 $0x40;
	s22 =	simm.s32 $0x0  }
.LBB2_2:
0x17: {  	p0 =	sne.s32 s21, $0x31C0;
	[tilespmem:s22+$0x480] =	vst v1;
	s22 =	smov.u32 s21;
	s21 =	sadd.s32 $0x40, s21  }
.Ltmp0:
0x18: {  	(pc) =	sbr.rel @p0 .LBB2_2-.Ltmp0, $2  }
0x19: {  	_ =	sdelay $0x2  }
0x1a: {  	s22 =	sshra.s32 s22, $0x2  }
0x1b: {  	[tilespmem:s22+$0x480] =	vst v1  }
0x1c: {  	[spmem:s4] =	stream.linear.scatter [tilespmem:s8], [sflag:$0x1], $0xC80, $0x38;
	[tilespmem:$0x1D80] =	vst v63  }
0x1d: {  	_ =	swait.ge [sflag:s9], $0xC80  }
0x1e: {  	[sflag:s9] =	ssyncset.done $0x0  }
0x1f: {  	[sflag:s9] =	ssyncadd.s32 $0xFFFFF380  }
0x20: {  	s21 =	sadd.s32 $0x0, s7;
	[bflag:$0x0] =	sbarrier.arrive $0xFFFF  }
0x21: {  	[tilespmem:s3], [sflag:$0x1] =	stream.linear.gather [hbm4b:s21+s3], $0x400, $0x38;
	[tilespmem:$0x1D80] =	vst v63  }
0x22: {  	_ =	swait.ge [sflag:s9], $0x400  }
0x23: {  	[sflag:s9] =	ssyncset.done $0x0  }
0x24: {  	[sflag:s9] =	ssyncadd.s32 $0xFFFFFC00  }
0x25: {  	[spmem:s2] =	stream.indirect.scatter.add.f32 [tilespmem:s11], [sflag:$0x1], $0x1, s3, s10, $0xb8;
	[tilespmem:$0x1D80] =	vst v63  }
0x26: {  	_ =	swait.ge [sflag:s9], $0x80  }
0x27: {  	[sflag:s9] =	ssyncset.done $0x0  }
0x28: {  	[sflag:s9] =	ssyncadd.s32 $0xFFFFFF80  }
0x29: {  	[spmem:s2] =	stream.indirect.scatter.add.f32 [tilespmem:s11], [sflag:$0x1], $0x1, s10, s10, $0xb8;
	[tilespmem:$0x1D80] =	vst v63  }
0x2a: {  	_ =	swait.ge [sflag:s9], $0x80  }
0x2b: {  	[sflag:s9] =	ssyncset.done $0x0  }
0x2c: {  	[sflag:s9] =	ssyncadd.s32 $0xFFFFFF80  }
0x2d: {  	[spmem:s2] =	stream.indirect.scatter.add.f32 [tilespmem:s11], [sflag:$0x1], $0x1, s12, s10, $0xb8;
	[tilespmem:$0x1D80] =	vst v63  }
0x2e: {  	_ =	swait.ge [sflag:s9], $0x80  }
0x2f: {  	[sflag:s9] =	ssyncset.done $0x0  }
0x30: {  	[sflag:s9] =	ssyncadd.s32 $0xFFFFFF80  }
0x31: {  	[spmem:s2] =	stream.indirect.scatter.add.f32 [tilespmem:s11], [sflag:$0x1], $0x1, s13, s10, $0xb8;
	[tilespmem:$0x1D80] =	vst v63  }
0x32: {  	_ =	swait.ge [sflag:s9], $0x80  }
0x33: {  	[sflag:s9] =	ssyncset.done $0x0  }
0x34: {  	[sflag:s9] =	ssyncadd.s32 $0xFFFFFF80  }
0x35: {  	[spmem:s2] =	stream.indirect.scatter.add.f32 [tilespmem:s11], [sflag:$0x1], $0x1, s14, s10, $0xb8;
	[tilespmem:$0x1D80] =	vst v63  }
0x36: {  	_ =	swait.ge [sflag:s9], $0x80  }
0x37: {  	[sflag:s9] =	ssyncset.done $0x0  }
0x38: {  	[sflag:s9] =	ssyncadd.s32 $0xFFFFFF80  }
0x39: {  	[spmem:s2] =	stream.indirect.scatter.add.f32 [tilespmem:s11], [sflag:$0x1], $0x1, s15, s10, $0xb8;
	[tilespmem:$0x1D80] =	vst v63  }
0x3a: {  	_ =	swait.ge [sflag:s9], $0x80  }
0x3b: {  	[sflag:s9] =	ssyncset.done $0x0  }
0x3c: {  	[sflag:s9] =	ssyncadd.s32 $0xFFFFFF80  }
0x3d: {  	[spmem:s2] =	stream.indirect.scatter.add.f32 [tilespmem:s11], [sflag:$0x1], $0x1, s16, s10, $0xb8;
	[tilespmem:$0x1D80] =	vst v63  }
0x3e: {  	_ =	swait.ge [sflag:s9], $0x80  }
0x3f: {  	[sflag:s9] =	ssyncset.done $0x0  }
0x40: {  	[sflag:s9] =	ssyncadd.s32 $0xFFFFFF80  }
0x41: {  	[spmem:s2] =	stream.indirect.scatter.add.f32 [tilespmem:s11], [sflag:$0x1], $0x1, s17, s10, $0xb8;
	[tilespmem:$0x1D80] =	vst v63  }
0x42: {  	_ =	swait.ge [sflag:s9], $0x80  }
0x43: {  	s23 =	simm.s32 $0x100;
	s21 =	simm.s32 $0x80;
	[sflag:s9] =	ssyncset.done $0x0  }
.LBB2_4:
0x44: {  	s24 =	sadd.s32 s21, s7  }
0x45: {  	[sflag:s9] =	ssyncadd.s32 $0xFFFFFF80;
	s21 =	smov.u32 s23;
	s22 =	sadd.s32 $0x80, s23  }
0x46: {  	[tilespmem:s3], [sflag:$0x1] =	stream.linear.gather [hbm4b:s24+s3], $0x400, $0x38;
	[tilespmem:$0x1D80] =	vst v63  }
0x47: {  	p0 =	sne.s32 s23, $0xC00;
	_ =	swait.ge [sflag:s9], $0x400  }
0x48: {  	[sflag:s9] =	ssyncset.done $0x0  }
0x49: {  	[sflag:s9] =	ssyncadd.s32 $0xFFFFFC00  }
0x4a: {  	[spmem:s2] =	stream.indirect.scatter.add.f32 [tilespmem:s11], [sflag:$0x1], $0x1, s3, s10, $0xb8;
	[tilespmem:$0x1D80] =	vst v63  }
0x4b: {  	_ =	swait.ge [sflag:s9], $0x80  }
0x4c: {  	[sflag:s9] =	ssyncset.done $0x0  }
0x4d: {  	[sflag:s9] =	ssyncadd.s32 $0xFFFFFF80  }
0x4e: {  	[spmem:s2] =	stream.indirect.scatter.add.f32 [tilespmem:s11], [sflag:$0x1], $0x1, s10, s10, $0xb8;
	[tilespmem:$0x1D80] =	vst v63  }
0x4f: {  	_ =	swait.ge [sflag:s9], $0x80  }
0x50: {  	[sflag:s9] =	ssyncset.done $0x0  }
0x51: {  	[sflag:s9] =	ssyncadd.s32 $0xFFFFFF80  }
0x52: {  	[spmem:s2] =	stream.indirect.scatter.add.f32 [tilespmem:s11], [sflag:$0x1], $0x1, s12, s10, $0xb8;
	[tilespmem:$0x1D80] =	vst v63  }
0x53: {  	_ =	swait.ge [sflag:s9], $0x80  }
0x54: {  	[sflag:s9] =	ssyncset.done $0x0  }
0x55: {  	[sflag:s9] =	ssyncadd.s32 $0xFFFFFF80  }
0x56: {  	[spmem:s2] =	stream.indirect.scatter.add.f32 [tilespmem:s11], [sflag:$0x1], $0x1, s13, s10, $0xb8;
	[tilespmem:$0x1D80] =	vst v63  }
0x57: {  	_ =	swait.ge [sflag:s9], $0x80  }
0x58: {  	[sflag:s9] =	ssyncset.done $0x0  }
0x59: {  	[sflag:s9] =	ssyncadd.s32 $0xFFFFFF80  }
0x5a: {  	[spmem:s2] =	stream.indirect.scatter.add.f32 [tilespmem:s11], [sflag:$0x1], $0x1, s14, s10, $0xb8;
	[tilespmem:$0x1D80] =	vst v63  }
0x5b: {  	_ =	swait.ge [sflag:s9], $0x80  }
0x5c: {  	[sflag:s9] =	ssyncset.done $0x0  }
0x5d: {  	[sflag:s9] =	ssyncadd.s32 $0xFFFFFF80  }
0x5e: {  	[spmem:s2] =	stream.indirect.scatter.add.f32 [tilespmem:s11], [sflag:$0x1], $0x1, s15, s10, $0xb8;
	[tilespmem:$0x1D80] =	vst v63  }
0x5f: {  	_ =	swait.ge [sflag:s9], $0x80  }
0x60: {  	[sflag:s9] =	ssyncset.done $0x0  }
0x61: {  	[sflag:s9] =	ssyncadd.s32 $0xFFFFFF80  }
0x62: {  	[spmem:s2] =	stream.indirect.scatter.add.f32 [tilespmem:s11], [sflag:$0x1], $0x1, s16, s10, $0xb8;
	[tilespmem:$0x1D80] =	vst v63  }
0x63: {  	_ =	swait.ge [sflag:s9], $0x80  }
.Ltmp1:
0x64: {  	[sflag:s9] =	ssyncset.done $0x0;
	(pc) =	sbr.rel @p0 .LBB2_4-.Ltmp1, $4  }
0x65: {  	[sflag:s9] =	ssyncadd.s32 $0xFFFFFF80  }
0x66: {  	[spmem:s2] =	stream.indirect.scatter.add.f32 [tilespmem:s11], [sflag:$0x1], $0x1, s17, s10, $0xb8;
	[tilespmem:$0x1D80] =	vst v63  }
0x67: {  	_ =	swait.ge [sflag:s9], $0x80  }
0x68: {  	s23 =	smov.u32 s22;
	[sflag:s9] =	ssyncset.done $0x0  }
0x69: {  	s21 =	sadd.s32 s21, s7;
	[sflag:s9] =	ssyncadd.s32 $0xFFFFFF80  }
0x6a: {  	[tilespmem:s3], [sflag:$0x1] =	stream.linear.gather [hbm4b:s21+s3], $0x400, $0x38;
	[tilespmem:$0x1D80] =	vst v63  }
0x6b: {  	_ =	swait.ge [sflag:s9], $0x400  }
0x6c: {  	[sflag:s9] =	ssyncset.done $0x0  }
0x6d: {  	[sflag:s9] =	ssyncadd.s32 $0xFFFFFC00  }
0x6e: {  	[spmem:s2] =	stream.indirect.scatter.add.f32 [tilespmem:s11], [sflag:$0x1], $0x1, s3, s10, $0xb8;
	[tilespmem:$0x1D80] =	vst v63  }
0x6f: {  	_ =	swait.ge [sflag:s9], $0x80  }
0x70: {  	[sflag:s9] =	ssyncset.done $0x0  }
0x71: {  	[sflag:s9] =	ssyncadd.s32 $0xFFFFFF80  }
0x72: {  	[spmem:s2] =	stream.indirect.scatter.add.f32 [tilespmem:s11], [sflag:$0x1], $0x1, s10, s10, $0xb8;
	[tilespmem:$0x1D80] =	vst v63  }
0x73: {  	_ =	swait.ge [sflag:s9], $0x80  }
0x74: {  	[sflag:s9] =	ssyncset.done $0x0  }
0x75: {  	[sflag:s9] =	ssyncadd.s32 $0xFFFFFF80  }
0x76: {  	[spmem:s2] =	stream.indirect.scatter.add.f32 [tilespmem:s11], [sflag:$0x1], $0x1, s12, s10, $0xb8;
	[tilespmem:$0x1D80] =	vst v63  }
0x77: {  	_ =	swait.ge [sflag:s9], $0x80  }
0x78: {  	[sflag:s9] =	ssyncset.done $0x0  }
0x79: {  	[sflag:s9] =	ssyncadd.s32 $0xFFFFFF80  }
0x7a: {  	[spmem:s2] =	stream.indirect.scatter.add.f32 [tilespmem:s11], [sflag:$0x1], $0x1, s13, s10, $0xb8;
	[tilespmem:$0x1D80] =	vst v63  }
0x7b: {  	_ =	swait.ge [sflag:s9], $0x80  }
0x7c: {  	[sflag:s9] =	ssyncset.done $0x0  }
0x7d: {  	[sflag:s9] =	ssyncadd.s32 $0xFFFFFF80  }
0x7e: {  	[spmem:s2] =	stream.indirect.scatter.add.f32 [tilespmem:s11], [sflag:$0x1], $0x1, s14, s10, $0xb8;
	[tilespmem:$0x1D80] =	vst v63  }
0x7f: {  	_ =	swait.ge [sflag:s9], $0x80  }
0x80: {  	[sflag:s9] =	ssyncset.done $0x0  }
0x81: {  	[sflag:s9] =	ssyncadd.s32 $0xFFFFFF80  }
0x82: {  	[spmem:s2] =	stream.indirect.scatter.add.f32 [tilespmem:s11], [sflag:$0x1], $0x1, s15, s10, $0xb8;
	[tilespmem:$0x1D80] =	vst v63  }
0x83: {  	_ =	swait.ge [sflag:s9], $0x80  }
0x84: {  	[sflag:s9] =	ssyncset.done $0x0  }
0x85: {  	[sflag:s9] =	ssyncadd.s32 $0xFFFFFF80  }
0x86: {  	[spmem:s2] =	stream.indirect.scatter.add.f32 [tilespmem:s11], [sflag:$0x1], $0x1, s16, s10, $0xb8;
	[tilespmem:$0x1D80] =	vst v63  }
0x87: {  	_ =	swait.ge [sflag:s9], $0x80  }
0x88: {  	[sflag:s9] =	ssyncset.done $0x0  }
0x89: {  	[sflag:s9] =	ssyncadd.s32 $0xFFFFFF80  }
0x8a: {  	[spmem:s2] =	stream.indirect.scatter.add.f32 [tilespmem:s11], [sflag:$0x1], $0x1, s17, s10, $0xb8;
	[tilespmem:$0x1D80] =	vst v63  }
0x8b: {  	_ =	swait.ge [sflag:s9], $0x80  }
0x8c: {  	s20 =	sadd.s32 $0x1, s20;
	[sflag:s9] =	ssyncset.done $0x0  }
0x8d: {  	p0 =	sne.s32 s20, s6;
	[sflag:s9] =	ssyncadd.s32 $0xFFFFFF80  }
.Ltmp2:
0x8e: {  	[bflag:$0x0] =	sbarrier.arrive $0xFFFF;
	(pc) =	sbr.rel @p0 .LBB2_1-.Ltmp2, $4  }
0x8f: {  	[hbm:s5], [sflag:s18] =	dma.local [spmem:s19], $0x190  }
0x90: {  	_ =	swait.ge [sflag:s9], $0x190  }
0x91: {  	[sflag:s9] =	ssyncset.done $0x0  }
0x92: {  	[sflag:s9] =	ssyncadd.s32 $0xFFFFFE70  }
0x93: {  	_ =	sfence.sel $0x180000  }
0x94: {  	[bflag:$0x0] =	sbarrier.arrive $0xFFFF  }
0x95: {  	p0 =	sne.s32 s0, $0x0;
	_ =	strace $0x90000047  }
0x96: {  	s0 =	sadd.s32 @!p0 $0x100000, s1;
	[bflag:$0x2] =	sbarrier.arrive $0xFFFF  }
0x97: {  	[sflag:s0] =	ssyncadd.tile.s32 @!p0 $0x1;
	_ =	shalt  }
.Lfunc_end2:
_tile_overlayer_lowered:
.L_overlay_start_2:
0x98: {  	(tag) =	ssettag $0x2  }
0x99: {  	s0 =	rddreg [dreg:$0x0];
	s2 =	stileid.u32  }
0x9a: {  	s1 =	rddreg [dreg:$0x1];
	p0 =	sne.s32 s2, $0x0  }
0x9b: {  	s3 =	rddreg [dreg:$0x2];
	[bflag:$0x3] =	sbarrier.arrive $0xFFFF;
	s2 =	simm.s32 @!p0 $0x1C01  }
0x9c: {  	[timem:s3], [sflag:s2] =	dma.local @!p0 [hbm:s0], s1  }
0x9d: {  	s0 =	simm.s32 @!p0 $0x1  }
0x9e: {  	_ =	swait.ge @!p0 [sflag:s0], s1  }
0x9f: {  	s1 =	ssub.s32 @!p0 $0x0, s1;
	[sflag:s0] =	ssyncset.done @!p0 $0x0  }
0xa0: {  	[sflag:s0] =	ssyncadd.s32 @!p0 s1  }
0xa1: {  	[bflag:$0x3] =	sbarrier.arrive $0xFFFF  }
0xa2: {  	_ =	shalt  }

// kernel: kernel.13.cloned.1.call-start
scs
__scs_entry_jumppad:
0x0: {  	(pc) =	sbr.rel $0x88, $3  }
0x1: {  	(tag) =	ssettag $0x0;
	lr =	simm.s32 $0x1  }
0x2: {  	[smem:$0x3F9E] =	sst lr;
	_ =	strace $0xD0000000  }
0x3: {  	_ = 	snop  }
0x4: {  	_ = 	snop  }
0x5: {  	_ = 	snop  }
0x6: {  	_ = 	snop  }
0x7: {  	_ = 	snop  }
__scs_overlays_trampoline_lowered:
0x8: {  	[smem:$0x3FAD] =	sst s0  }
0x9: {  	[smem:$0x3FAE] =	sst s1  }
0xa: {  	[smem:$0x3FAF] =	sst s2  }
0xb: {  	[smem:$0x3FB0] =	sst s3  }
0xc: {  	[smem:$0x3FB1] =	sst s4  }
0xd: {  	[smem:$0x3FB2] =	sst s5  }
0xe: {  	[smem:$0x3FB3] =	sst s6  }
0xf: {  	[smem:$0x3FB4] =	sst s7  }
0x10: {  	[smem:$0x3FB5] =	sst s8  }
0x11: {  	[smem:$0x3FB6] =	sst s9;
	s0 =	simm.s32 @!p0 $0x0  }
0x12: {  	s1 =	sld [smem:$0x3F9C];
	s0 =	simm.s32 @p0 $0x1  }
0x13: {  	[smem:$0x3FB7] =	sst s0;
	s0 =	simm.s32 @!p1 $0x0  }
0x14: {  	s2 =	sld [smem:$0x3F9B];
	s0 =	simm.s32 @p1 $0x1  }
0x15: {  	[smem:$0x3FB8] =	sst s0;
	s0 =	simm.s32 @!p2 $0x0  }
0x16: {  	s3 =	sld [smem:$0x3FDB];
	s0 =	simm.s32 @p2 $0x1  }
0x17: {  	s4 =	simm.s32 $0x1BF5;
	[smem:$0x3FBA] =	sst s0  }
0x18: {  	s0 =	sld [smem:$0x3F9D];
	_ =	swait.ge [sflag:s4], $0x0  }
0x19: {  	s7 =	sld [smem:$0x3F9E]  }
0x1a: {  	s8 =	sadd.s32 $0xFFFFE003, lr  }
0x1b: {  	s9 =	sadd.s32 $0xFFFFFEF7, lr;
	s5 =	simm.s32 $0xFFFFFFFF;
	p2 =	slt.u32 s8, $0xFFFFF086  }
0x1c: {  	p1 =	slt.u32 s9, $0xF7A;
	s5 =	simm.s32 @!p2 $0x0  }
0x1d: {  	s5 =	simm.s32 @p1 $0x1;
	p0 =	seq.s32 s7, s2  }
0x1e: {  	s7 =	smul.u32 @!p0 $0xF7A, s2;
	p2 =	seq.s32 @!p0 s5, $0x0  }
0x1f: {  	s9 =	smul.u32 $0xF7A, s1;
	s8 =	simm.s32 @!p0 $0x1BF5;
	p2 =	por !p2, p0  }
0x20: {  	[sflag:s8] =	ssyncset.s32 @!p0 $0xFFFFF086;
	s6 =	sadd.s32 @!p0 s3, s7;
	s7 =	simm.s32 @!p0 $0x108  }
0x21: {  	s3 =	sadd.s32 s3, s9;
	s6 =	sadd.s32 @!p0 $0x88, s6;
	s7 =	simm.s32 @p2 $0x1082  }
0x22: {  	[simem:s7], [sflag:s8] =	dma.local @!p0 [hbm:s6], $0xF7A  }
0x23: {  	s9 =	sor.u32 $0xD0000000, s2;
	s6 =	simm.s32 $0x108;
	_ =	swait.ge @!p0 [sflag:s8], $0x0  }
0x24: {  	s3 =	sadd.s32 $0x88, s3;
	s6 =	simm.s32 @!p1 $0x1082;
	[sflag:s4] =	ssyncset.s32 $0xFFFFF086  }
0x25: {  	[simem:s6], [sflag:s4] =	dma.local [hbm:s3], $0xF7A  }
0x26: {  	[smem:$0x3F9E] =	sst s1;
	(tag) =	ssettag s2;
	_ =	strace s9  }
0x27: {  	s1 =	sld [smem:$0x3FAE]  }
0x28: {  	s2 =	sld [smem:$0x3FAF]  }
0x29: {  	s4 =	sld [smem:$0x3FB1]  }
0x2a: {  	p0 =	seq.s32 s5, $0x0;
	s5 =	sld [smem:$0x3FB2]  }
0x2b: {  	s6 =	sld [smem:$0x3FB3]  }
0x2c: {  	s7 =	sld [smem:$0x3FB4]  }
0x2d: {  	s3 =	simm.s32 $0x108;
	s8 =	sld [smem:$0x3FB5]  }
0x2e: {  	s3 =	simm.s32 @!p0 $0x1082;
	s9 =	sld [smem:$0x3FB6]  }
0x2f: {  	lr =	sadd.s32 s0, s3;
	s0 =	sld [smem:$0x3FAD]  }
0x30: {  	s3 =	sld [smem:$0x3FB0]  }
0x31: {  	[smem:$0x3FB9] =	sst s10  }
0x32: {  	s10 =	sld [smem:$0x3FB7];
	_ =	sdelay $0x3  }
0x33: {  	p0 =	seq.s32 s10, $0x1;
	s10 =	sld [smem:$0x3FB9];
	_ =	sdelay $0x3  }
0x34: {  	[smem:$0x3FB9] =	sst s10  }
0x35: {  	s10 =	sld [smem:$0x3FB8];
	_ =	sdelay $0x3  }
0x36: {  	p1 =	seq.s32 s10, $0x1;
	s10 =	sld [smem:$0x3FB9];
	_ =	sdelay $0x3  }
0x37: {  	[smem:$0x3FB9] =	sst s10  }
0x38: {  	s10 =	sld [smem:$0x3FBA]  }
0x39: {  	_ = 	snop;
	(pc) =	sbr.ind lr, $3  }
0x3a: {  	_ = 	snop  }
0x3b: {  	_ = 	snop  }
0x3c: {  	p2 =	seq.s32 s10, $0x1;
	s10 =	sld [smem:$0x3FB9]  }
0x3d: {  	_ =	shalt  }
0x3e: {  	_ =	shalt  }
0x3f: {  	_ =	shalt  }
0x40: {  	_ =	shalt  }
0x41: {  	_ =	shalt  }
0x42: {  	_ =	shalt  }
0x43: {  	_ =	shalt  }
0x44: {  	_ =	shalt  }
0x45: {  	_ =	shalt  }
0x46: {  	_ =	shalt  }
0x47: {  	_ =	shalt  }
0x48: {  	_ =	shalt  }
0x49: {  	_ =	shalt  }
0x4a: {  	_ =	shalt  }
0x4b: {  	_ =	shalt  }
0x4c: {  	_ =	shalt  }
0x4d: {  	_ =	shalt  }
0x4e: {  	_ =	shalt  }
0x4f: {  	_ =	shalt  }
0x50: {  	_ =	shalt  }
0x51: {  	_ =	shalt  }
0x52: {  	_ =	shalt  }
0x53: {  	_ =	shalt  }
0x54: {  	_ =	shalt  }
0x55: {  	_ =	shalt  }
0x56: {  	_ =	shalt  }
0x57: {  	_ =	shalt  }
0x58: {  	_ =	shalt  }
0x59: {  	_ =	shalt  }
0x5a: {  	_ =	shalt  }
0x5b: {  	_ =	shalt  }
0x5c: {  	_ =	shalt  }
0x5d: {  	_ =	shalt  }
0x5e: {  	_ =	shalt  }
0x5f: {  	_ =	shalt  }
0x60: {  	_ =	shalt  }
0x61: {  	_ =	shalt  }
0x62: {  	_ =	shalt  }
0x63: {  	_ =	shalt  }
0x64: {  	_ =	shalt  }
0x65: {  	_ =	shalt  }
0x66: {  	_ =	shalt  }
0x67: {  	_ =	shalt  }
0x68: {  	_ =	shalt  }
0x69: {  	_ =	shalt  }
0x6a: {  	_ =	shalt  }
0x6b: {  	_ =	shalt  }
0x6c: {  	_ =	shalt  }
0x6d: {  	_ =	shalt  }
0x6e: {  	_ =	shalt  }
0x6f: {  	_ =	shalt  }
0x70: {  	_ =	shalt  }
0x71: {  	_ =	shalt  }
0x72: {  	_ =	shalt  }
0x73: {  	_ =	shalt  }
0x74: {  	_ =	shalt  }
0x75: {  	_ =	shalt  }
0x76: {  	_ =	shalt  }
0x77: {  	_ =	shalt  }
0x78: {  	_ =	shalt  }
0x79: {  	_ =	shalt  }
0x7a: {  	_ =	shalt  }
0x7b: {  	_ =	shalt  }
0x7c: {  	_ =	shalt  }
0x7d: {  	_ =	shalt  }
0x7e: {  	_ =	shalt  }
0x7f: {  	_ =	shalt  }
0x80: {  	_ =	shalt  }
0x81: {  	_ =	shalt  }
0x82: {  	_ =	shalt  }
0x83: {  	_ =	shalt  }
0x84: {  	_ =	shalt  }
0x85: {  	_ =	shalt  }
0x86: {  	_ =	shalt  }
0x87: {  	_ =	shalt  }
.Lfunc_end0:
.L_simem_size_0:
called_computation.1_lowered:
.L_overlay_start_0:
0x88: {  	s2 =	sld [smem:$0x3FD9]  }
0x89: {  	s3 =	sld [smem:$0x3FFE];
	_ =	sdelay $0x1  }
0x8a: {  	s1 =	srdreg.scid  }
0x8b: {  	s0 =	sand.u32 $0x1, s1  }
0x8c: {  	s14 =	sshll.u32 s0, $0xA;
	s2 =	sadd.s32 s3, s2  }
0x8d: {  	s2 =	sadd.s32 s2, s14  }
0x8e: {  	[smem:$0x3FC5] =	sst s2  }
0x8f: {  	_ = 	snop  }
0x90: {  	s2 =	sld [smem:$0x3FD0];
	_ =	sdelay $0x2  }
0x91: {  	s15 =	simm.s32 $0xA;
	s4 =	simm.s32 $0x10  }
0x92: {  	[smem:s4], [sflag:s15] =	dma.local [hbm:s2], $0x1  }
0x93: {  	_ =	swait.eq [sflag:s15], $0x1  }
0x94: {  	[sflag:s15] =	ssyncset.done $0x0  }
0x95: {  	[sflag:s15] =	ssyncadd.s32 $0xFFFFFFFF  }
0x96: {  	s16 =	sld [smem:$0x10];
	(tm) =	ssettm $0x1  }
0x97: {  	s17 =	sld [smem:$0x3FFB];
	_ =	sdelay $0x3  }
0x98: {  	_ =	strace s17  }
0x99: {  	s3 =	sld [smem:$0x3FFC];
	_ =	sdelay $0x3  }
0x9a: {  	_ =	strace s3  }
0x9b: {  	s3 =	sld [smem:$0x3FFD];
	_ =	sdelay $0x3  }
0x9c: {  	_ =	strace s3  }
0x9d: {  	_ =	strace $0x8FFFFFFF  }
0x9e: {  	s18 =	sld [smem:$0x3FDB];
	_ =	sdelay $0x1  }
0x9f: {  	s19 =	simm.s32 $_scs_section_size  }
0xa0: {  	s5 =	simm.s32 $_size__tile_overlayer_lowered;
	s6 =	simm.s32 $_tile_overlayer_lowered  }
0xa1: {  	s22 =	simm.s32 $0x1BFF;
	s21 =	sshll.u32 s6, $0x1;
	s3 =	sadd.s32 s19, s18  }
0xa2: {  	s7 =	simm.s32 $0x0;
	s20 =	sshll.u32 s5, $0x1;
	s5 =	sadd.s32 s21, s3  }
0xa3: {  	[timem:s7], [sflag:s22] =	dma.local [hbm:s5], s20  }
0xa4: {  	_ =	swait.ge [sflag:s22], s20  }
0xa5: {  	s4 =	ssub.s32 $0x0, s20;
	[sflag:s22] =	ssyncset.done $0x0  }
0xa6: {  	[sflag:s22] =	ssyncadd.s32 s4;
	_ =	sdelay $0x1  }
0xa7: {  	s23 =	simm.s32 $0x1B8B  }
0xa8: {  	_ =	swait.ge [sflag:s23], $0x1  }
0xa9: {  	[sflag:s23] =	ssyncset.done $0x0  }
0xaa: {  	s25 =	simm.s32 $0x1B8E;
	s24 =	sld [smem:$0x3FFE];
	[sflag:s23] =	ssyncadd.s32 $0xFFFFFFFF  }
0xab: {  	s26 =	simm.s32 $execute0_lowered;
	[smem:$0x3FD2] =	sst s25  }
0xac: {  	s5 =	sshll.u32 s26, $0x1;
	_ =	strace $0x80000049;
	[dreg:$0x1] =	wrdreg $0xFFFFFFFF  }
0xad: {  	s28 =	simm.s32 $_size_execute0_lowered;
	s3 =	sadd.s32 s3, s5;
	[dreg:$0x0] =	wrdreg $0x0  }
0xae: {  	s5 =	sshll.u32 s28, $0x1;
	[dreg:$0x2] =	wrdreg s3  }
0xaf: {  	[dreg:$0x3] =	wrdreg s5  }
0xb0: {  	[dreg:$0x4] =	wrdreg $0xC0  }
0xb1: {  	_ =	task [dreg:s7], $0x5FFFF  }
0xb2: {  	[dreg:$0x1] =	wrdreg $0xFFFFFFFF  }
0xb3: {  	[dreg:$0x0] =	wrdreg $0x60  }
0xb4: {  	[dreg:$0x2] =	wrdreg s24  }
0xb5: {  	[dreg:$0x3] =	wrdreg s16  }
0xb6: {  	[dreg:$0x4] =	wrdreg $0x28000  }
0xb7: {  	[dreg:$0x5] =	wrdreg $0x9  }
0xb8: {  	_ =	task.clear_ibuf [dreg:s7], $0x6FFFF;
	_ =	strace $0x90000049  }
0xb9: {  	s29 =	simm.s32 $0x9;
	_ =	strace $0x8000004B  }
0xba: {  	_ =	swait.ge [sflag:s29], $0x1  }
0xbb: {  	[sflag:s29] =	ssyncadd.s32 $0xFFFFFFFF  }
0xbc: {  	_ =	strace $0x9000004B  }
0xbd: {  	_ =	sfence  }
0xbe: {  	s30 =	sld [smem:$0x0];
	_ =	sdelay $0x2  }
0xbf: {  	s31 =	sshll.u32 s1, $0xD;
	s1 =	sshrl.u32 s1, $0x2  }
0xc0: {  	s3 =	sand.u32 $0x4000, s31;
	s1 =	sadd.s32 s1, s30  }
0xc1: {  	s0 =	sor.u32 s3, s0;
	s1 =	sshll.u32 s1, $0x11  }
0xc2: {  	s0 =	sor.u32 s1, s0  }
0xc3: {  	s0 =	sadd.s32 $0x8F2B, s0  }
0xc4: {  	[sflag:s0] =	ssyncadd.remote.s32 $0x1  }
0xc5: {  	_ =	sfence.sel $0xFFFF  }
0xc6: {  	[dreg:$0x0] =	wrdreg $0xFFFFFFFF;
	(pc) =	sbr.abs _section_cstart, $3  }
0xc7: {  	[dreg:$0x1] =	wrdreg $0xFFFFFFFF  }
0xc8: {  	_ =	task.clear_ibuf [dreg:s7], $0x2FFFF;
	_ =	strace $0x9FFFFFFF  }
0xc9: {  	(tm) =	ssettm $0x7FFFFFFF  }
tec
execute0_lowered:
.L_overlay_start_1:
0x0: {  	(tag) =	ssettag $0x1  }
0x1: {  	s0 =	rddreg [dreg:$0x0]  }
0x2: {  	s1 =	srdreg.scid;
	s6 =	rddreg [dreg:$0x1]  }
0x3: {  	s11 =	stileid.u32;
	s2 =	rddreg [dreg:$0x2]  }
0x4: {  	s3 =	simm.s32 $0x0;
	s12 =	simm.s32 $0x400;
	s13 =	simm.s32 $0x80  }
0x5: {  	s14 =	simm.s32 $0x800;
	s15 =	simm.s32 $0x1;
	s16 =	simm.s32 $0x480  }
0x6: {  	s17 =	simm.s32 $0x100;
	s18 =	simm.s32 $0x500;
	s19 =	simm.s32 $0x180  }
0x7: {  	s20 =	simm.s32 $0x580;
	s21 =	simm.s32 $0x200;
	s4 =	smul.u32 $0xC800, s11  }
0x8: {  	s22 =	simm.s32 $0x600;
	s28 =	simm.s32 $0x700;
	s8 =	smul.u32 $0x19000, s11  }
0x9: {  	s29 =	simm.s32 $0x380;
	s30 =	simm.s32 $0x780;
	s9 =	smul.u32 $0x64000, s11  }
0xa: {  	s31 =	simm.s32 $0x0;
	s1 =	sand.u32 $0x1, s1;
	s25 =	smul.u32 $0x1900, s11  }
0xb: {  	[smem:$0x7FF] =	sst s3;
	s11 =	simm.s32 $0x2;
	s5 =	smul.u32 $0xC8000, s1  }
0xc: {  	s7 =	smul.u32 $0x190000, s1;
	_ =	strace $0x8000004A;
	s1 =	ssub.s32 $0x2, s1  }
0xd: {  	s23 =	sshrl.u32 s1, $0x1;
	s24 =	sshrl.u32 s9, $0x2;
	s26 =	sadd.s32 s8, s2  }
0xe: {  	s5 =	sadd.s32 s4, s5;
	s4 =	sadd.s32 $0x356A00, s0;
	s7 =	sadd.s32 s8, s7  }
0xf: {  	s1 =	ssub.s32 s1, s23;
	s8 =	sadd.s32 s25, s6;
	s23 =	simm.s32 $0x280  }
0x10: {  	s5 =	sshrl.u32 s5, $0x3;
	s7 =	sshrl.u32 s7, $0x3;
	s1 =	smax.u32 s1, $0x1  }
0x11: {  	s10 =	sadd.s32 s5, s0;
	s0 =	sadd.s32 s7, s0;
	s5 =	sadd.s32 s24, s2  }
0x12: {  	[dreg:$0x5] =	wrdreg s1;
	s24 =	simm.s32 $0x680;
	s0 =	sadd.s32 $0x1C6A00, s0  }
0x13: {  	s9 =	sadd.s32 $0x194A00, s10;
	[dreg:$0x4] =	wrdreg s0;
	s0 =	sshrl.u32 s26, $0x3  }
0x14: {  	v0 =	vimm.f32 $0.0e+00;
	s10 =	simm.s32 $0x1800;
	s26 =	simm.s32 $0x300;
	[dreg:$0x6] =	wrdreg s0  }
.LBB2_1:
0x15: {  	s0 =	simm.s32 $0x0  }
.LBB2_2:
0x16: {  	p0 =	sne.s32 s0, $0x3F80  }
.Ltmp0:
0x17: {  	_ = 	snop;
	(pc) =	sbr.rel @p0 .LBB2_2-.Ltmp0, $4  }
0x18: {  	_ = 	snop  }
0x19: {  	s1 =	sshra.s32 s0, $0x2  }
0x1a: {  	[tilespmem:s1+$0x1800] =	vst v0  }
0x1b: {  	s0 =	sadd.s32 $0x80, s0;
	[tilespmem:s1+$0x1810] =	vst v0  }
0x1c: {  	s0 =	sadd.s32 $0x0, s5  }
0x1d: {  	[spmem:s0] =	stream.linear.scatter [tilespmem:s10], [sflag:$0x2], $0x1000, $0x38;
	[tilespmem:$0x1B800] =	vst v63  }
0x1e: {  	s0 =	simm.s32 $0x4000;
	_ =	swait.ge [sflag:s11], $0x1000  }
.LBB2_4:
0x1f: {  	s1 =	sshra.s32 s0, $0x2;
	[sflag:s11] =	ssyncset.done $0x0;
	p0 =	sne.s32 s0, $0x60000  }
.Ltmp1:
0x20: {  	s1 =	sadd.s32 s1, s5;
	[sflag:s11] =	ssyncadd.s32 $0xFFFFF000;
	(pc) =	sbr.rel @p0 .LBB2_4-.Ltmp1, $3  }
0x21: {  	[spmem:s1] =	stream.linear.scatter [tilespmem:s10], [sflag:$0x2], $0x1000, $0x38;
	[tilespmem:$0x1B800] =	vst v63  }
0x22: {  	s0 =	sadd.s32 $0x4000, s0;
	_ =	sdelay $0x1  }
0x23: {  	_ =	swait.ge [sflag:s11], $0x1000  }
0x24: {  	[sflag:s11] =	ssyncset.done $0x0  }
0x25: {  	[sflag:s11] =	ssyncadd.s32 $0xFFFFF000  }
0x26: {  	s0 =	sadd.s32 $0x0, s9;
	[bflag:$0x0] =	sbarrier.arrive $0xFFFF  }
0x27: {  	[tilespmem:s3], [sflag:$0x2] =	stream.linear.gather [hbm4b:s0+s3], $0x400, $0x38;
	[tilespmem:$0x1B800] =	vst v63  }
0x28: {  	_ =	swait.ge [sflag:s11], $0x400  }
0x29: {  	[sflag:s11] =	ssyncset.done $0x0  }
0x2a: {  	s25 =	sadd.s32 $0x0, s8;
	[sflag:s11] =	ssyncadd.s32 $0xFFFFFC00  }
0x2b: {  	[tilespmem:s12], [sflag:$0x2] =	stream.linear.gather [hbm4b:s25+s3], $0x400, $0x38;
	[tilespmem:$0x1B800] =	vst v63  }
0x2c: {  	_ =	swait.ge [sflag:s11], $0x400  }
0x2d: {  	[sflag:s11] =	ssyncset.done $0x0  }
0x2e: {  	[sflag:s11] =	ssyncadd.s32 $0xFFFFFC00  }
0x2f: {  	[tilespmem:s14], [sflag:$0x1] =	stream.indirect.gather [hbm4b:s4+s13], $0x20, s3, s13, $0xb8;
	[tilespmem:$0x1B800] =	vst v63  }
0x30: {  	_ =	swait.ge [sflag:s15], $0x1000  }
0x31: {  	[sflag:s15] =	ssyncset.done $0x0  }
0x32: {  	[sflag:s15] =	ssyncadd.s32 $0xFFFFF000  }
0x33: {  	[spmem:s2] =	stream.indirect.scatter.add.f32 [tilespmem:s14], [sflag:$0x2], $0x20, s12, s13, $0xb8;
	[tilespmem:$0x1B800] =	vst v63  }
0x34: {  	_ =	swait.ge [sflag:s11], $0x1000  }
0x35: {  	[sflag:s11] =	ssyncset.done $0x0  }
0x36: {  	[sflag:s11] =	ssyncadd.s32 $0xFFFFF000  }
0x37: {  	[tilespmem:s14], [sflag:$0x1] =	stream.indirect.gather [hbm4b:s4+s13], $0x20, s13, s13, $0xb8;
	[tilespmem:$0x1B800] =	vst v63  }
0x38: {  	_ =	swait.ge [sflag:s15], $0x1000  }
0x39: {  	[sflag:s15] =	ssyncset.done $0x0  }
0x3a: {  	[sflag:s15] =	ssyncadd.s32 $0xFFFFF000  }
0x3b: {  	[spmem:s2] =	stream.indirect.scatter.add.f32 [tilespmem:s14], [sflag:$0x2], $0x20, s16, s13, $0xb8;
	[tilespmem:$0x1B800] =	vst v63  }
0x3c: {  	_ =	swait.ge [sflag:s11], $0x1000  }
0x3d: {  	[sflag:s11] =	ssyncset.done $0x0  }
0x3e: {  	[sflag:s11] =	ssyncadd.s32 $0xFFFFF000  }
0x3f: {  	[tilespmem:s14], [sflag:$0x1] =	stream.indirect.gather [hbm4b:s4+s13], $0x20, s17, s13, $0xb8;
	[tilespmem:$0x1B800] =	vst v63  }
0x40: {  	_ =	swait.ge [sflag:s15], $0x1000  }
0x41: {  	[sflag:s15] =	ssyncset.done $0x0  }
0x42: {  	[sflag:s15] =	ssyncadd.s32 $0xFFFFF000  }
0x43: {  	[spmem:s2] =	stream.indirect.scatter.add.f32 [tilespmem:s14], [sflag:$0x2], $0x20, s18, s13, $0xb8;
	[tilespmem:$0x1B800] =	vst v63  }
0x44: {  	_ =	swait.ge [sflag:s11], $0x1000  }
0x45: {  	[sflag:s11] =	ssyncset.done $0x0  }
0x46: {  	[sflag:s11] =	ssyncadd.s32 $0xFFFFF000  }
0x47: {  	[tilespmem:s14], [sflag:$0x1] =	stream.indirect.gather [hbm4b:s4+s13], $0x20, s19, s13, $0xb8;
	[tilespmem:$0x1B800] =	vst v63  }
0x48: {  	_ =	swait.ge [sflag:s15], $0x1000  }
0x49: {  	[sflag:s15] =	ssyncset.done $0x0  }
0x4a: {  	[sflag:s15] =	ssyncadd.s32 $0xFFFFF000  }
0x4b: {  	[spmem:s2] =	stream.indirect.scatter.add.f32 [tilespmem:s14], [sflag:$0x2], $0x20, s20, s13, $0xb8;
	[tilespmem:$0x1B800] =	vst v63  }
0x4c: {  	_ =	swait.ge [sflag:s11], $0x1000  }
0x4d: {  	[sflag:s11] =	ssyncset.done $0x0  }
0x4e: {  	[sflag:s11] =	ssyncadd.s32 $0xFFFFF000  }
0x4f: {  	[tilespmem:s14], [sflag:$0x1] =	stream.indirect.gather [hbm4b:s4+s13], $0x20, s21, s13, $0xb8;
	[tilespmem:$0x1B800] =	vst v63  }
0x50: {  	_ =	swait.ge [sflag:s15], $0x1000  }
0x51: {  	[sflag:s15] =	ssyncset.done $0x0  }
0x52: {  	[sflag:s15] =	ssyncadd.s32 $0xFFFFF000  }
0x53: {  	[spmem:s2] =	stream.indirect.scatter.add.f32 [tilespmem:s14], [sflag:$0x2], $0x20, s22, s13, $0xb8;
	[tilespmem:$0x1B800] =	vst v63  }
0x54: {  	_ =	swait.ge [sflag:s11], $0x1000  }
0x55: {  	[sflag:s11] =	ssyncset.done $0x0  }
0x56: {  	[sflag:s11] =	ssyncadd.s32 $0xFFFFF000  }
0x57: {  	[tilespmem:s14], [sflag:$0x1] =	stream.indirect.gather [hbm4b:s4+s13], $0x20, s23, s13, $0xb8;
	[tilespmem:$0x1B800] =	vst v63  }
0x58: {  	_ =	swait.ge [sflag:s15], $0x1000  }
0x59: {  	[sflag:s15] =	ssyncset.done $0x0  }
0x5a: {  	[sflag:s15] =	ssyncadd.s32 $0xFFFFF000  }
0x5b: {  	[spmem:s2] =	stream.indirect.scatter.add.f32 [tilespmem:s14], [sflag:$0x2], $0x20, s24, s13, $0xb8;
	[tilespmem:$0x1B800] =	vst v63  }
0x5c: {  	_ =	swait.ge [sflag:s11], $0x1000  }
0x5d: {  	[sflag:s11] =	ssyncset.done $0x0  }
0x5e: {  	[sflag:s11] =	ssyncadd.s32 $0xFFFFF000  }
0x5f: {  	[tilespmem:s14], [sflag:$0x1] =	stream.indirect.gather [hbm4b:s4+s13], $0x20, s26, s13, $0xb8;
	[tilespmem:$0x1B800] =	vst v63  }
0x60: {  	_ =	swait.ge [sflag:s15], $0x1000  }
0x61: {  	[sflag:s15] =	ssyncset.done $0x0  }
0x62: {  	[sflag:s15] =	ssyncadd.s32 $0xFFFFF000  }
0x63: {  	[spmem:s2] =	stream.indirect.scatter.add.f32 [tilespmem:s14], [sflag:$0x2], $0x20, s28, s13, $0xb8;
	[tilespmem:$0x1B800] =	vst v63  }
0x64: {  	_ =	swait.ge [sflag:s11], $0x1000  }
0x65: {  	[sflag:s11] =	ssyncset.done $0x0  }
0x66: {  	[sflag:s11] =	ssyncadd.s32 $0xFFFFF000  }
0x67: {  	[tilespmem:s14], [sflag:$0x1] =	stream.indirect.gather [hbm4b:s4+s13], $0x20, s29, s13, $0xb8;
	[tilespmem:$0x1B800] =	vst v63  }
0x68: {  	_ =	swait.ge [sflag:s15], $0x1000  }
0x69: {  	[sflag:s15] =	ssyncset.done $0x0  }
0x6a: {  	[sflag:s15] =	ssyncadd.s32 $0xFFFFF000  }
0x6b: {  	[spmem:s2] =	stream.indirect.scatter.add.f32 [tilespmem:s14], [sflag:$0x2], $0x20, s30, s13, $0xb8;
	[tilespmem:$0x1B800] =	vst v63  }
0x6c: {  	_ =	swait.ge [sflag:s11], $0x1000  }
0x6d: {  	s1 =	simm.s32 $0x80;
	s0 =	simm.s32 $0x100;
	[sflag:s11] =	ssyncset.done $0x0  }
.LBB2_6:
0x6e: {  	s7 =	sadd.s32 s1, s9  }
0x6f: {  	[sflag:s11] =	ssyncadd.s32 $0xFFFFF000;
	s25 =	smov.u32 s0;
	s6 =	sadd.s32 $0x80, s0  }
0x70: {  	[tilespmem:s3], [sflag:$0x2] =	stream.linear.gather [hbm4b:s7+s3], $0x400, $0x38;
	[tilespmem:$0x1B800] =	vst v63  }
0x71: {  	p0 =	sne.s32 s0, $0x1880;
	_ =	swait.ge [sflag:s11], $0x400  }
0x72: {  	[sflag:s11] =	ssyncset.done $0x0  }
0x73: {  	s0 =	sadd.s32 s1, s8;
	s1 =	smov.u32 s25;
	[sflag:s11] =	ssyncadd.s32 $0xFFFFFC00  }
0x74: {  	[tilespmem:s12], [sflag:$0x2] =	stream.linear.gather [hbm4b:s0+s3], $0x400, $0x38;
	[tilespmem:$0x1B800] =	vst v63  }
0x75: {  	_ =	swait.ge [sflag:s11], $0x400  }
0x76: {  	[sflag:s11] =	ssyncset.done $0x0  }
0x77: {  	[sflag:s11] =	ssyncadd.s32 $0xFFFFFC00  }
0x78: {  	[tilespmem:s14], [sflag:$0x1] =	stream.indirect.gather [hbm4b:s4+s13], $0x20, s3, s13, $0xb8;
	[tilespmem:$0x1B800] =	vst v63  }
0x79: {  	_ =	swait.ge [sflag:s15], $0x1000  }
0x7a: {  	[sflag:s15] =	ssyncset.done $0x0  }
0x7b: {  	[sflag:s15] =	ssyncadd.s32 $0xFFFFF000  }
0x7c: {  	[spmem:s2] =	stream.indirect.scatter.add.f32 [tilespmem:s14], [sflag:$0x2], $0x20, s12, s13, $0xb8;
	[tilespmem:$0x1B800] =	vst v63  }
0x7d: {  	_ =	swait.ge [sflag:s11], $0x1000  }
0x7e: {  	[sflag:s11] =	ssyncset.done $0x0  }
0x7f: {  	[sflag:s11] =	ssyncadd.s32 $0xFFFFF000  }
0x80: {  	[tilespmem:s14], [sflag:$0x1] =	stream.indirect.gather [hbm4b:s4+s13], $0x20, s13, s13, $0xb8;
	[tilespmem:$0x1B800] =	vst v63  }
0x81: {  	_ =	swait.ge [sflag:s15], $0x1000  }
0x82: {  	[sflag:s15] =	ssyncset.done $0x0  }
0x83: {  	[sflag:s15] =	ssyncadd.s32 $0xFFFFF000  }
0x84: {  	[spmem:s2] =	stream.indirect.scatter.add.f32 [tilespmem:s14], [sflag:$0x2], $0x20, s16, s13, $0xb8;
	[tilespmem:$0x1B800] =	vst v63  }
0x85: {  	_ =	swait.ge [sflag:s11], $0x1000  }
0x86: {  	[sflag:s11] =	ssyncset.done $0x0  }
0x87: {  	[sflag:s11] =	ssyncadd.s32 $0xFFFFF000  }
0x88: {  	[tilespmem:s14], [sflag:$0x1] =	stream.indirect.gather [hbm4b:s4+s13], $0x20, s17, s13, $0xb8;
	[tilespmem:$0x1B800] =	vst v63  }
0x89: {  	_ =	swait.ge [sflag:s15], $0x1000  }
0x8a: {  	[sflag:s15] =	ssyncset.done $0x0  }
0x8b: {  	[sflag:s15] =	ssyncadd.s32 $0xFFFFF000  }
0x8c: {  	[spmem:s2] =	stream.indirect.scatter.add.f32 [tilespmem:s14], [sflag:$0x2], $0x20, s18, s13, $0xb8;
	[tilespmem:$0x1B800] =	vst v63  }
0x8d: {  	_ =	swait.ge [sflag:s11], $0x1000  }
0x8e: {  	[sflag:s11] =	ssyncset.done $0x0  }
0x8f: {  	[sflag:s11] =	ssyncadd.s32 $0xFFFFF000  }
0x90: {  	[tilespmem:s14], [sflag:$0x1] =	stream.indirect.gather [hbm4b:s4+s13], $0x20, s19, s13, $0xb8;
	[tilespmem:$0x1B800] =	vst v63  }
0x91: {  	_ =	swait.ge [sflag:s15], $0x1000  }
0x92: {  	[sflag:s15] =	ssyncset.done $0x0  }
0x93: {  	[sflag:s15] =	ssyncadd.s32 $0xFFFFF000  }
0x94: {  	[spmem:s2] =	stream.indirect.scatter.add.f32 [tilespmem:s14], [sflag:$0x2], $0x20, s20, s13, $0xb8;
	[tilespmem:$0x1B800] =	vst v63  }
0x95: {  	_ =	swait.ge [sflag:s11], $0x1000  }
0x96: {  	[sflag:s11] =	ssyncset.done $0x0  }
0x97: {  	[sflag:s11] =	ssyncadd.s32 $0xFFFFF000  }
0x98: {  	[tilespmem:s14], [sflag:$0x1] =	stream.indirect.gather [hbm4b:s4+s13], $0x20, s21, s13, $0xb8;
	[tilespmem:$0x1B800] =	vst v63  }
0x99: {  	_ =	swait.ge [sflag:s15], $0x1000  }
0x9a: {  	[sflag:s15] =	ssyncset.done $0x0  }
0x9b: {  	[sflag:s15] =	ssyncadd.s32 $0xFFFFF000  }
0x9c: {  	[spmem:s2] =	stream.indirect.scatter.add.f32 [tilespmem:s14], [sflag:$0x2], $0x20, s22, s13, $0xb8;
	[tilespmem:$0x1B800] =	vst v63  }
0x9d: {  	_ =	swait.ge [sflag:s11], $0x1000  }
0x9e: {  	[sflag:s11] =	ssyncset.done $0x0  }
0x9f: {  	[sflag:s11] =	ssyncadd.s32 $0xFFFFF000  }
0xa0: {  	[tilespmem:s14], [sflag:$0x1] =	stream.indirect.gather [hbm4b:s4+s13], $0x20, s23, s13, $0xb8;
	[tilespmem:$0x1B800] =	vst v63  }
0xa1: {  	_ =	swait.ge [sflag:s15], $0x1000  }
0xa2: {  	[sflag:s15] =	ssyncset.done $0x0  }
0xa3: {  	[sflag:s15] =	ssyncadd.s32 $0xFFFFF000  }
0xa4: {  	[spmem:s2] =	stream.indirect.scatter.add.f32 [tilespmem:s14], [sflag:$0x2], $0x20, s24, s13, $0xb8;
	[tilespmem:$0x1B800] =	vst v63  }
0xa5: {  	_ =	swait.ge [sflag:s11], $0x1000  }
0xa6: {  	[sflag:s11] =	ssyncset.done $0x0  }
0xa7: {  	[sflag:s11] =	ssyncadd.s32 $0xFFFFF000  }
0xa8: {  	[tilespmem:s14], [sflag:$0x1] =	stream.indirect.gather [hbm4b:s4+s13], $0x20, s26, s13, $0xb8;
	[tilespmem:$0x1B800] =	vst v63  }
0xa9: {  	_ =	swait.ge [sflag:s15], $0x1000  }
0xaa: {  	[sflag:s15] =	ssyncset.done $0x0  }
0xab: {  	[sflag:s15] =	ssyncadd.s32 $0xFFFFF000  }
0xac: {  	[spmem:s2] =	stream.indirect.scatter.add.f32 [tilespmem:s14], [sflag:$0x2], $0x20, s28, s13, $0xb8;
	[tilespmem:$0x1B800] =	vst v63  }
0xad: {  	_ =	swait.ge [sflag:s11], $0x1000  }
0xae: {  	[sflag:s11] =	ssyncset.done $0x0  }
0xaf: {  	[sflag:s11] =	ssyncadd.s32 $0xFFFFF000  }
0xb0: {  	[tilespmem:s14], [sflag:$0x1] =	stream.indirect.gather [hbm4b:s4+s13], $0x20, s29, s13, $0xb8;
	[tilespmem:$0x1B800] =	vst v63  }
0xb1: {  	_ =	swait.ge [sflag:s15], $0x1000  }
.Ltmp2:
0xb2: {  	[sflag:s15] =	ssyncset.done $0x0;
	(pc) =	sbr.rel @p0 .LBB2_6-.Ltmp2, $4  }
0xb3: {  	[sflag:s15] =	ssyncadd.s32 $0xFFFFF000  }
0xb4: {  	[spmem:s2] =	stream.indirect.scatter.add.f32 [tilespmem:s14], [sflag:$0x2], $0x20, s30, s13, $0xb8;
	[tilespmem:$0x1B800] =	vst v63  }
0xb5: {  	_ =	swait.ge [sflag:s11], $0x1000  }
0xb6: {  	s0 =	smov.u32 s6;
	[sflag:s11] =	ssyncset.done $0x0  }
0xb7: {  	s0 =	sadd.s32 s1, s9;
	[sflag:s11] =	ssyncadd.s32 $0xFFFFF000  }
0xb8: {  	[tilespmem:s3], [sflag:$0x2] =	stream.linear.gather [hbm4b:s0+s3], $0x400, $0x38;
	[tilespmem:$0x1B800] =	vst v63  }
0xb9: {  	_ =	swait.ge [sflag:s11], $0x400  }
0xba: {  	[sflag:s11] =	ssyncset.done $0x0  }
0xbb: {  	s1 =	sadd.s32 s1, s8;
	[sflag:s11] =	ssyncadd.s32 $0xFFFFFC00  }
0xbc: {  	[tilespmem:s12], [sflag:$0x2] =	stream.linear.gather [hbm4b:s1+s3], $0x400, $0x38;
	[tilespmem:$0x1B800] =	vst v63  }
0xbd: {  	_ =	swait.ge [sflag:s11], $0x400  }
0xbe: {  	[sflag:s11] =	ssyncset.done $0x0  }
0xbf: {  	[sflag:s11] =	ssyncadd.s32 $0xFFFFFC00  }
0xc0: {  	[tilespmem:s14], [sflag:$0x1] =	stream.indirect.gather [hbm4b:s4+s13], $0x20, s3, s13, $0xb8;
	[tilespmem:$0x1B800] =	vst v63  }
0xc1: {  	_ =	swait.ge [sflag:s15], $0x1000  }
0xc2: {  	[sflag:s15] =	ssyncset.done $0x0  }
0xc3: {  	[sflag:s15] =	ssyncadd.s32 $0xFFFFF000  }
0xc4: {  	[spmem:s2] =	stream.indirect.scatter.add.f32 [tilespmem:s14], [sflag:$0x2], $0x20, s12, s13, $0xb8;
	[tilespmem:$0x1B800] =	vst v63  }
0xc5: {  	_ =	swait.ge [sflag:s11], $0x1000  }
0xc6: {  	[sflag:s11] =	ssyncset.done $0x0  }
0xc7: {  	[sflag:s11] =	ssyncadd.s32 $0xFFFFF000  }
0xc8: {  	[tilespmem:s14], [sflag:$0x1] =	stream.indirect.gather [hbm4b:s4+s13], $0x20, s13, s13, $0xb8;
	[tilespmem:$0x1B800] =	vst v63  }
0xc9: {  	_ =	swait.ge [sflag:s15], $0x1000  }
0xca: {  	[sflag:s15] =	ssyncset.done $0x0  }
0xcb: {  	[sflag:s15] =	ssyncadd.s32 $0xFFFFF000  }
0xcc: {  	[spmem:s2] =	stream.indirect.scatter.add.f32 [tilespmem:s14], [sflag:$0x2], $0x20, s16, s13, $0xb8;
	[tilespmem:$0x1B800] =	vst v63  }
0xcd: {  	_ =	swait.ge [sflag:s11], $0x1000  }
0xce: {  	[sflag:s11] =	ssyncset.done $0x0  }
0xcf: {  	[sflag:s11] =	ssyncadd.s32 $0xFFFFF000  }
0xd0: {  	[tilespmem:s14], [sflag:$0x1] =	stream.indirect.gather [hbm4b:s4+s13], $0x20, s17, s13, $0xb8;
	[tilespmem:$0x1B800] =	vst v63  }
0xd1: {  	_ =	swait.ge [sflag:s15], $0x1000  }
0xd2: {  	[sflag:s15] =	ssyncset.done $0x0  }
0xd3: {  	[sflag:s15] =	ssyncadd.s32 $0xFFFFF000  }
0xd4: {  	[spmem:s2] =	stream.indirect.scatter.add.f32 [tilespmem:s14], [sflag:$0x2], $0x20, s18, s13, $0xb8;
	[tilespmem:$0x1B800] =	vst v63  }
0xd5: {  	_ =	swait.ge [sflag:s11], $0x1000  }
0xd6: {  	[sflag:s11] =	ssyncset.done $0x0  }
0xd7: {  	[sflag:s11] =	ssyncadd.s32 $0xFFFFF000  }
0xd8: {  	[tilespmem:s14], [sflag:$0x1] =	stream.indirect.gather [hbm4b:s4+s13], $0x20, s19, s13, $0xb8;
	[tilespmem:$0x1B800] =	vst v63  }
0xd9: {  	_ =	swait.ge [sflag:s15], $0x1000  }
0xda: {  	[sflag:s15] =	ssyncset.done $0x0  }
0xdb: {  	[sflag:s15] =	ssyncadd.s32 $0xFFFFF000  }
0xdc: {  	[spmem:s2] =	stream.indirect.scatter.add.f32 [tilespmem:s14], [sflag:$0x2], $0x20, s20, s13, $0xb8;
	[tilespmem:$0x1B800] =	vst v63  }
0xdd: {  	_ =	swait.ge [sflag:s11], $0x1000  }
0xde: {  	[sflag:s11] =	ssyncset.done $0x0  }
0xdf: {  	[sflag:s11] =	ssyncadd.s32 $0xFFFFF000  }
0xe0: {  	[tilespmem:s14], [sflag:$0x1] =	stream.indirect.gather [hbm4b:s4+s13], $0x20, s21, s13, $0xb8;
	[tilespmem:$0x1B800] =	vst v63  }
0xe1: {  	_ =	swait.ge [sflag:s15], $0x1000  }
0xe2: {  	[sflag:s15] =	ssyncset.done $0x0  }
0xe3: {  	[sflag:s15] =	ssyncadd.s32 $0xFFFFF000  }
0xe4: {  	[spmem:s2] =	stream.indirect.scatter.add.f32 [tilespmem:s14], [sflag:$0x2], $0x20, s22, s13, $0xb8;
	[tilespmem:$0x1B800] =	vst v63  }
0xe5: {  	_ =	swait.ge [sflag:s11], $0x1000  }
0xe6: {  	[sflag:s11] =	ssyncset.done $0x0  }
0xe7: {  	[sflag:s11] =	ssyncadd.s32 $0xFFFFF000  }
0xe8: {  	[tilespmem:s14], [sflag:$0x1] =	stream.indirect.gather [hbm4b:s4+s13], $0x20, s23, s13, $0xb8;
	[tilespmem:$0x1B800] =	vst v63  }
0xe9: {  	_ =	swait.ge [sflag:s15], $0x1000  }
0xea: {  	[sflag:s15] =	ssyncset.done $0x0  }
0xeb: {  	[sflag:s15] =	ssyncadd.s32 $0xFFFFF000  }
0xec: {  	[spmem:s2] =	stream.indirect.scatter.add.f32 [tilespmem:s14], [sflag:$0x2], $0x20, s24, s13, $0xb8;
	[tilespmem:$0x1B800] =	vst v63  }
0xed: {  	_ =	swait.ge [sflag:s11], $0x1000  }
0xee: {  	[sflag:s11] =	ssyncset.done $0x0  }
0xef: {  	[sflag:s11] =	ssyncadd.s32 $0xFFFFF000  }
0xf0: {  	[tilespmem:s14], [sflag:$0x1] =	stream.indirect.gather [hbm4b:s4+s13], $0x20, s26, s13, $0xb8;
	[tilespmem:$0x1B800] =	vst v63  }
0xf1: {  	_ =	swait.ge [sflag:s15], $0x1000  }
0xf2: {  	[sflag:s15] =	ssyncset.done $0x0  }
0xf3: {  	[sflag:s15] =	ssyncadd.s32 $0xFFFFF000  }
0xf4: {  	[spmem:s2] =	stream.indirect.scatter.add.f32 [tilespmem:s14], [sflag:$0x2], $0x20, s28, s13, $0xb8;
	[tilespmem:$0x1B800] =	vst v63  }
0xf5: {  	_ =	swait.ge [sflag:s11], $0x1000  }
0xf6: {  	[sflag:s11] =	ssyncset.done $0x0  }
0xf7: {  	[sflag:s11] =	ssyncadd.s32 $0xFFFFF000  }
0xf8: {  	[tilespmem:s14], [sflag:$0x1] =	stream.indirect.gather [hbm4b:s4+s13], $0x20, s29, s13, $0xb8;
	[tilespmem:$0x1B800] =	vst v63  }
0xf9: {  	_ =	swait.ge [sflag:s15], $0x1000  }
0xfa: {  	[sflag:s15] =	ssyncset.done $0x0  }
0xfb: {  	[sflag:s15] =	ssyncadd.s32 $0xFFFFF000  }
0xfc: {  	[spmem:s2] =	stream.indirect.scatter.add.f32 [tilespmem:s14], [sflag:$0x2], $0x20, s30, s13, $0xb8;
	[tilespmem:$0x1B800] =	vst v63  }
0xfd: {  	_ =	swait.ge [sflag:s11], $0x1000  }
0xfe: {  	[sflag:s11] =	ssyncset.done $0x0  }
0xff: {  	[sflag:s11] =	ssyncadd.s32 $0xFFFFF000  }
0x100: {  	s6 =	stileid.u32;
	[bflag:$0x0] =	sbarrier.arrive $0xFFFF  }
0x101: {  	s0 =	sshll.u32 s6, $0x6;
	s7 =	rddreg [dreg:$0x4]  }
0x102: {  	s0 =	sor.u32 $0x1C02, s0;
	s6 =	rddreg [dreg:$0x6]  }
0x103: {  	[hbm:s7], [sflag:s0] =	dma.local [spmem:s6], $0x3200  }
0x104: {  	_ =	swait.ge [sflag:s11], $0x3200  }
0x105: {  	s31 =	sadd.s32 $0x1, s31;
	s25 =	rddreg [dreg:$0x5]  }
0x106: {  	p0 =	sne.s32 s31, s25  }
.Ltmp3:
0x107: {  	_ = 	snop;
	(pc) =	sbr.rel @p0 .LBB2_1-.Ltmp3, $3  }
0x108: {  	_ =	sdelay $0x1  }
0x109: {  	[sflag:s11] =	ssyncset.done $0x0  }
0x10a: {  	[sflag:s11] =	ssyncadd.s32 $0xFFFFCE00  }
0x10b: {  	_ =	sfence.sel $0x180000  }
0x10c: {  	[bflag:$0x0] =	sbarrier.arrive $0xFFFF  }
0x10d: {  	_ =	strace $0x9000004A  }
0x10e: {  	s0 =	stileid.u32;
	[bflag:$0x2] =	sbarrier.arrive $0xFFFF  }
0x10f: {  	p0 =	sne.s32 s0, $0x0;
	s0 =	rddreg [dreg:$0x3]  }
0x110: {  	s0 =	sadd.s32 @!p0 $0x100000, s0  }
0x111: {  	[sflag:s0] =	ssyncadd.tile.s32 @!p0 $0x1;
	_ =	shalt  }
.Lfunc_end2:
_tile_overlayer_lowered:
.L_overlay_start_2:
0x112: {  	(tag) =	ssettag $0x2  }
0x113: {  	s0 =	rddreg [dreg:$0x0];
	s2 =	stileid.u32  }
0x114: {  	s1 =	rddreg [dreg:$0x1];
	p0 =	sne.s32 s2, $0x0  }
0x115: {  	s3 =	rddreg [dreg:$0x2];
	[bflag:$0x3] =	sbarrier.arrive $0xFFFF;
	s2 =	simm.s32 @!p0 $0x1C02  }
0x116: {  	[timem:s3], [sflag:s2] =	dma.local @!p0 [hbm:s0], s1  }
0x117: {  	s0 =	simm.s32 @!p0 $0x2  }
0x118: {  	_ =	swait.ge @!p0 [sflag:s0], s1  }
0x119: {  	s1 =	ssub.s32 @!p0 $0x0, s1;
	[sflag:s0] =	ssyncset.done @!p0 $0x0  }
0x11a: {  	[sflag:s0] =	ssyncadd.s32 @!p0 s1  }
0x11b: {  	[bflag:$0x3] =	sbarrier.arrive $0xFFFF  }
0x11c: {  	_ =	shalt  }

// kernel: kernel.16.cloned.1.call-start
scs
__scs_entry_jumppad:
0x0: {  	(pc) =	sbr.rel $0x88, $3  }
0x1: {  	(tag) =	ssettag $0x0;
	lr =	simm.s32 $0x1  }
0x2: {  	[smem:$0x3F9E] =	sst lr;
	_ =	strace $0xD0000000  }
0x3: {  	_ = 	snop  }
0x4: {  	_ = 	snop  }
0x5: {  	_ = 	snop  }
0x6: {  	_ = 	snop  }
0x7: {  	_ = 	snop  }
__scs_overlays_trampoline_lowered:
0x8: {  	[smem:$0x3FAD] =	sst s0  }
0x9: {  	[smem:$0x3FAE] =	sst s1  }
0xa: {  	[smem:$0x3FAF] =	sst s2  }
0xb: {  	[smem:$0x3FB0] =	sst s3  }
0xc: {  	[smem:$0x3FB1] =	sst s4  }
0xd: {  	[smem:$0x3FB2] =	sst s5  }
0xe: {  	[smem:$0x3FB3] =	sst s6  }
0xf: {  	[smem:$0x3FB4] =	sst s7  }
0x10: {  	[smem:$0x3FB5] =	sst s8  }
0x11: {  	[smem:$0x3FB6] =	sst s9;
	s0 =	simm.s32 @!p0 $0x0  }
0x12: {  	s1 =	sld [smem:$0x3F9C];
	s0 =	simm.s32 @p0 $0x1  }
0x13: {  	[smem:$0x3FB7] =	sst s0;
	s0 =	simm.s32 @!p1 $0x0  }
0x14: {  	s2 =	sld [smem:$0x3F9B];
	s0 =	simm.s32 @p1 $0x1  }
0x15: {  	[smem:$0x3FB8] =	sst s0;
	s0 =	simm.s32 @!p2 $0x0  }
0x16: {  	s3 =	sld [smem:$0x3FDB];
	s0 =	simm.s32 @p2 $0x1  }
0x17: {  	s4 =	simm.s32 $0x1BF5;
	[smem:$0x3FBA] =	sst s0  }
0x18: {  	s0 =	sld [smem:$0x3F9D];
	_ =	swait.ge [sflag:s4], $0x0  }
0x19: {  	s7 =	sld [smem:$0x3F9E]  }
0x1a: {  	s8 =	sadd.s32 $0xFFFFE003, lr  }
0x1b: {  	s9 =	sadd.s32 $0xFFFFFEF7, lr;
	s5 =	simm.s32 $0xFFFFFFFF;
	p2 =	slt.u32 s8, $0xFFFFF086  }
0x1c: {  	p1 =	slt.u32 s9, $0xF7A;
	s5 =	simm.s32 @!p2 $0x0  }
0x1d: {  	s5 =	simm.s32 @p1 $0x1;
	p0 =	seq.s32 s7, s2  }
0x1e: {  	s7 =	smul.u32 @!p0 $0xF7A, s2;
	p2 =	seq.s32 @!p0 s5, $0x0  }
0x1f: {  	s9 =	smul.u32 $0xF7A, s1;
	s8 =	simm.s32 @!p0 $0x1BF5;
	p2 =	por !p2, p0  }
0x20: {  	[sflag:s8] =	ssyncset.s32 @!p0 $0xFFFFF086;
	s6 =	sadd.s32 @!p0 s3, s7;
	s7 =	simm.s32 @!p0 $0x108  }
0x21: {  	s3 =	sadd.s32 s3, s9;
	s6 =	sadd.s32 @!p0 $0x88, s6;
	s7 =	simm.s32 @p2 $0x1082  }
0x22: {  	[simem:s7], [sflag:s8] =	dma.local @!p0 [hbm:s6], $0xF7A  }
0x23: {  	s9 =	sor.u32 $0xD0000000, s2;
	s6 =	simm.s32 $0x108;
	_ =	swait.ge @!p0 [sflag:s8], $0x0  }
0x24: {  	s3 =	sadd.s32 $0x88, s3;
	s6 =	simm.s32 @!p1 $0x1082;
	[sflag:s4] =	ssyncset.s32 $0xFFFFF086  }
0x25: {  	[simem:s6], [sflag:s4] =	dma.local [hbm:s3], $0xF7A  }
0x26: {  	[smem:$0x3F9E] =	sst s1;
	(tag) =	ssettag s2;
	_ =	strace s9  }
0x27: {  	s1 =	sld [smem:$0x3FAE]  }
0x28: {  	s2 =	sld [smem:$0x3FAF]  }
0x29: {  	s4 =	sld [smem:$0x3FB1]  }
0x2a: {  	p0 =	seq.s32 s5, $0x0;
	s5 =	sld [smem:$0x3FB2]  }
0x2b: {  	s6 =	sld [smem:$0x3FB3]  }
0x2c: {  	s7 =	sld [smem:$0x3FB4]  }
0x2d: {  	s3 =	simm.s32 $0x108;
	s8 =	sld [smem:$0x3FB5]  }
0x2e: {  	s3 =	simm.s32 @!p0 $0x1082;
	s9 =	sld [smem:$0x3FB6]  }
0x2f: {  	lr =	sadd.s32 s0, s3;
	s0 =	sld [smem:$0x3FAD]  }
0x30: {  	s3 =	sld [smem:$0x3FB0]  }
0x31: {  	[smem:$0x3FB9] =	sst s10  }
0x32: {  	s10 =	sld [smem:$0x3FB7];
	_ =	sdelay $0x3  }
0x33: {  	p0 =	seq.s32 s10, $0x1;
	s10 =	sld [smem:$0x3FB9];
	_ =	sdelay $0x3  }
0x34: {  	[smem:$0x3FB9] =	sst s10  }
0x35: {  	s10 =	sld [smem:$0x3FB8];
	_ =	sdelay $0x3  }
0x36: {  	p1 =	seq.s32 s10, $0x1;
	s10 =	sld [smem:$0x3FB9];
	_ =	sdelay $0x3  }
0x37: {  	[smem:$0x3FB9] =	sst s10  }
0x38: {  	s10 =	sld [smem:$0x3FBA]  }
0x39: {  	_ = 	snop;
	(pc) =	sbr.ind lr, $3  }
0x3a: {  	_ = 	snop  }
0x3b: {  	_ = 	snop  }
0x3c: {  	p2 =	seq.s32 s10, $0x1;
	s10 =	sld [smem:$0x3FB9]  }
0x3d: {  	_ =	shalt  }
0x3e: {  	_ =	shalt  }
0x3f: {  	_ =	shalt  }
0x40: {  	_ =	shalt  }
0x41: {  	_ =	shalt  }
0x42: {  	_ =	shalt  }
0x43: {  	_ =	shalt  }
0x44: {  	_ =	shalt  }
0x45: {  	_ =	shalt  }
0x46: {  	_ =	shalt  }
0x47: {  	_ =	shalt  }
0x48: {  	_ =	shalt  }
0x49: {  	_ =	shalt  }
0x4a: {  	_ =	shalt  }
0x4b: {  	_ =	shalt  }
0x4c: {  	_ =	shalt  }
0x4d: {  	_ =	shalt  }
0x4e: {  	_ =	shalt  }
0x4f: {  	_ =	shalt  }
0x50: {  	_ =	shalt  }
0x51: {  	_ =	shalt  }
0x52: {  	_ =	shalt  }
0x53: {  	_ =	shalt  }
0x54: {  	_ =	shalt  }
0x55: {  	_ =	shalt  }
0x56: {  	_ =	shalt  }
0x57: {  	_ =	shalt  }
0x58: {  	_ =	shalt  }
0x59: {  	_ =	shalt  }
0x5a: {  	_ =	shalt  }
0x5b: {  	_ =	shalt  }
0x5c: {  	_ =	shalt  }
0x5d: {  	_ =	shalt  }
0x5e: {  	_ =	shalt  }
0x5f: {  	_ =	shalt  }
0x60: {  	_ =	shalt  }
0x61: {  	_ =	shalt  }
0x62: {  	_ =	shalt  }
0x63: {  	_ =	shalt  }
0x64: {  	_ =	shalt  }
0x65: {  	_ =	shalt  }
0x66: {  	_ =	shalt  }
0x67: {  	_ =	shalt  }
0x68: {  	_ =	shalt  }
0x69: {  	_ =	shalt  }
0x6a: {  	_ =	shalt  }
0x6b: {  	_ =	shalt  }
0x6c: {  	_ =	shalt  }
0x6d: {  	_ =	shalt  }
0x6e: {  	_ =	shalt  }
0x6f: {  	_ =	shalt  }
0x70: {  	_ =	shalt  }
0x71: {  	_ =	shalt  }
0x72: {  	_ =	shalt  }
0x73: {  	_ =	shalt  }
0x74: {  	_ =	shalt  }
0x75: {  	_ =	shalt  }
0x76: {  	_ =	shalt  }
0x77: {  	_ =	shalt  }
0x78: {  	_ =	shalt  }
0x79: {  	_ =	shalt  }
0x7a: {  	_ =	shalt  }
0x7b: {  	_ =	shalt  }
0x7c: {  	_ =	shalt  }
0x7d: {  	_ =	shalt  }
0x7e: {  	_ =	shalt  }
0x7f: {  	_ =	shalt  }
0x80: {  	_ =	shalt  }
0x81: {  	_ =	shalt  }
0x82: {  	_ =	shalt  }
0x83: {  	_ =	shalt  }
0x84: {  	_ =	shalt  }
0x85: {  	_ =	shalt  }
0x86: {  	_ =	shalt  }
0x87: {  	_ =	shalt  }
.Lfunc_end0:
.L_simem_size_0:
called_computation.2_lowered:
.L_overlay_start_0:
0x88: {  	s2 =	sld [smem:$0x3FD9]  }
0x89: {  	s3 =	sld [smem:$0x3FFE];
	_ =	sdelay $0x1  }
0x8a: {  	s1 =	srdreg.scid  }
0x8b: {  	s0 =	sand.u32 $0x1, s1  }
0x8c: {  	s14 =	sshll.u32 s0, $0xA;
	s2 =	sadd.s32 s3, s2  }
0x8d: {  	s2 =	sadd.s32 s2, s14  }
0x8e: {  	[smem:$0x3FC5] =	sst s2  }
0x8f: {  	_ = 	snop  }
0x90: {  	s2 =	sld [smem:$0x3FD0];
	_ =	sdelay $0x2  }
0x91: {  	s15 =	simm.s32 $0xA;
	s4 =	simm.s32 $0x10  }
0x92: {  	[smem:s4], [sflag:s15] =	dma.local [hbm:s2], $0x1  }
0x93: {  	_ =	swait.eq [sflag:s15], $0x1  }
0x94: {  	[sflag:s15] =	ssyncset.done $0x0  }
0x95: {  	[sflag:s15] =	ssyncadd.s32 $0xFFFFFFFF  }
0x96: {  	s16 =	sld [smem:$0x10];
	(tm) =	ssettm $0x1  }
0x97: {  	s17 =	sld [smem:$0x3FFB];
	_ =	sdelay $0x3  }
0x98: {  	_ =	strace s17  }
0x99: {  	s3 =	sld [smem:$0x3FFC];
	_ =	sdelay $0x3  }
0x9a: {  	_ =	strace s3  }
0x9b: {  	s3 =	sld [smem:$0x3FFD];
	_ =	sdelay $0x3  }
0x9c: {  	_ =	strace s3  }
0x9d: {  	_ =	strace $0x8FFFFFFF  }
0x9e: {  	s18 =	sld [smem:$0x3FDB];
	_ =	sdelay $0x1  }
0x9f: {  	s19 =	simm.s32 $_scs_section_size  }
0xa0: {  	s5 =	simm.s32 $_size__tile_overlayer_lowered;
	s6 =	simm.s32 $_tile_overlayer_lowered  }
0xa1: {  	s22 =	simm.s32 $0x1BFF;
	s21 =	sshll.u32 s6, $0x1;
	s3 =	sadd.s32 s19, s18  }
0xa2: {  	s7 =	simm.s32 $0x0;
	s20 =	sshll.u32 s5, $0x1;
	s5 =	sadd.s32 s21, s3  }
0xa3: {  	[timem:s7], [sflag:s22] =	dma.local [hbm:s5], s20  }
0xa4: {  	_ =	swait.ge [sflag:s22], s20  }
0xa5: {  	s4 =	ssub.s32 $0x0, s20;
	[sflag:s22] =	ssyncset.done $0x0  }
0xa6: {  	[sflag:s22] =	ssyncadd.s32 s4;
	_ =	sdelay $0x1  }
0xa7: {  	s23 =	simm.s32 $0x1B8B  }
0xa8: {  	_ =	swait.ge [sflag:s23], $0x1  }
0xa9: {  	[sflag:s23] =	ssyncset.done $0x0  }
0xaa: {  	s25 =	simm.s32 $0x1B8E;
	s24 =	sld [smem:$0x3FFE];
	[sflag:s23] =	ssyncadd.s32 $0xFFFFFFFF  }
0xab: {  	s26 =	simm.s32 $execute0_lowered;
	[smem:$0x3FD2] =	sst s25  }
0xac: {  	s5 =	sshll.u32 s26, $0x1;
	_ =	strace $0x8000004C;
	[dreg:$0x1] =	wrdreg $0xFFFFFFFF  }
0xad: {  	s28 =	simm.s32 $_size_execute0_lowered;
	s3 =	sadd.s32 s3, s5;
	[dreg:$0x0] =	wrdreg $0x0  }
0xae: {  	s5 =	sshll.u32 s28, $0x1;
	[dreg:$0x2] =	wrdreg s3  }
0xaf: {  	[dreg:$0x3] =	wrdreg s5  }
0xb0: {  	[dreg:$0x4] =	wrdreg $0xC0  }
0xb1: {  	_ =	task [dreg:s7], $0x5FFFF  }
0xb2: {  	[dreg:$0x1] =	wrdreg $0xFFFFFFFF  }
0xb3: {  	[dreg:$0x0] =	wrdreg $0x60  }
0xb4: {  	[dreg:$0x2] =	wrdreg s24  }
0xb5: {  	[dreg:$0x3] =	wrdreg s16  }
0xb6: {  	[dreg:$0x4] =	wrdreg $0x28000  }
0xb7: {  	[dreg:$0x5] =	wrdreg $0x9  }
0xb8: {  	_ =	task.clear_ibuf [dreg:s7], $0x6FFFF;
	_ =	strace $0x9000004C  }
0xb9: {  	s29 =	simm.s32 $0x9;
	_ =	strace $0x8000004E  }
0xba: {  	_ =	swait.ge [sflag:s29], $0x1  }
0xbb: {  	[sflag:s29] =	ssyncadd.s32 $0xFFFFFFFF  }
0xbc: {  	_ =	strace $0x9000004E  }
0xbd: {  	_ =	sfence  }
0xbe: {  	s30 =	sld [smem:$0x0];
	_ =	sdelay $0x2  }
0xbf: {  	s31 =	sshll.u32 s1, $0xD;
	s1 =	sshrl.u32 s1, $0x2  }
0xc0: {  	s3 =	sand.u32 $0x4000, s31;
	s1 =	sadd.s32 s1, s30  }
0xc1: {  	s0 =	sor.u32 s3, s0;
	s1 =	sshll.u32 s1, $0x11  }
0xc2: {  	s0 =	sor.u32 s1, s0  }
0xc3: {  	s0 =	sadd.s32 $0x8F2B, s0  }
0xc4: {  	[sflag:s0] =	ssyncadd.remote.s32 $0x1  }
0xc5: {  	_ =	sfence.sel $0xFFFF  }
0xc6: {  	[dreg:$0x0] =	wrdreg $0xFFFFFFFF;
	(pc) =	sbr.abs _section_cstart, $3  }
0xc7: {  	[dreg:$0x1] =	wrdreg $0xFFFFFFFF  }
0xc8: {  	_ =	task.clear_ibuf [dreg:s7], $0x2FFFF;
	_ =	strace $0x9FFFFFFF  }
0xc9: {  	(tm) =	ssettm $0x7FFFFFFF  }
tec
execute0_lowered:
.L_overlay_start_1:
0x0: {  	(tag) =	ssettag $0x1  }
0x1: {  	s0 =	rddreg [dreg:$0x0]  }
0x2: {  	s1 =	srdreg.scid;
	s6 =	rddreg [dreg:$0x1]  }
0x3: {  	s11 =	stileid.u32;
	s2 =	rddreg [dreg:$0x2]  }
0x4: {  	s3 =	simm.s32 $0x0;
	s12 =	simm.s32 $0x400;
	s13 =	simm.s32 $0x80  }
0x5: {  	s14 =	simm.s32 $0x800;
	s15 =	simm.s32 $0x1;
	s16 =	simm.s32 $0x480  }
0x6: {  	s17 =	simm.s32 $0x100;
	s18 =	simm.s32 $0x500;
	s19 =	simm.s32 $0x180  }
0x7: {  	s20 =	simm.s32 $0x580;
	s21 =	simm.s32 $0x200;
	s4 =	smul.u32 $0xC800, s11  }
0x8: {  	s22 =	simm.s32 $0x600;
	s28 =	simm.s32 $0x700;
	s8 =	smul.u32 $0x19000, s11  }
0x9: {  	s29 =	simm.s32 $0x380;
	s30 =	simm.s32 $0x780;
	s9 =	smul.u32 $0x64000, s11  }
0xa: {  	s31 =	simm.s32 $0x0;
	s1 =	sand.u32 $0x1, s1;
	s25 =	smul.u32 $0x1900, s11  }
0xb: {  	[smem:$0x7FF] =	sst s3;
	s11 =	simm.s32 $0x2;
	s5 =	smul.u32 $0xC8000, s1  }
0xc: {  	s7 =	smul.u32 $0x190000, s1;
	_ =	strace $0x8000004D;
	s1 =	ssub.s32 $0x2, s1  }
0xd: {  	s23 =	sshrl.u32 s1, $0x1;
	s24 =	sshrl.u32 s9, $0x2;
	s26 =	sadd.s32 s8, s2  }
0xe: {  	s5 =	sadd.s32 s4, s5;
	s4 =	sadd.s32 $0x1C6A00, s0;
	s7 =	sadd.s32 s8, s7  }
0xf: {  	s1 =	ssub.s32 s1, s23;
	s8 =	sadd.s32 s25, s6;
	s23 =	simm.s32 $0x280  }
0x10: {  	s5 =	sshrl.u32 s5, $0x3;
	s7 =	sshrl.u32 s7, $0x3;
	s1 =	smax.u32 s1, $0x1  }
0x11: {  	s10 =	sadd.s32 s5, s0;
	s0 =	sadd.s32 s7, s0;
	s5 =	sadd.s32 s24, s2  }
0x12: {  	[dreg:$0x5] =	wrdreg s1;
	s24 =	simm.s32 $0x680;
	s0 =	sadd.s32 $0x3BAA00, s0  }
0x13: {  	s9 =	sadd.s32 $0x194A00, s10;
	[dreg:$0x4] =	wrdreg s0;
	s0 =	sshrl.u32 s26, $0x3  }
0x14: {  	v0 =	vimm.f32 $0.0e+00;
	s10 =	simm.s32 $0x1800;
	s26 =	simm.s32 $0x300;
	[dreg:$0x6] =	wrdreg s0  }
.LBB2_1:
0x15: {  	s0 =	simm.s32 $0x0  }
.LBB2_2:
0x16: {  	p0 =	sne.s32 s0, $0x3F80  }
.Ltmp0:
0x17: {  	_ = 	snop;
	(pc) =	sbr.rel @p0 .LBB2_2-.Ltmp0, $4  }
0x18: {  	_ = 	snop  }
0x19: {  	s1 =	sshra.s32 s0, $0x2  }
0x1a: {  	[tilespmem:s1+$0x1800] =	vst v0  }
0x1b: {  	s0 =	sadd.s32 $0x80, s0;
	[tilespmem:s1+$0x1810] =	vst v0  }
0x1c: {  	s0 =	sadd.s32 $0x0, s5  }
0x1d: {  	[spmem:s0] =	stream.linear.scatter [tilespmem:s10], [sflag:$0x2], $0x1000, $0x38;
	[tilespmem:$0x1B800] =	vst v63  }
0x1e: {  	s0 =	simm.s32 $0x4000;
	_ =	swait.ge [sflag:s11], $0x1000  }
.LBB2_4:
0x1f: {  	s1 =	sshra.s32 s0, $0x2;
	[sflag:s11] =	ssyncset.done $0x0;
	p0 =	sne.s32 s0, $0x60000  }
.Ltmp1:
0x20: {  	s1 =	sadd.s32 s1, s5;
	[sflag:s11] =	ssyncadd.s32 $0xFFFFF000;
	(pc) =	sbr.rel @p0 .LBB2_4-.Ltmp1, $3  }
0x21: {  	[spmem:s1] =	stream.linear.scatter [tilespmem:s10], [sflag:$0x2], $0x1000, $0x38;
	[tilespmem:$0x1B800] =	vst v63  }
0x22: {  	s0 =	sadd.s32 $0x4000, s0;
	_ =	sdelay $0x1  }
0x23: {  	_ =	swait.ge [sflag:s11], $0x1000  }
0x24: {  	[sflag:s11] =	ssyncset.done $0x0  }
0x25: {  	[sflag:s11] =	ssyncadd.s32 $0xFFFFF000  }
0x26: {  	s0 =	sadd.s32 $0x0, s9;
	[bflag:$0x0] =	sbarrier.arrive $0xFFFF  }
0x27: {  	[tilespmem:s3], [sflag:$0x2] =	stream.linear.gather [hbm4b:s0+s3], $0x400, $0x38;
	[tilespmem:$0x1B800] =	vst v63  }
0x28: {  	_ =	swait.ge [sflag:s11], $0x400  }
0x29: {  	[sflag:s11] =	ssyncset.done $0x0  }
0x2a: {  	s25 =	sadd.s32 $0x0, s8;
	[sflag:s11] =	ssyncadd.s32 $0xFFFFFC00  }
0x2b: {  	[tilespmem:s12], [sflag:$0x2] =	stream.linear.gather [hbm4b:s25+s3], $0x400, $0x38;
	[tilespmem:$0x1B800] =	vst v63  }
0x2c: {  	_ =	swait.ge [sflag:s11], $0x400  }
0x2d: {  	[sflag:s11] =	ssyncset.done $0x0  }
0x2e: {  	[sflag:s11] =	ssyncadd.s32 $0xFFFFFC00  }
0x2f: {  	[tilespmem:s14], [sflag:$0x1] =	stream.indirect.gather [hbm4b:s4+s13], $0x20, s3, s13, $0xb8;
	[tilespmem:$0x1B800] =	vst v63  }
0x30: {  	_ =	swait.ge [sflag:s15], $0x1000  }
0x31: {  	[sflag:s15] =	ssyncset.done $0x0  }
0x32: {  	[sflag:s15] =	ssyncadd.s32 $0xFFFFF000  }
0x33: {  	[spmem:s2] =	stream.indirect.scatter.add.f32 [tilespmem:s14], [sflag:$0x2], $0x20, s12, s13, $0xb8;
	[tilespmem:$0x1B800] =	vst v63  }
0x34: {  	_ =	swait.ge [sflag:s11], $0x1000  }
0x35: {  	[sflag:s11] =	ssyncset.done $0x0  }
0x36: {  	[sflag:s11] =	ssyncadd.s32 $0xFFFFF000  }
0x37: {  	[tilespmem:s14], [sflag:$0x1] =	stream.indirect.gather [hbm4b:s4+s13], $0x20, s13, s13, $0xb8;
	[tilespmem:$0x1B800] =	vst v63  }
0x38: {  	_ =	swait.ge [sflag:s15], $0x1000  }
0x39: {  	[sflag:s15] =	ssyncset.done $0x0  }
0x3a: {  	[sflag:s15] =	ssyncadd.s32 $0xFFFFF000  }
0x3b: {  	[spmem:s2] =	stream.indirect.scatter.add.f32 [tilespmem:s14], [sflag:$0x2], $0x20, s16, s13, $0xb8;
	[tilespmem:$0x1B800] =	vst v63  }
0x3c: {  	_ =	swait.ge [sflag:s11], $0x1000  }
0x3d: {  	[sflag:s11] =	ssyncset.done $0x0  }
0x3e: {  	[sflag:s11] =	ssyncadd.s32 $0xFFFFF000  }
0x3f: {  	[tilespmem:s14], [sflag:$0x1] =	stream.indirect.gather [hbm4b:s4+s13], $0x20, s17, s13, $0xb8;
	[tilespmem:$0x1B800] =	vst v63  }
0x40: {  	_ =	swait.ge [sflag:s15], $0x1000  }
0x41: {  	[sflag:s15] =	ssyncset.done $0x0  }
0x42: {  	[sflag:s15] =	ssyncadd.s32 $0xFFFFF000  }
0x43: {  	[spmem:s2] =	stream.indirect.scatter.add.f32 [tilespmem:s14], [sflag:$0x2], $0x20, s18, s13, $0xb8;
	[tilespmem:$0x1B800] =	vst v63  }
0x44: {  	_ =	swait.ge [sflag:s11], $0x1000  }
0x45: {  	[sflag:s11] =	ssyncset.done $0x0  }
0x46: {  	[sflag:s11] =	ssyncadd.s32 $0xFFFFF000  }
0x47: {  	[tilespmem:s14], [sflag:$0x1] =	stream.indirect.gather [hbm4b:s4+s13], $0x20, s19, s13, $0xb8;
	[tilespmem:$0x1B800] =	vst v63  }
0x48: {  	_ =	swait.ge [sflag:s15], $0x1000  }
0x49: {  	[sflag:s15] =	ssyncset.done $0x0  }
0x4a: {  	[sflag:s15] =	ssyncadd.s32 $0xFFFFF000  }
0x4b: {  	[spmem:s2] =	stream.indirect.scatter.add.f32 [tilespmem:s14], [sflag:$0x2], $0x20, s20, s13, $0xb8;
	[tilespmem:$0x1B800] =	vst v63  }
0x4c: {  	_ =	swait.ge [sflag:s11], $0x1000  }
0x4d: {  	[sflag:s11] =	ssyncset.done $0x0  }
0x4e: {  	[sflag:s11] =	ssyncadd.s32 $0xFFFFF000  }
0x4f: {  	[tilespmem:s14], [sflag:$0x1] =	stream.indirect.gather [hbm4b:s4+s13], $0x20, s21, s13, $0xb8;
	[tilespmem:$0x1B800] =	vst v63  }
0x50: {  	_ =	swait.ge [sflag:s15], $0x1000  }
0x51: {  	[sflag:s15] =	ssyncset.done $0x0  }
0x52: {  	[sflag:s15] =	ssyncadd.s32 $0xFFFFF000  }
0x53: {  	[spmem:s2] =	stream.indirect.scatter.add.f32 [tilespmem:s14], [sflag:$0x2], $0x20, s22, s13, $0xb8;
	[tilespmem:$0x1B800] =	vst v63  }
0x54: {  	_ =	swait.ge [sflag:s11], $0x1000  }
0x55: {  	[sflag:s11] =	ssyncset.done $0x0  }
0x56: {  	[sflag:s11] =	ssyncadd.s32 $0xFFFFF000  }
0x57: {  	[tilespmem:s14], [sflag:$0x1] =	stream.indirect.gather [hbm4b:s4+s13], $0x20, s23, s13, $0xb8;
	[tilespmem:$0x1B800] =	vst v63  }
0x58: {  	_ =	swait.ge [sflag:s15], $0x1000  }
0x59: {  	[sflag:s15] =	ssyncset.done $0x0  }
0x5a: {  	[sflag:s15] =	ssyncadd.s32 $0xFFFFF000  }
0x5b: {  	[spmem:s2] =	stream.indirect.scatter.add.f32 [tilespmem:s14], [sflag:$0x2], $0x20, s24, s13, $0xb8;
	[tilespmem:$0x1B800] =	vst v63  }
0x5c: {  	_ =	swait.ge [sflag:s11], $0x1000  }
0x5d: {  	[sflag:s11] =	ssyncset.done $0x0  }
0x5e: {  	[sflag:s11] =	ssyncadd.s32 $0xFFFFF000  }
0x5f: {  	[tilespmem:s14], [sflag:$0x1] =	stream.indirect.gather [hbm4b:s4+s13], $0x20, s26, s13, $0xb8;
	[tilespmem:$0x1B800] =	vst v63  }
0x60: {  	_ =	swait.ge [sflag:s15], $0x1000  }
0x61: {  	[sflag:s15] =	ssyncset.done $0x0  }
0x62: {  	[sflag:s15] =	ssyncadd.s32 $0xFFFFF000  }
0x63: {  	[spmem:s2] =	stream.indirect.scatter.add.f32 [tilespmem:s14], [sflag:$0x2], $0x20, s28, s13, $0xb8;
	[tilespmem:$0x1B800] =	vst v63  }
0x64: {  	_ =	swait.ge [sflag:s11], $0x1000  }
0x65: {  	[sflag:s11] =	ssyncset.done $0x0  }
0x66: {  	[sflag:s11] =	ssyncadd.s32 $0xFFFFF000  }
0x67: {  	[tilespmem:s14], [sflag:$0x1] =	stream.indirect.gather [hbm4b:s4+s13], $0x20, s29, s13, $0xb8;
	[tilespmem:$0x1B800] =	vst v63  }
0x68: {  	_ =	swait.ge [sflag:s15], $0x1000  }
0x69: {  	[sflag:s15] =	ssyncset.done $0x0  }
0x6a: {  	[sflag:s15] =	ssyncadd.s32 $0xFFFFF000  }
0x6b: {  	[spmem:s2] =	stream.indirect.scatter.add.f32 [tilespmem:s14], [sflag:$0x2], $0x20, s30, s13, $0xb8;
	[tilespmem:$0x1B800] =	vst v63  }
0x6c: {  	_ =	swait.ge [sflag:s11], $0x1000  }
0x6d: {  	s1 =	simm.s32 $0x80;
	s0 =	simm.s32 $0x100;
	[sflag:s11] =	ssyncset.done $0x0  }
.LBB2_6:
0x6e: {  	s7 =	sadd.s32 s1, s9  }
0x6f: {  	[sflag:s11] =	ssyncadd.s32 $0xFFFFF000;
	s25 =	smov.u32 s0;
	s6 =	sadd.s32 $0x80, s0  }
0x70: {  	[tilespmem:s3], [sflag:$0x2] =	stream.linear.gather [hbm4b:s7+s3], $0x400, $0x38;
	[tilespmem:$0x1B800] =	vst v63  }
0x71: {  	p0 =	sne.s32 s0, $0x1880;
	_ =	swait.ge [sflag:s11], $0x400  }
0x72: {  	[sflag:s11] =	ssyncset.done $0x0  }
0x73: {  	s0 =	sadd.s32 s1, s8;
	s1 =	smov.u32 s25;
	[sflag:s11] =	ssyncadd.s32 $0xFFFFFC00  }
0x74: {  	[tilespmem:s12], [sflag:$0x2] =	stream.linear.gather [hbm4b:s0+s3], $0x400, $0x38;
	[tilespmem:$0x1B800] =	vst v63  }
0x75: {  	_ =	swait.ge [sflag:s11], $0x400  }
0x76: {  	[sflag:s11] =	ssyncset.done $0x0  }
0x77: {  	[sflag:s11] =	ssyncadd.s32 $0xFFFFFC00  }
0x78: {  	[tilespmem:s14], [sflag:$0x1] =	stream.indirect.gather [hbm4b:s4+s13], $0x20, s3, s13, $0xb8;
	[tilespmem:$0x1B800] =	vst v63  }
0x79: {  	_ =	swait.ge [sflag:s15], $0x1000  }
0x7a: {  	[sflag:s15] =	ssyncset.done $0x0  }
0x7b: {  	[sflag:s15] =	ssyncadd.s32 $0xFFFFF000  }
0x7c: {  	[spmem:s2] =	stream.indirect.scatter.add.f32 [tilespmem:s14], [sflag:$0x2], $0x20, s12, s13, $0xb8;
	[tilespmem:$0x1B800] =	vst v63  }
0x7d: {  	_ =	swait.ge [sflag:s11], $0x1000  }
0x7e: {  	[sflag:s11] =	ssyncset.done $0x0  }
0x7f: {  	[sflag:s11] =	ssyncadd.s32 $0xFFFFF000  }
0x80: {  	[tilespmem:s14], [sflag:$0x1] =	stream.indirect.gather [hbm4b:s4+s13], $0x20, s13, s13, $0xb8;
	[tilespmem:$0x1B800] =	vst v63  }
0x81: {  	_ =	swait.ge [sflag:s15], $0x1000  }
0x82: {  	[sflag:s15] =	ssyncset.done $0x0  }
0x83: {  	[sflag:s15] =	ssyncadd.s32 $0xFFFFF000  }
0x84: {  	[spmem:s2] =	stream.indirect.scatter.add.f32 [tilespmem:s14], [sflag:$0x2], $0x20, s16, s13, $0xb8;
	[tilespmem:$0x1B800] =	vst v63  }
0x85: {  	_ =	swait.ge [sflag:s11], $0x1000  }
0x86: {  	[sflag:s11] =	ssyncset.done $0x0  }
0x87: {  	[sflag:s11] =	ssyncadd.s32 $0xFFFFF000  }
0x88: {  	[tilespmem:s14], [sflag:$0x1] =	stream.indirect.gather [hbm4b:s4+s13], $0x20, s17, s13, $0xb8;
	[tilespmem:$0x1B800] =	vst v63  }
0x89: {  	_ =	swait.ge [sflag:s15], $0x1000  }
0x8a: {  	[sflag:s15] =	ssyncset.done $0x0  }
0x8b: {  	[sflag:s15] =	ssyncadd.s32 $0xFFFFF000  }
0x8c: {  	[spmem:s2] =	stream.indirect.scatter.add.f32 [tilespmem:s14], [sflag:$0x2], $0x20, s18, s13, $0xb8;
	[tilespmem:$0x1B800] =	vst v63  }
0x8d: {  	_ =	swait.ge [sflag:s11], $0x1000  }
0x8e: {  	[sflag:s11] =	ssyncset.done $0x0  }
0x8f: {  	[sflag:s11] =	ssyncadd.s32 $0xFFFFF000  }
0x90: {  	[tilespmem:s14], [sflag:$0x1] =	stream.indirect.gather [hbm4b:s4+s13], $0x20, s19, s13, $0xb8;
	[tilespmem:$0x1B800] =	vst v63  }
0x91: {  	_ =	swait.ge [sflag:s15], $0x1000  }
0x92: {  	[sflag:s15] =	ssyncset.done $0x0  }
0x93: {  	[sflag:s15] =	ssyncadd.s32 $0xFFFFF000  }
0x94: {  	[spmem:s2] =	stream.indirect.scatter.add.f32 [tilespmem:s14], [sflag:$0x2], $0x20, s20, s13, $0xb8;
	[tilespmem:$0x1B800] =	vst v63  }
0x95: {  	_ =	swait.ge [sflag:s11], $0x1000  }
0x96: {  	[sflag:s11] =	ssyncset.done $0x0  }
0x97: {  	[sflag:s11] =	ssyncadd.s32 $0xFFFFF000  }
0x98: {  	[tilespmem:s14], [sflag:$0x1] =	stream.indirect.gather [hbm4b:s4+s13], $0x20, s21, s13, $0xb8;
	[tilespmem:$0x1B800] =	vst v63  }
0x99: {  	_ =	swait.ge [sflag:s15], $0x1000  }
0x9a: {  	[sflag:s15] =	ssyncset.done $0x0  }
0x9b: {  	[sflag:s15] =	ssyncadd.s32 $0xFFFFF000  }
0x9c: {  	[spmem:s2] =	stream.indirect.scatter.add.f32 [tilespmem:s14], [sflag:$0x2], $0x20, s22, s13, $0xb8;
	[tilespmem:$0x1B800] =	vst v63  }
0x9d: {  	_ =	swait.ge [sflag:s11], $0x1000  }
0x9e: {  	[sflag:s11] =	ssyncset.done $0x0  }
0x9f: {  	[sflag:s11] =	ssyncadd.s32 $0xFFFFF000  }
0xa0: {  	[tilespmem:s14], [sflag:$0x1] =	stream.indirect.gather [hbm4b:s4+s13], $0x20, s23, s13, $0xb8;
	[tilespmem:$0x1B800] =	vst v63  }
0xa1: {  	_ =	swait.ge [sflag:s15], $0x1000  }
0xa2: {  	[sflag:s15] =	ssyncset.done $0x0  }
0xa3: {  	[sflag:s15] =	ssyncadd.s32 $0xFFFFF000  }
0xa4: {  	[spmem:s2] =	stream.indirect.scatter.add.f32 [tilespmem:s14], [sflag:$0x2], $0x20, s24, s13, $0xb8;
	[tilespmem:$0x1B800] =	vst v63  }
0xa5: {  	_ =	swait.ge [sflag:s11], $0x1000  }
0xa6: {  	[sflag:s11] =	ssyncset.done $0x0  }
0xa7: {  	[sflag:s11] =	ssyncadd.s32 $0xFFFFF000  }
0xa8: {  	[tilespmem:s14], [sflag:$0x1] =	stream.indirect.gather [hbm4b:s4+s13], $0x20, s26, s13, $0xb8;
	[tilespmem:$0x1B800] =	vst v63  }
0xa9: {  	_ =	swait.ge [sflag:s15], $0x1000  }
0xaa: {  	[sflag:s15] =	ssyncset.done $0x0  }
0xab: {  	[sflag:s15] =	ssyncadd.s32 $0xFFFFF000  }
0xac: {  	[spmem:s2] =	stream.indirect.scatter.add.f32 [tilespmem:s14], [sflag:$0x2], $0x20, s28, s13, $0xb8;
	[tilespmem:$0x1B800] =	vst v63  }
0xad: {  	_ =	swait.ge [sflag:s11], $0x1000  }
0xae: {  	[sflag:s11] =	ssyncset.done $0x0  }
0xaf: {  	[sflag:s11] =	ssyncadd.s32 $0xFFFFF000  }
0xb0: {  	[tilespmem:s14], [sflag:$0x1] =	stream.indirect.gather [hbm4b:s4+s13], $0x20, s29, s13, $0xb8;
	[tilespmem:$0x1B800] =	vst v63  }
0xb1: {  	_ =	swait.ge [sflag:s15], $0x1000  }
.Ltmp2:
0xb2: {  	[sflag:s15] =	ssyncset.done $0x0;
	(pc) =	sbr.rel @p0 .LBB2_6-.Ltmp2, $4  }
0xb3: {  	[sflag:s15] =	ssyncadd.s32 $0xFFFFF000  }
0xb4: {  	[spmem:s2] =	stream.indirect.scatter.add.f32 [tilespmem:s14], [sflag:$0x2], $0x20, s30, s13, $0xb8;
	[tilespmem:$0x1B800] =	vst v63  }
0xb5: {  	_ =	swait.ge [sflag:s11], $0x1000  }
0xb6: {  	s0 =	smov.u32 s6;
	[sflag:s11] =	ssyncset.done $0x0  }
0xb7: {  	s0 =	sadd.s32 s1, s9;
	[sflag:s11] =	ssyncadd.s32 $0xFFFFF000  }
0xb8: {  	[tilespmem:s3], [sflag:$0x2] =	stream.linear.gather [hbm4b:s0+s3], $0x400, $0x38;
	[tilespmem:$0x1B800] =	vst v63  }
0xb9: {  	_ =	swait.ge [sflag:s11], $0x400  }
0xba: {  	[sflag:s11] =	ssyncset.done $0x0  }
0xbb: {  	s1 =	sadd.s32 s1, s8;
	[sflag:s11] =	ssyncadd.s32 $0xFFFFFC00  }
0xbc: {  	[tilespmem:s12], [sflag:$0x2] =	stream.linear.gather [hbm4b:s1+s3], $0x400, $0x38;
	[tilespmem:$0x1B800] =	vst v63  }
0xbd: {  	_ =	swait.ge [sflag:s11], $0x400  }
0xbe: {  	[sflag:s11] =	ssyncset.done $0x0  }
0xbf: {  	[sflag:s11] =	ssyncadd.s32 $0xFFFFFC00  }
0xc0: {  	[tilespmem:s14], [sflag:$0x1] =	stream.indirect.gather [hbm4b:s4+s13], $0x20, s3, s13, $0xb8;
	[tilespmem:$0x1B800] =	vst v63  }
0xc1: {  	_ =	swait.ge [sflag:s15], $0x1000  }
0xc2: {  	[sflag:s15] =	ssyncset.done $0x0  }
0xc3: {  	[sflag:s15] =	ssyncadd.s32 $0xFFFFF000  }
0xc4: {  	[spmem:s2] =	stream.indirect.scatter.add.f32 [tilespmem:s14], [sflag:$0x2], $0x20, s12, s13, $0xb8;
	[tilespmem:$0x1B800] =	vst v63  }
0xc5: {  	_ =	swait.ge [sflag:s11], $0x1000  }
0xc6: {  	[sflag:s11] =	ssyncset.done $0x0  }
0xc7: {  	[sflag:s11] =	ssyncadd.s32 $0xFFFFF000  }
0xc8: {  	[tilespmem:s14], [sflag:$0x1] =	stream.indirect.gather [hbm4b:s4+s13], $0x20, s13, s13, $0xb8;
	[tilespmem:$0x1B800] =	vst v63  }
0xc9: {  	_ =	swait.ge [sflag:s15], $0x1000  }
0xca: {  	[sflag:s15] =	ssyncset.done $0x0  }
0xcb: {  	[sflag:s15] =	ssyncadd.s32 $0xFFFFF000  }
0xcc: {  	[spmem:s2] =	stream.indirect.scatter.add.f32 [tilespmem:s14], [sflag:$0x2], $0x20, s16, s13, $0xb8;
	[tilespmem:$0x1B800] =	vst v63  }
0xcd: {  	_ =	swait.ge [sflag:s11], $0x1000  }
0xce: {  	[sflag:s11] =	ssyncset.done $0x0  }
0xcf: {  	[sflag:s11] =	ssyncadd.s32 $0xFFFFF000  }
0xd0: {  	[tilespmem:s14], [sflag:$0x1] =	stream.indirect.gather [hbm4b:s4+s13], $0x20, s17, s13, $0xb8;
	[tilespmem:$0x1B800] =	vst v63  }
0xd1: {  	_ =	swait.ge [sflag:s15], $0x1000  }
0xd2: {  	[sflag:s15] =	ssyncset.done $0x0  }
0xd3: {  	[sflag:s15] =	ssyncadd.s32 $0xFFFFF000  }
0xd4: {  	[spmem:s2] =	stream.indirect.scatter.add.f32 [tilespmem:s14], [sflag:$0x2], $0x20, s18, s13, $0xb8;
	[tilespmem:$0x1B800] =	vst v63  }
0xd5: {  	_ =	swait.ge [sflag:s11], $0x1000  }
0xd6: {  	[sflag:s11] =	ssyncset.done $0x0  }
0xd7: {  	[sflag:s11] =	ssyncadd.s32 $0xFFFFF000  }
0xd8: {  	[tilespmem:s14], [sflag:$0x1] =	stream.indirect.gather [hbm4b:s4+s13], $0x20, s19, s13, $0xb8;
	[tilespmem:$0x1B800] =	vst v63  }
0xd9: {  	_ =	swait.ge [sflag:s15], $0x1000  }
0xda: {  	[sflag:s15] =	ssyncset.done $0x0  }
0xdb: {  	[sflag:s15] =	ssyncadd.s32 $0xFFFFF000  }
0xdc: {  	[spmem:s2] =	stream.indirect.scatter.add.f32 [tilespmem:s14], [sflag:$0x2], $0x20, s20, s13, $0xb8;
	[tilespmem:$0x1B800] =	vst v63  }
0xdd: {  	_ =	swait.ge [sflag:s11], $0x1000  }
0xde: {  	[sflag:s11] =	ssyncset.done $0x0  }
0xdf: {  	[sflag:s11] =	ssyncadd.s32 $0xFFFFF000  }
0xe0: {  	[tilespmem:s14], [sflag:$0x1] =	stream.indirect.gather [hbm4b:s4+s13], $0x20, s21, s13, $0xb8;
	[tilespmem:$0x1B800] =	vst v63  }
0xe1: {  	_ =	swait.ge [sflag:s15], $0x1000  }
0xe2: {  	[sflag:s15] =	ssyncset.done $0x0  }
0xe3: {  	[sflag:s15] =	ssyncadd.s32 $0xFFFFF000  }
0xe4: {  	[spmem:s2] =	stream.indirect.scatter.add.f32 [tilespmem:s14], [sflag:$0x2], $0x20, s22, s13, $0xb8;
	[tilespmem:$0x1B800] =	vst v63  }
0xe5: {  	_ =	swait.ge [sflag:s11], $0x1000  }
0xe6: {  	[sflag:s11] =	ssyncset.done $0x0  }
0xe7: {  	[sflag:s11] =	ssyncadd.s32 $0xFFFFF000  }
0xe8: {  	[tilespmem:s14], [sflag:$0x1] =	stream.indirect.gather [hbm4b:s4+s13], $0x20, s23, s13, $0xb8;
	[tilespmem:$0x1B800] =	vst v63  }
0xe9: {  	_ =	swait.ge [sflag:s15], $0x1000  }
0xea: {  	[sflag:s15] =	ssyncset.done $0x0  }
0xeb: {  	[sflag:s15] =	ssyncadd.s32 $0xFFFFF000  }
0xec: {  	[spmem:s2] =	stream.indirect.scatter.add.f32 [tilespmem:s14], [sflag:$0x2], $0x20, s24, s13, $0xb8;
	[tilespmem:$0x1B800] =	vst v63  }
0xed: {  	_ =	swait.ge [sflag:s11], $0x1000  }
0xee: {  	[sflag:s11] =	ssyncset.done $0x0  }
0xef: {  	[sflag:s11] =	ssyncadd.s32 $0xFFFFF000  }
0xf0: {  	[tilespmem:s14], [sflag:$0x1] =	stream.indirect.gather [hbm4b:s4+s13], $0x20, s26, s13, $0xb8;
	[tilespmem:$0x1B800] =	vst v63  }
0xf1: {  	_ =	swait.ge [sflag:s15], $0x1000  }
0xf2: {  	[sflag:s15] =	ssyncset.done $0x0  }
0xf3: {  	[sflag:s15] =	ssyncadd.s32 $0xFFFFF000  }
0xf4: {  	[spmem:s2] =	stream.indirect.scatter.add.f32 [tilespmem:s14], [sflag:$0x2], $0x20, s28, s13, $0xb8;
	[tilespmem:$0x1B800] =	vst v63  }
0xf5: {  	_ =	swait.ge [sflag:s11], $0x1000  }
0xf6: {  	[sflag:s11] =	ssyncset.done $0x0  }
0xf7: {  	[sflag:s11] =	ssyncadd.s32 $0xFFFFF000  }
0xf8: {  	[tilespmem:s14], [sflag:$0x1] =	stream.indirect.gather [hbm4b:s4+s13], $0x20, s29, s13, $0xb8;
	[tilespmem:$0x1B800] =	vst v63  }
0xf9: {  	_ =	swait.ge [sflag:s15], $0x1000  }
0xfa: {  	[sflag:s15] =	ssyncset.done $0x0  }
0xfb: {  	[sflag:s15] =	ssyncadd.s32 $0xFFFFF000  }
0xfc: {  	[spmem:s2] =	stream.indirect.scatter.add.f32 [tilespmem:s14], [sflag:$0x2], $0x20, s30, s13, $0xb8;
	[tilespmem:$0x1B800] =	vst v63  }
0xfd: {  	_ =	swait.ge [sflag:s11], $0x1000  }
0xfe: {  	[sflag:s11] =	ssyncset.done $0x0  }
0xff: {  	[sflag:s11] =	ssyncadd.s32 $0xFFFFF000  }
0x100: {  	s6 =	stileid.u32;
	[bflag:$0x0] =	sbarrier.arrive $0xFFFF  }
0x101: {  	s0 =	sshll.u32 s6, $0x6;
	s7 =	rddreg [dreg:$0x4]  }
0x102: {  	s0 =	sor.u32 $0x1C02, s0;
	s6 =	rddreg [dreg:$0x6]  }
0x103: {  	[hbm:s7], [sflag:s0] =	dma.local [spmem:s6], $0x3200  }
0x104: {  	_ =	swait.ge [sflag:s11], $0x3200  }
0x105: {  	s31 =	sadd.s32 $0x1, s31;
	s25 =	rddreg [dreg:$0x5]  }
0x106: {  	p0 =	sne.s32 s31, s25  }
.Ltmp3:
0x107: {  	_ = 	snop;
	(pc) =	sbr.rel @p0 .LBB2_1-.Ltmp3, $3  }
0x108: {  	_ =	sdelay $0x1  }
0x109: {  	[sflag:s11] =	ssyncset.done $0x0  }
0x10a: {  	[sflag:s11] =	ssyncadd.s32 $0xFFFFCE00  }
0x10b: {  	_ =	sfence.sel $0x180000  }
0x10c: {  	[bflag:$0x0] =	sbarrier.arrive $0xFFFF  }
0x10d: {  	_ =	strace $0x9000004D  }
0x10e: {  	s0 =	stileid.u32;
	[bflag:$0x2] =	sbarrier.arrive $0xFFFF  }
0x10f: {  	p0 =	sne.s32 s0, $0x0;
	s0 =	rddreg [dreg:$0x3]  }
0x110: {  	s0 =	sadd.s32 @!p0 $0x100000, s0  }
0x111: {  	[sflag:s0] =	ssyncadd.tile.s32 @!p0 $0x1;
	_ =	shalt  }
.Lfunc_end2:
_tile_overlayer_lowered:
.L_overlay_start_2:
0x112: {  	(tag) =	ssettag $0x2  }
0x113: {  	s0 =	rddreg [dreg:$0x0];
	s2 =	stileid.u32  }
0x114: {  	s1 =	rddreg [dreg:$0x1];
	p0 =	sne.s32 s2, $0x0  }
0x115: {  	s3 =	rddreg [dreg:$0x2];
	[bflag:$0x3] =	sbarrier.arrive $0xFFFF;
	s2 =	simm.s32 @!p0 $0x1C02  }
0x116: {  	[timem:s3], [sflag:s2] =	dma.local @!p0 [hbm:s0], s1  }
0x117: {  	s0 =	simm.s32 @!p0 $0x2  }
0x118: {  	_ =	swait.ge @!p0 [sflag:s0], s1  }
0x119: {  	s1 =	ssub.s32 @!p0 $0x0, s1;
	[sflag:s0] =	ssyncset.done @!p0 $0x0  }
0x11a: {  	[sflag:s0] =	ssyncadd.s32 @!p0 s1  }
0x11b: {  	[bflag:$0x3] =	sbarrier.arrive $0xFFFF  }
0x11c: {  	_ =	shalt  }

// kernel: kernel.19.cloned.1.call-start
scs
__scs_entry_jumppad:
0x0: {  	(pc) =	sbr.rel $0x88, $3  }
0x1: {  	(tag) =	ssettag $0x0;
	lr =	simm.s32 $0x1  }
0x2: {  	[smem:$0x3F9E] =	sst lr;
	_ =	strace $0xD0000000  }
0x3: {  	_ = 	snop  }
0x4: {  	_ = 	snop  }
0x5: {  	_ = 	snop  }
0x6: {  	_ = 	snop  }
0x7: {  	_ = 	snop  }
__scs_overlays_trampoline_lowered:
0x8: {  	[smem:$0x3FAD] =	sst s0  }
0x9: {  	[smem:$0x3FAE] =	sst s1  }
0xa: {  	[smem:$0x3FAF] =	sst s2  }
0xb: {  	[smem:$0x3FB0] =	sst s3  }
0xc: {  	[smem:$0x3FB1] =	sst s4  }
0xd: {  	[smem:$0x3FB2] =	sst s5  }
0xe: {  	[smem:$0x3FB3] =	sst s6  }
0xf: {  	[smem:$0x3FB4] =	sst s7  }
0x10: {  	[smem:$0x3FB5] =	sst s8  }
0x11: {  	[smem:$0x3FB6] =	sst s9;
	s0 =	simm.s32 @!p0 $0x0  }
0x12: {  	s1 =	sld [smem:$0x3F9C];
	s0 =	simm.s32 @p0 $0x1  }
0x13: {  	[smem:$0x3FB7] =	sst s0;
	s0 =	simm.s32 @!p1 $0x0  }
0x14: {  	s2 =	sld [smem:$0x3F9B];
	s0 =	simm.s32 @p1 $0x1  }
0x15: {  	[smem:$0x3FB8] =	sst s0;
	s0 =	simm.s32 @!p2 $0x0  }
0x16: {  	s3 =	sld [smem:$0x3FDB];
	s0 =	simm.s32 @p2 $0x1  }
0x17: {  	s4 =	simm.s32 $0x1BF5;
	[smem:$0x3FBA] =	sst s0  }
0x18: {  	s0 =	sld [smem:$0x3F9D];
	_ =	swait.ge [sflag:s4], $0x0  }
0x19: {  	s7 =	sld [smem:$0x3F9E]  }
0x1a: {  	s8 =	sadd.s32 $0xFFFFE003, lr  }
0x1b: {  	s9 =	sadd.s32 $0xFFFFFEF7, lr;
	s5 =	simm.s32 $0xFFFFFFFF;
	p2 =	slt.u32 s8, $0xFFFFF086  }
0x1c: {  	p1 =	slt.u32 s9, $0xF7A;
	s5 =	simm.s32 @!p2 $0x0  }
0x1d: {  	s5 =	simm.s32 @p1 $0x1;
	p0 =	seq.s32 s7, s2  }
0x1e: {  	s7 =	smul.u32 @!p0 $0xF7A, s2;
	p2 =	seq.s32 @!p0 s5, $0x0  }
0x1f: {  	s9 =	smul.u32 $0xF7A, s1;
	s8 =	simm.s32 @!p0 $0x1BF5;
	p2 =	por !p2, p0  }
0x20: {  	[sflag:s8] =	ssyncset.s32 @!p0 $0xFFFFF086;
	s6 =	sadd.s32 @!p0 s3, s7;
	s7 =	simm.s32 @!p0 $0x108  }
0x21: {  	s3 =	sadd.s32 s3, s9;
	s6 =	sadd.s32 @!p0 $0x88, s6;
	s7 =	simm.s32 @p2 $0x1082  }
0x22: {  	[simem:s7], [sflag:s8] =	dma.local @!p0 [hbm:s6], $0xF7A  }
0x23: {  	s9 =	sor.u32 $0xD0000000, s2;
	s6 =	simm.s32 $0x108;
	_ =	swait.ge @!p0 [sflag:s8], $0x0  }
0x24: {  	s3 =	sadd.s32 $0x88, s3;
	s6 =	simm.s32 @!p1 $0x1082;
	[sflag:s4] =	ssyncset.s32 $0xFFFFF086  }
0x25: {  	[simem:s6], [sflag:s4] =	dma.local [hbm:s3], $0xF7A  }
0x26: {  	[smem:$0x3F9E] =	sst s1;
	(tag) =	ssettag s2;
	_ =	strace s9  }
0x27: {  	s1 =	sld [smem:$0x3FAE]  }
0x28: {  	s2 =	sld [smem:$0x3FAF]  }
0x29: {  	s4 =	sld [smem:$0x3FB1]  }
0x2a: {  	p0 =	seq.s32 s5, $0x0;
	s5 =	sld [smem:$0x3FB2]  }
0x2b: {  	s6 =	sld [smem:$0x3FB3]  }
0x2c: {  	s7 =	sld [smem:$0x3FB4]  }
0x2d: {  	s3 =	simm.s32 $0x108;
	s8 =	sld [smem:$0x3FB5]  }
0x2e: {  	s3 =	simm.s32 @!p0 $0x1082;
	s9 =	sld [smem:$0x3FB6]  }
0x2f: {  	lr =	sadd.s32 s0, s3;
	s0 =	sld [smem:$0x3FAD]  }
0x30: {  	s3 =	sld [smem:$0x3FB0]  }
0x31: {  	[smem:$0x3FB9] =	sst s10  }
0x32: {  	s10 =	sld [smem:$0x3FB7];
	_ =	sdelay $0x3  }
0x33: {  	p0 =	seq.s32 s10, $0x1;
	s10 =	sld [smem:$0x3FB9];
	_ =	sdelay $0x3  }
0x34: {  	[smem:$0x3FB9] =	sst s10  }
0x35: {  	s10 =	sld [smem:$0x3FB8];
	_ =	sdelay $0x3  }
0x36: {  	p1 =	seq.s32 s10, $0x1;
	s10 =	sld [smem:$0x3FB9];
	_ =	sdelay $0x3  }
0x37: {  	[smem:$0x3FB9] =	sst s10  }
0x38: {  	s10 =	sld [smem:$0x3FBA]  }
0x39: {  	_ = 	snop;
	(pc) =	sbr.ind lr, $3  }
0x3a: {  	_ = 	snop  }
0x3b: {  	_ = 	snop  }
0x3c: {  	p2 =	seq.s32 s10, $0x1;
	s10 =	sld [smem:$0x3FB9]  }
0x3d: {  	_ =	shalt  }
0x3e: {  	_ =	shalt  }
0x3f: {  	_ =	shalt  }
0x40: {  	_ =	shalt  }
0x41: {  	_ =	shalt  }
0x42: {  	_ =	shalt  }
0x43: {  	_ =	shalt  }
0x44: {  	_ =	shalt  }
0x45: {  	_ =	shalt  }
0x46: {  	_ =	shalt  }
0x47: {  	_ =	shalt  }
0x48: {  	_ =	shalt  }
0x49: {  	_ =	shalt  }
0x4a: {  	_ =	shalt  }
0x4b: {  	_ =	shalt  }
0x4c: {  	_ =	shalt  }
0x4d: {  	_ =	shalt  }
0x4e: {  	_ =	shalt  }
0x4f: {  	_ =	shalt  }
0x50: {  	_ =	shalt  }
0x51: {  	_ =	shalt  }
0x52: {  	_ =	shalt  }
0x53: {  	_ =	shalt  }
0x54: {  	_ =	shalt  }
0x55: {  	_ =	shalt  }
0x56: {  	_ =	shalt  }
0x57: {  	_ =	shalt  }
0x58: {  	_ =	shalt  }
0x59: {  	_ =	shalt  }
0x5a: {  	_ =	shalt  }
0x5b: {  	_ =	shalt  }
0x5c: {  	_ =	shalt  }
0x5d: {  	_ =	shalt  }
0x5e: {  	_ =	shalt  }
0x5f: {  	_ =	shalt  }
0x60: {  	_ =	shalt  }
0x61: {  	_ =	shalt  }
0x62: {  	_ =	shalt  }
0x63: {  	_ =	shalt  }
0x64: {  	_ =	shalt  }
0x65: {  	_ =	shalt  }
0x66: {  	_ =	shalt  }
0x67: {  	_ =	shalt  }
0x68: {  	_ =	shalt  }
0x69: {  	_ =	shalt  }
0x6a: {  	_ =	shalt  }
0x6b: {  	_ =	shalt  }
0x6c: {  	_ =	shalt  }
0x6d: {  	_ =	shalt  }
0x6e: {  	_ =	shalt  }
0x6f: {  	_ =	shalt  }
0x70: {  	_ =	shalt  }
0x71: {  	_ =	shalt  }
0x72: {  	_ =	shalt  }
0x73: {  	_ =	shalt  }
0x74: {  	_ =	shalt  }
0x75: {  	_ =	shalt  }
0x76: {  	_ =	shalt  }
0x77: {  	_ =	shalt  }
0x78: {  	_ =	shalt  }
0x79: {  	_ =	shalt  }
0x7a: {  	_ =	shalt  }
0x7b: {  	_ =	shalt  }
0x7c: {  	_ =	shalt  }
0x7d: {  	_ =	shalt  }
0x7e: {  	_ =	shalt  }
0x7f: {  	_ =	shalt  }
0x80: {  	_ =	shalt  }
0x81: {  	_ =	shalt  }
0x82: {  	_ =	shalt  }
0x83: {  	_ =	shalt  }
0x84: {  	_ =	shalt  }
0x85: {  	_ =	shalt  }
0x86: {  	_ =	shalt  }
0x87: {  	_ =	shalt  }
.Lfunc_end0:
.L_simem_size_0:
called_computation.3_lowered:
.L_overlay_start_0:
0x88: {  	s2 =	sld [smem:$0x3FD9]  }
0x89: {  	s3 =	sld [smem:$0x3FFE];
	_ =	sdelay $0x1  }
0x8a: {  	s1 =	srdreg.scid  }
0x8b: {  	s0 =	sand.u32 $0x1, s1  }
0x8c: {  	s14 =	sshll.u32 s0, $0xA;
	s2 =	sadd.s32 s3, s2  }
0x8d: {  	s2 =	sadd.s32 s2, s14  }
0x8e: {  	[smem:$0x3FC5] =	sst s2  }
0x8f: {  	_ = 	snop  }
0x90: {  	s2 =	sld [smem:$0x3FD0];
	_ =	sdelay $0x2  }
0x91: {  	s15 =	simm.s32 $0xA;
	s4 =	simm.s32 $0x10  }
0x92: {  	[smem:s4], [sflag:s15] =	dma.local [hbm:s2], $0x1  }
0x93: {  	_ =	swait.eq [sflag:s15], $0x1  }
0x94: {  	[sflag:s15] =	ssyncset.done $0x0  }
0x95: {  	[sflag:s15] =	ssyncadd.s32 $0xFFFFFFFF  }
0x96: {  	s16 =	sld [smem:$0x10];
	(tm) =	ssettm $0x1  }
0x97: {  	s17 =	sld [smem:$0x3FFB];
	_ =	sdelay $0x3  }
0x98: {  	_ =	strace s17  }
0x99: {  	s3 =	sld [smem:$0x3FFC];
	_ =	sdelay $0x3  }
0x9a: {  	_ =	strace s3  }
0x9b: {  	s3 =	sld [smem:$0x3FFD];
	_ =	sdelay $0x3  }
0x9c: {  	_ =	strace s3  }
0x9d: {  	_ =	strace $0x8FFFFFFF  }
0x9e: {  	s18 =	sld [smem:$0x3FDB];
	_ =	sdelay $0x1  }
0x9f: {  	s19 =	simm.s32 $_scs_section_size  }
0xa0: {  	s5 =	simm.s32 $_size__tile_overlayer_lowered;
	s6 =	simm.s32 $_tile_overlayer_lowered  }
0xa1: {  	s22 =	simm.s32 $0x1BFF;
	s21 =	sshll.u32 s6, $0x1;
	s3 =	sadd.s32 s19, s18  }
0xa2: {  	s7 =	simm.s32 $0x0;
	s20 =	sshll.u32 s5, $0x1;
	s5 =	sadd.s32 s21, s3  }
0xa3: {  	[timem:s7], [sflag:s22] =	dma.local [hbm:s5], s20  }
0xa4: {  	_ =	swait.ge [sflag:s22], s20  }
0xa5: {  	s4 =	ssub.s32 $0x0, s20;
	[sflag:s22] =	ssyncset.done $0x0  }
0xa6: {  	[sflag:s22] =	ssyncadd.s32 s4;
	_ =	sdelay $0x1  }
0xa7: {  	s23 =	simm.s32 $0x1B8B  }
0xa8: {  	_ =	swait.ge [sflag:s23], $0x1  }
0xa9: {  	[sflag:s23] =	ssyncset.done $0x0  }
0xaa: {  	s25 =	simm.s32 $0x1B8E;
	s24 =	sld [smem:$0x3FFE];
	[sflag:s23] =	ssyncadd.s32 $0xFFFFFFFF  }
0xab: {  	s26 =	simm.s32 $execute0_lowered;
	[smem:$0x3FD2] =	sst s25  }
0xac: {  	s5 =	sshll.u32 s26, $0x1;
	_ =	strace $0x8000004F;
	[dreg:$0x1] =	wrdreg $0xFFFFFFFF  }
0xad: {  	s28 =	simm.s32 $_size_execute0_lowered;
	s3 =	sadd.s32 s3, s5;
	[dreg:$0x0] =	wrdreg $0x0  }
0xae: {  	s5 =	sshll.u32 s28, $0x1;
	[dreg:$0x2] =	wrdreg s3  }
0xaf: {  	[dreg:$0x3] =	wrdreg s5  }
0xb0: {  	[dreg:$0x4] =	wrdreg $0xC0  }
0xb1: {  	_ =	task [dreg:s7], $0x5FFFF  }
0xb2: {  	[dreg:$0x1] =	wrdreg $0xFFFFFFFF  }
0xb3: {  	[dreg:$0x0] =	wrdreg $0x60  }
0xb4: {  	[dreg:$0x2] =	wrdreg s24  }
0xb5: {  	[dreg:$0x3] =	wrdreg s16  }
0xb6: {  	[dreg:$0x4] =	wrdreg $0x28000  }
0xb7: {  	[dreg:$0x5] =	wrdreg $0x9  }
0xb8: {  	_ =	task.clear_ibuf [dreg:s7], $0x6FFFF;
	_ =	strace $0x9000004F  }
0xb9: {  	s29 =	simm.s32 $0x9;
	_ =	strace $0x80000051  }
0xba: {  	_ =	swait.ge [sflag:s29], $0x1  }
0xbb: {  	[sflag:s29] =	ssyncadd.s32 $0xFFFFFFFF  }
0xbc: {  	_ =	strace $0x90000051  }
0xbd: {  	_ =	sfence  }
0xbe: {  	s30 =	sld [smem:$0x0];
	_ =	sdelay $0x2  }
0xbf: {  	s31 =	sshll.u32 s1, $0xD;
	s1 =	sshrl.u32 s1, $0x2  }
0xc0: {  	s3 =	sand.u32 $0x4000, s31;
	s1 =	sadd.s32 s1, s30  }
0xc1: {  	s0 =	sor.u32 s3, s0;
	s1 =	sshll.u32 s1, $0x11  }
0xc2: {  	s0 =	sor.u32 s1, s0  }
0xc3: {  	s0 =	sadd.s32 $0x8F2B, s0  }
0xc4: {  	[sflag:s0] =	ssyncadd.remote.s32 $0x1  }
0xc5: {  	_ =	sfence.sel $0xFFFF  }
0xc6: {  	[dreg:$0x0] =	wrdreg $0xFFFFFFFF;
	(pc) =	sbr.abs _section_cstart, $3  }
0xc7: {  	[dreg:$0x1] =	wrdreg $0xFFFFFFFF  }
0xc8: {  	_ =	task.clear_ibuf [dreg:s7], $0x2FFFF;
	_ =	strace $0x9FFFFFFF  }
0xc9: {  	(tm) =	ssettm $0x7FFFFFFF  }
tec
execute0_lowered:
.L_overlay_start_1:
0x0: {  	(tag) =	ssettag $0x1  }
0x1: {  	s0 =	rddreg [dreg:$0x0]  }
0x2: {  	s1 =	srdreg.scid;
	s6 =	rddreg [dreg:$0x1]  }
0x3: {  	s11 =	stileid.u32;
	s2 =	rddreg [dreg:$0x2]  }
0x4: {  	s3 =	simm.s32 $0x0;
	s12 =	simm.s32 $0x400;
	s13 =	simm.s32 $0x80  }
0x5: {  	s14 =	simm.s32 $0x800;
	s15 =	simm.s32 $0x1;
	s16 =	simm.s32 $0x480  }
0x6: {  	s17 =	simm.s32 $0x100;
	s18 =	simm.s32 $0x500;
	s19 =	simm.s32 $0x180  }
0x7: {  	s20 =	simm.s32 $0x580;
	s21 =	simm.s32 $0x200;
	s4 =	smul.u32 $0xC800, s11  }
0x8: {  	s22 =	simm.s32 $0x600;
	s28 =	simm.s32 $0x700;
	s8 =	smul.u32 $0x19000, s11  }
0x9: {  	s29 =	simm.s32 $0x380;
	s30 =	simm.s32 $0x780;
	s9 =	smul.u32 $0x64000, s11  }
0xa: {  	s31 =	simm.s32 $0x0;
	s1 =	sand.u32 $0x1, s1;
	s25 =	smul.u32 $0x1900, s11  }
0xb: {  	[smem:$0x7FF] =	sst s3;
	s11 =	simm.s32 $0x2;
	s5 =	smul.u32 $0xC8000, s1  }
0xc: {  	s7 =	smul.u32 $0x190000, s1;
	_ =	strace $0x80000050;
	s1 =	ssub.s32 $0x2, s1  }
0xd: {  	s23 =	sshrl.u32 s1, $0x1;
	s24 =	sshrl.u32 s9, $0x2;
	s26 =	sadd.s32 s8, s2  }
0xe: {  	s5 =	sadd.s32 s4, s5;
	s4 =	sadd.s32 $0x1C6A00, s0;
	s7 =	sadd.s32 s8, s7  }
0xf: {  	s1 =	ssub.s32 s1, s23;
	s8 =	sadd.s32 s25, s6;
	s23 =	simm.s32 $0x280  }
0x10: {  	s5 =	sshrl.u32 s5, $0x3;
	s7 =	sshrl.u32 s7, $0x3;
	s1 =	smax.u32 s1, $0x1  }
0x11: {  	s10 =	sadd.s32 s5, s0;
	s0 =	sadd.s32 s7, s0;
	s5 =	sadd.s32 s24, s2  }
0x12: {  	[dreg:$0x5] =	wrdreg s1;
	s24 =	simm.s32 $0x680;
	s0 =	sadd.s32 $0x3BAA00, s0  }
0x13: {  	s9 =	sadd.s32 $0x194A00, s10;
	[dreg:$0x4] =	wrdreg s0;
	s0 =	sshrl.u32 s26, $0x3  }
0x14: {  	v0 =	vimm.f32 $0.0e+00;
	s10 =	simm.s32 $0x1800;
	s26 =	simm.s32 $0x300;
	[dreg:$0x6] =	wrdreg s0  }
.LBB2_1:
0x15: {  	s0 =	simm.s32 $0x0  }
.LBB2_2:
0x16: {  	p0 =	sne.s32 s0, $0x3F80  }
.Ltmp0:
0x17: {  	_ = 	snop;
	(pc) =	sbr.rel @p0 .LBB2_2-.Ltmp0, $4  }
0x18: {  	_ = 	snop  }
0x19: {  	s1 =	sshra.s32 s0, $0x2  }
0x1a: {  	[tilespmem:s1+$0x1800] =	vst v0  }
0x1b: {  	s0 =	sadd.s32 $0x80, s0;
	[tilespmem:s1+$0x1810] =	vst v0  }
0x1c: {  	s0 =	sadd.s32 $0x0, s5  }
0x1d: {  	[spmem:s0] =	stream.linear.scatter [tilespmem:s10], [sflag:$0x2], $0x1000, $0x38;
	[tilespmem:$0x1B800] =	vst v63  }
0x1e: {  	s0 =	simm.s32 $0x4000;
	_ =	swait.ge [sflag:s11], $0x1000  }
.LBB2_4:
0x1f: {  	s1 =	sshra.s32 s0, $0x2;
	[sflag:s11] =	ssyncset.done $0x0;
	p0 =	sne.s32 s0, $0x60000  }
.Ltmp1:
0x20: {  	s1 =	sadd.s32 s1, s5;
	[sflag:s11] =	ssyncadd.s32 $0xFFFFF000;
	(pc) =	sbr.rel @p0 .LBB2_4-.Ltmp1, $3  }
0x21: {  	[spmem:s1] =	stream.linear.scatter [tilespmem:s10], [sflag:$0x2], $0x1000, $0x38;
	[tilespmem:$0x1B800] =	vst v63  }
0x22: {  	s0 =	sadd.s32 $0x4000, s0;
	_ =	sdelay $0x1  }
0x23: {  	_ =	swait.ge [sflag:s11], $0x1000  }
0x24: {  	[sflag:s11] =	ssyncset.done $0x0  }
0x25: {  	[sflag:s11] =	ssyncadd.s32 $0xFFFFF000  }
0x26: {  	s0 =	sadd.s32 $0x0, s9;
	[bflag:$0x0] =	sbarrier.arrive $0xFFFF  }
0x27: {  	[tilespmem:s3], [sflag:$0x2] =	stream.linear.gather [hbm4b:s0+s3], $0x400, $0x38;
	[tilespmem:$0x1B800] =	vst v63  }
0x28: {  	_ =	swait.ge [sflag:s11], $0x400  }
0x29: {  	[sflag:s11] =	ssyncset.done $0x0  }
0x2a: {  	s25 =	sadd.s32 $0x0, s8;
	[sflag:s11] =	ssyncadd.s32 $0xFFFFFC00  }
0x2b: {  	[tilespmem:s12], [sflag:$0x2] =	stream.linear.gather [hbm4b:s25+s3], $0x400, $0x38;
	[tilespmem:$0x1B800] =	vst v63  }
0x2c: {  	_ =	swait.ge [sflag:s11], $0x400  }
0x2d: {  	[sflag:s11] =	ssyncset.done $0x0  }
0x2e: {  	[sflag:s11] =	ssyncadd.s32 $0xFFFFFC00  }
0x2f: {  	[tilespmem:s14], [sflag:$0x1] =	stream.indirect.gather [hbm4b:s4+s13], $0x20, s3, s13, $0xb8;
	[tilespmem:$0x1B800] =	vst v63  }
0x30: {  	_ =	swait.ge [sflag:s15], $0x1000  }
0x31: {  	[sflag:s15] =	ssyncset.done $0x0  }
0x32: {  	[sflag:s15] =	ssyncadd.s32 $0xFFFFF000  }
0x33: {  	[spmem:s2] =	stream.indirect.scatter.add.f32 [tilespmem:s14], [sflag:$0x2], $0x20, s12, s13, $0xb8;
	[tilespmem:$0x1B800] =	vst v63  }
0x34: {  	_ =	swait.ge [sflag:s11], $0x1000  }
0x35: {  	[sflag:s11] =	ssyncset.done $0x0  }
0x36: {  	[sflag:s11] =	ssyncadd.s32 $0xFFFFF000  }
0x37: {  	[tilespmem:s14], [sflag:$0x1] =	stream.indirect.gather [hbm4b:s4+s13], $0x20, s13, s13, $0xb8;
	[tilespmem:$0x1B800] =	vst v63  }
0x38: {  	_ =	swait.ge [sflag:s15], $0x1000  }
0x39: {  	[sflag:s15] =	ssyncset.done $0x0  }
0x3a: {  	[sflag:s15] =	ssyncadd.s32 $0xFFFFF000  }
0x3b: {  	[spmem:s2] =	stream.indirect.scatter.add.f32 [tilespmem:s14], [sflag:$0x2], $0x20, s16, s13, $0xb8;
	[tilespmem:$0x1B800] =	vst v63  }
0x3c: {  	_ =	swait.ge [sflag:s11], $0x1000  }
0x3d: {  	[sflag:s11] =	ssyncset.done $0x0  }
0x3e: {  	[sflag:s11] =	ssyncadd.s32 $0xFFFFF000  }
0x3f: {  	[tilespmem:s14], [sflag:$0x1] =	stream.indirect.gather [hbm4b:s4+s13], $0x20, s17, s13, $0xb8;
	[tilespmem:$0x1B800] =	vst v63  }
0x40: {  	_ =	swait.ge [sflag:s15], $0x1000  }
0x41: {  	[sflag:s15] =	ssyncset.done $0x0  }
0x42: {  	[sflag:s15] =	ssyncadd.s32 $0xFFFFF000  }
0x43: {  	[spmem:s2] =	stream.indirect.scatter.add.f32 [tilespmem:s14], [sflag:$0x2], $0x20, s18, s13, $0xb8;
	[tilespmem:$0x1B800] =	vst v63  }
0x44: {  	_ =	swait.ge [sflag:s11], $0x1000  }
0x45: {  	[sflag:s11] =	ssyncset.done $0x0  }
0x46: {  	[sflag:s11] =	ssyncadd.s32 $0xFFFFF000  }
0x47: {  	[tilespmem:s14], [sflag:$0x1] =	stream.indirect.gather [hbm4b:s4+s13], $0x20, s19, s13, $0xb8;
	[tilespmem:$0x1B800] =	vst v63  }
0x48: {  	_ =	swait.ge [sflag:s15], $0x1000  }
0x49: {  	[sflag:s15] =	ssyncset.done $0x0  }
0x4a: {  	[sflag:s15] =	ssyncadd.s32 $0xFFFFF000  }
0x4b: {  	[spmem:s2] =	stream.indirect.scatter.add.f32 [tilespmem:s14], [sflag:$0x2], $0x20, s20, s13, $0xb8;
	[tilespmem:$0x1B800] =	vst v63  }
0x4c: {  	_ =	swait.ge [sflag:s11], $0x1000  }
0x4d: {  	[sflag:s11] =	ssyncset.done $0x0  }
0x4e: {  	[sflag:s11] =	ssyncadd.s32 $0xFFFFF000  }
0x4f: {  	[tilespmem:s14], [sflag:$0x1] =	stream.indirect.gather [hbm4b:s4+s13], $0x20, s21, s13, $0xb8;
	[tilespmem:$0x1B800] =	vst v63  }
0x50: {  	_ =	swait.ge [sflag:s15], $0x1000  }
0x51: {  	[sflag:s15] =	ssyncset.done $0x0  }
0x52: {  	[sflag:s15] =	ssyncadd.s32 $0xFFFFF000  }
0x53: {  	[spmem:s2] =	stream.indirect.scatter.add.f32 [tilespmem:s14], [sflag:$0x2], $0x20, s22, s13, $0xb8;
	[tilespmem:$0x1B800] =	vst v63  }
0x54: {  	_ =	swait.ge [sflag:s11], $0x1000  }
0x55: {  	[sflag:s11] =	ssyncset.done $0x0  }
0x56: {  	[sflag:s11] =	ssyncadd.s32 $0xFFFFF000  }
0x57: {  	[tilespmem:s14], [sflag:$0x1] =	stream.indirect.gather [hbm4b:s4+s13], $0x20, s23, s13, $0xb8;
	[tilespmem:$0x1B800] =	vst v63  }
0x58: {  	_ =	swait.ge [sflag:s15], $0x1000  }
0x59: {  	[sflag:s15] =	ssyncset.done $0x0  }
0x5a: {  	[sflag:s15] =	ssyncadd.s32 $0xFFFFF000  }
0x5b: {  	[spmem:s2] =	stream.indirect.scatter.add.f32 [tilespmem:s14], [sflag:$0x2], $0x20, s24, s13, $0xb8;
	[tilespmem:$0x1B800] =	vst v63  }
0x5c: {  	_ =	swait.ge [sflag:s11], $0x1000  }
0x5d: {  	[sflag:s11] =	ssyncset.done $0x0  }
0x5e: {  	[sflag:s11] =	ssyncadd.s32 $0xFFFFF000  }
0x5f: {  	[tilespmem:s14], [sflag:$0x1] =	stream.indirect.gather [hbm4b:s4+s13], $0x20, s26, s13, $0xb8;
	[tilespmem:$0x1B800] =	vst v63  }
0x60: {  	_ =	swait.ge [sflag:s15], $0x1000  }
0x61: {  	[sflag:s15] =	ssyncset.done $0x0  }
0x62: {  	[sflag:s15] =	ssyncadd.s32 $0xFFFFF000  }
0x63: {  	[spmem:s2] =	stream.indirect.scatter.add.f32 [tilespmem:s14], [sflag:$0x2], $0x20, s28, s13, $0xb8;
	[tilespmem:$0x1B800] =	vst v63  }
0x64: {  	_ =	swait.ge [sflag:s11], $0x1000  }
0x65: {  	[sflag:s11] =	ssyncset.done $0x0  }
0x66: {  	[sflag:s11] =	ssyncadd.s32 $0xFFFFF000  }
0x67: {  	[tilespmem:s14], [sflag:$0x1] =	stream.indirect.gather [hbm4b:s4+s13], $0x20, s29, s13, $0xb8;
	[tilespmem:$0x1B800] =	vst v63  }
0x68: {  	_ =	swait.ge [sflag:s15], $0x1000  }
0x69: {  	[sflag:s15] =	ssyncset.done $0x0  }
0x6a: {  	[sflag:s15] =	ssyncadd.s32 $0xFFFFF000  }
0x6b: {  	[spmem:s2] =	stream.indirect.scatter.add.f32 [tilespmem:s14], [sflag:$0x2], $0x20, s30, s13, $0xb8;
	[tilespmem:$0x1B800] =	vst v63  }
0x6c: {  	_ =	swait.ge [sflag:s11], $0x1000  }
0x6d: {  	s1 =	simm.s32 $0x80;
	s0 =	simm.s32 $0x100;
	[sflag:s11] =	ssyncset.done $0x0  }
.LBB2_6:
0x6e: {  	s7 =	sadd.s32 s1, s9  }
0x6f: {  	[sflag:s11] =	ssyncadd.s32 $0xFFFFF000;
	s25 =	smov.u32 s0;
	s6 =	sadd.s32 $0x80, s0  }
0x70: {  	[tilespmem:s3], [sflag:$0x2] =	stream.linear.gather [hbm4b:s7+s3], $0x400, $0x38;
	[tilespmem:$0x1B800] =	vst v63  }
0x71: {  	p0 =	sne.s32 s0, $0x1880;
	_ =	swait.ge [sflag:s11], $0x400  }
0x72: {  	[sflag:s11] =	ssyncset.done $0x0  }
0x73: {  	s0 =	sadd.s32 s1, s8;
	s1 =	smov.u32 s25;
	[sflag:s11] =	ssyncadd.s32 $0xFFFFFC00  }
0x74: {  	[tilespmem:s12], [sflag:$0x2] =	stream.linear.gather [hbm4b:s0+s3], $0x400, $0x38;
	[tilespmem:$0x1B800] =	vst v63  }
0x75: {  	_ =	swait.ge [sflag:s11], $0x400  }
0x76: {  	[sflag:s11] =	ssyncset.done $0x0  }
0x77: {  	[sflag:s11] =	ssyncadd.s32 $0xFFFFFC00  }
0x78: {  	[tilespmem:s14], [sflag:$0x1] =	stream.indirect.gather [hbm4b:s4+s13], $0x20, s3, s13, $0xb8;
	[tilespmem:$0x1B800] =	vst v63  }
0x79: {  	_ =	swait.ge [sflag:s15], $0x1000  }
0x7a: {  	[sflag:s15] =	ssyncset.done $0x0  }
0x7b: {  	[sflag:s15] =	ssyncadd.s32 $0xFFFFF000  }
0x7c: {  	[spmem:s2] =	stream.indirect.scatter.add.f32 [tilespmem:s14], [sflag:$0x2], $0x20, s12, s13, $0xb8;
	[tilespmem:$0x1B800] =	vst v63  }
0x7d: {  	_ =	swait.ge [sflag:s11], $0x1000  }
0x7e: {  	[sflag:s11] =	ssyncset.done $0x0  }
0x7f: {  	[sflag:s11] =	ssyncadd.s32 $0xFFFFF000  }
0x80: {  	[tilespmem:s14], [sflag:$0x1] =	stream.indirect.gather [hbm4b:s4+s13], $0x20, s13, s13, $0xb8;
	[tilespmem:$0x1B800] =	vst v63  }
0x81: {  	_ =	swait.ge [sflag:s15], $0x1000  }
0x82: {  	[sflag:s15] =	ssyncset.done $0x0  }
0x83: {  	[sflag:s15] =	ssyncadd.s32 $0xFFFFF000  }
0x84: {  	[spmem:s2] =	stream.indirect.scatter.add.f32 [tilespmem:s14], [sflag:$0x2], $0x20, s16, s13, $0xb8;
	[tilespmem:$0x1B800] =	vst v63  }
0x85: {  	_ =	swait.ge [sflag:s11], $0x1000  }
0x86: {  	[sflag:s11] =	ssyncset.done $0x0  }
0x87: {  	[sflag:s11] =	ssyncadd.s32 $0xFFFFF000  }
0x88: {  	[tilespmem:s14], [sflag:$0x1] =	stream.indirect.gather [hbm4b:s4+s13], $0x20, s17, s13, $0xb8;
	[tilespmem:$0x1B800] =	vst v63  }
0x89: {  	_ =	swait.ge [sflag:s15], $0x1000  }
0x8a: {  	[sflag:s15] =	ssyncset.done $0x0  }
0x8b: {  	[sflag:s15] =	ssyncadd.s32 $0xFFFFF000  }
0x8c: {  	[spmem:s2] =	stream.indirect.scatter.add.f32 [tilespmem:s14], [sflag:$0x2], $0x20, s18, s13, $0xb8;
	[tilespmem:$0x1B800] =	vst v63  }
0x8d: {  	_ =	swait.ge [sflag:s11], $0x1000  }
0x8e: {  	[sflag:s11] =	ssyncset.done $0x0  }
0x8f: {  	[sflag:s11] =	ssyncadd.s32 $0xFFFFF000  }
0x90: {  	[tilespmem:s14], [sflag:$0x1] =	stream.indirect.gather [hbm4b:s4+s13], $0x20, s19, s13, $0xb8;
	[tilespmem:$0x1B800] =	vst v63  }
0x91: {  	_ =	swait.ge [sflag:s15], $0x1000  }
0x92: {  	[sflag:s15] =	ssyncset.done $0x0  }
0x93: {  	[sflag:s15] =	ssyncadd.s32 $0xFFFFF000  }
0x94: {  	[spmem:s2] =	stream.indirect.scatter.add.f32 [tilespmem:s14], [sflag:$0x2], $0x20, s20, s13, $0xb8;
	[tilespmem:$0x1B800] =	vst v63  }
0x95: {  	_ =	swait.ge [sflag:s11], $0x1000  }
0x96: {  	[sflag:s11] =	ssyncset.done $0x0  }
0x97: {  	[sflag:s11] =	ssyncadd.s32 $0xFFFFF000  }
0x98: {  	[tilespmem:s14], [sflag:$0x1] =	stream.indirect.gather [hbm4b:s4+s13], $0x20, s21, s13, $0xb8;
	[tilespmem:$0x1B800] =	vst v63  }
0x99: {  	_ =	swait.ge [sflag:s15], $0x1000  }
0x9a: {  	[sflag:s15] =	ssyncset.done $0x0  }
0x9b: {  	[sflag:s15] =	ssyncadd.s32 $0xFFFFF000  }
0x9c: {  	[spmem:s2] =	stream.indirect.scatter.add.f32 [tilespmem:s14], [sflag:$0x2], $0x20, s22, s13, $0xb8;
	[tilespmem:$0x1B800] =	vst v63  }
0x9d: {  	_ =	swait.ge [sflag:s11], $0x1000  }
0x9e: {  	[sflag:s11] =	ssyncset.done $0x0  }
0x9f: {  	[sflag:s11] =	ssyncadd.s32 $0xFFFFF000  }
0xa0: {  	[tilespmem:s14], [sflag:$0x1] =	stream.indirect.gather [hbm4b:s4+s13], $0x20, s23, s13, $0xb8;
	[tilespmem:$0x1B800] =	vst v63  }
0xa1: {  	_ =	swait.ge [sflag:s15], $0x1000  }
0xa2: {  	[sflag:s15] =	ssyncset.done $0x0  }
0xa3: {  	[sflag:s15] =	ssyncadd.s32 $0xFFFFF000  }
0xa4: {  	[spmem:s2] =	stream.indirect.scatter.add.f32 [tilespmem:s14], [sflag:$0x2], $0x20, s24, s13, $0xb8;
	[tilespmem:$0x1B800] =	vst v63  }
0xa5: {  	_ =	swait.ge [sflag:s11], $0x1000  }
0xa6: {  	[sflag:s11] =	ssyncset.done $0x0  }
0xa7: {  	[sflag:s11] =	ssyncadd.s32 $0xFFFFF000  }
0xa8: {  	[tilespmem:s14], [sflag:$0x1] =	stream.indirect.gather [hbm4b:s4+s13], $0x20, s26, s13, $0xb8;
	[tilespmem:$0x1B800] =	vst v63  }
0xa9: {  	_ =	swait.ge [sflag:s15], $0x1000  }
0xaa: {  	[sflag:s15] =	ssyncset.done $0x0  }
0xab: {  	[sflag:s15] =	ssyncadd.s32 $0xFFFFF000  }
0xac: {  	[spmem:s2] =	stream.indirect.scatter.add.f32 [tilespmem:s14], [sflag:$0x2], $0x20, s28, s13, $0xb8;
	[tilespmem:$0x1B800] =	vst v63  }
0xad: {  	_ =	swait.ge [sflag:s11], $0x1000  }
0xae: {  	[sflag:s11] =	ssyncset.done $0x0  }
0xaf: {  	[sflag:s11] =	ssyncadd.s32 $0xFFFFF000  }
0xb0: {  	[tilespmem:s14], [sflag:$0x1] =	stream.indirect.gather [hbm4b:s4+s13], $0x20, s29, s13, $0xb8;
	[tilespmem:$0x1B800] =	vst v63  }
0xb1: {  	_ =	swait.ge [sflag:s15], $0x1000  }
.Ltmp2:
0xb2: {  	[sflag:s15] =	ssyncset.done $0x0;
	(pc) =	sbr.rel @p0 .LBB2_6-.Ltmp2, $4  }
0xb3: {  	[sflag:s15] =	ssyncadd.s32 $0xFFFFF000  }
0xb4: {  	[spmem:s2] =	stream.indirect.scatter.add.f32 [tilespmem:s14], [sflag:$0x2], $0x20, s30, s13, $0xb8;
	[tilespmem:$0x1B800] =	vst v63  }
0xb5: {  	_ =	swait.ge [sflag:s11], $0x1000  }
0xb6: {  	s0 =	smov.u32 s6;
	[sflag:s11] =	ssyncset.done $0x0  }
0xb7: {  	s0 =	sadd.s32 s1, s9;
	[sflag:s11] =	ssyncadd.s32 $0xFFFFF000  }
0xb8: {  	[tilespmem:s3], [sflag:$0x2] =	stream.linear.gather [hbm4b:s0+s3], $0x400, $0x38;
	[tilespmem:$0x1B800] =	vst v63  }
0xb9: {  	_ =	swait.ge [sflag:s11], $0x400  }
0xba: {  	[sflag:s11] =	ssyncset.done $0x0  }
0xbb: {  	s1 =	sadd.s32 s1, s8;
	[sflag:s11] =	ssyncadd.s32 $0xFFFFFC00  }
0xbc: {  	[tilespmem:s12], [sflag:$0x2] =	stream.linear.gather [hbm4b:s1+s3], $0x400, $0x38;
	[tilespmem:$0x1B800] =	vst v63  }
0xbd: {  	_ =	swait.ge [sflag:s11], $0x400  }
0xbe: {  	[sflag:s11] =	ssyncset.done $0x0  }
0xbf: {  	[sflag:s11] =	ssyncadd.s32 $0xFFFFFC00  }
0xc0: {  	[tilespmem:s14], [sflag:$0x1] =	stream.indirect.gather [hbm4b:s4+s13], $0x20, s3, s13, $0xb8;
	[tilespmem:$0x1B800] =	vst v63  }
0xc1: {  	_ =	swait.ge [sflag:s15], $0x1000  }
0xc2: {  	[sflag:s15] =	ssyncset.done $0x0  }
0xc3: {  	[sflag:s15] =	ssyncadd.s32 $0xFFFFF000  }
0xc4: {  	[spmem:s2] =	stream.indirect.scatter.add.f32 [tilespmem:s14], [sflag:$0x2], $0x20, s12, s13, $0xb8;
	[tilespmem:$0x1B800] =	vst v63  }
0xc5: {  	_ =	swait.ge [sflag:s11], $0x1000  }
0xc6: {  	[sflag:s11] =	ssyncset.done $0x0  }
0xc7: {  	[sflag:s11] =	ssyncadd.s32 $0xFFFFF000  }
0xc8: {  	[tilespmem:s14], [sflag:$0x1] =	stream.indirect.gather [hbm4b:s4+s13], $0x20, s13, s13, $0xb8;
	[tilespmem:$0x1B800] =	vst v63  }
0xc9: {  	_ =	swait.ge [sflag:s15], $0x1000  }
0xca: {  	[sflag:s15] =	ssyncset.done $0x0  }
0xcb: {  	[sflag:s15] =	ssyncadd.s32 $0xFFFFF000  }
0xcc: {  	[spmem:s2] =	stream.indirect.scatter.add.f32 [tilespmem:s14], [sflag:$0x2], $0x20, s16, s13, $0xb8;
	[tilespmem:$0x1B800] =	vst v63  }
0xcd: {  	_ =	swait.ge [sflag:s11], $0x1000  }
0xce: {  	[sflag:s11] =	ssyncset.done $0x0  }
0xcf: {  	[sflag:s11] =	ssyncadd.s32 $0xFFFFF000  }
0xd0: {  	[tilespmem:s14], [sflag:$0x1] =	stream.indirect.gather [hbm4b:s4+s13], $0x20, s17, s13, $0xb8;
	[tilespmem:$0x1B800] =	vst v63  }
0xd1: {  	_ =	swait.ge [sflag:s15], $0x1000  }
0xd2: {  	[sflag:s15] =	ssyncset.done $0x0  }
0xd3: {  	[sflag:s15] =	ssyncadd.s32 $0xFFFFF000  }
0xd4: {  	[spmem:s2] =	stream.indirect.scatter.add.f32 [tilespmem:s14], [sflag:$0x2], $0x20, s18, s13, $0xb8;
	[tilespmem:$0x1B800] =	vst v63  }
0xd5: {  	_ =	swait.ge [sflag:s11], $0x1000  }
0xd6: {  	[sflag:s11] =	ssyncset.done $0x0  }
0xd7: {  	[sflag:s11] =	ssyncadd.s32 $0xFFFFF000  }
0xd8: {  	[tilespmem:s14], [sflag:$0x1] =	stream.indirect.gather [hbm4b:s4+s13], $0x20, s19, s13, $0xb8;
	[tilespmem:$0x1B800] =	vst v63  }
0xd9: {  	_ =	swait.ge [sflag:s15], $0x1000  }
0xda: {  	[sflag:s15] =	ssyncset.done $0x0  }
0xdb: {  	[sflag:s15] =	ssyncadd.s32 $0xFFFFF000  }
0xdc: {  	[spmem:s2] =	stream.indirect.scatter.add.f32 [tilespmem:s14], [sflag:$0x2], $0x20, s20, s13, $0xb8;
	[tilespmem:$0x1B800] =	vst v63  }
0xdd: {  	_ =	swait.ge [sflag:s11], $0x1000  }
0xde: {  	[sflag:s11] =	ssyncset.done $0x0  }
0xdf: {  	[sflag:s11] =	ssyncadd.s32 $0xFFFFF000  }
0xe0: {  	[tilespmem:s14], [sflag:$0x1] =	stream.indirect.gather [hbm4b:s4+s13], $0x20, s21, s13, $0xb8;
	[tilespmem:$0x1B800] =	vst v63  }
0xe1: {  	_ =	swait.ge [sflag:s15], $0x1000  }
0xe2: {  	[sflag:s15] =	ssyncset.done $0x0  }
0xe3: {  	[sflag:s15] =	ssyncadd.s32 $0xFFFFF000  }
0xe4: {  	[spmem:s2] =	stream.indirect.scatter.add.f32 [tilespmem:s14], [sflag:$0x2], $0x20, s22, s13, $0xb8;
	[tilespmem:$0x1B800] =	vst v63  }
0xe5: {  	_ =	swait.ge [sflag:s11], $0x1000  }
0xe6: {  	[sflag:s11] =	ssyncset.done $0x0  }
0xe7: {  	[sflag:s11] =	ssyncadd.s32 $0xFFFFF000  }
0xe8: {  	[tilespmem:s14], [sflag:$0x1] =	stream.indirect.gather [hbm4b:s4+s13], $0x20, s23, s13, $0xb8;
	[tilespmem:$0x1B800] =	vst v63  }
0xe9: {  	_ =	swait.ge [sflag:s15], $0x1000  }
0xea: {  	[sflag:s15] =	ssyncset.done $0x0  }
0xeb: {  	[sflag:s15] =	ssyncadd.s32 $0xFFFFF000  }
0xec: {  	[spmem:s2] =	stream.indirect.scatter.add.f32 [tilespmem:s14], [sflag:$0x2], $0x20, s24, s13, $0xb8;
	[tilespmem:$0x1B800] =	vst v63  }
0xed: {  	_ =	swait.ge [sflag:s11], $0x1000  }
0xee: {  	[sflag:s11] =	ssyncset.done $0x0  }
0xef: {  	[sflag:s11] =	ssyncadd.s32 $0xFFFFF000  }
0xf0: {  	[tilespmem:s14], [sflag:$0x1] =	stream.indirect.gather [hbm4b:s4+s13], $0x20, s26, s13, $0xb8;
	[tilespmem:$0x1B800] =	vst v63  }
0xf1: {  	_ =	swait.ge [sflag:s15], $0x1000  }
0xf2: {  	[sflag:s15] =	ssyncset.done $0x0  }
0xf3: {  	[sflag:s15] =	ssyncadd.s32 $0xFFFFF000  }
0xf4: {  	[spmem:s2] =	stream.indirect.scatter.add.f32 [tilespmem:s14], [sflag:$0x2], $0x20, s28, s13, $0xb8;
	[tilespmem:$0x1B800] =	vst v63  }
0xf5: {  	_ =	swait.ge [sflag:s11], $0x1000  }
0xf6: {  	[sflag:s11] =	ssyncset.done $0x0  }
0xf7: {  	[sflag:s11] =	ssyncadd.s32 $0xFFFFF000  }
0xf8: {  	[tilespmem:s14], [sflag:$0x1] =	stream.indirect.gather [hbm4b:s4+s13], $0x20, s29, s13, $0xb8;
	[tilespmem:$0x1B800] =	vst v63  }
0xf9: {  	_ =	swait.ge [sflag:s15], $0x1000  }
0xfa: {  	[sflag:s15] =	ssyncset.done $0x0  }
0xfb: {  	[sflag:s15] =	ssyncadd.s32 $0xFFFFF000  }
0xfc: {  	[spmem:s2] =	stream.indirect.scatter.add.f32 [tilespmem:s14], [sflag:$0x2], $0x20, s30, s13, $0xb8;
	[tilespmem:$0x1B800] =	vst v63  }
0xfd: {  	_ =	swait.ge [sflag:s11], $0x1000  }
0xfe: {  	[sflag:s11] =	ssyncset.done $0x0  }
0xff: {  	[sflag:s11] =	ssyncadd.s32 $0xFFFFF000  }
0x100: {  	s6 =	stileid.u32;
	[bflag:$0x0] =	sbarrier.arrive $0xFFFF  }
0x101: {  	s0 =	sshll.u32 s6, $0x6;
	s7 =	rddreg [dreg:$0x4]  }
0x102: {  	s0 =	sor.u32 $0x1C02, s0;
	s6 =	rddreg [dreg:$0x6]  }
0x103: {  	[hbm:s7], [sflag:s0] =	dma.local [spmem:s6], $0x3200  }
0x104: {  	_ =	swait.ge [sflag:s11], $0x3200  }
0x105: {  	s31 =	sadd.s32 $0x1, s31;
	s25 =	rddreg [dreg:$0x5]  }
0x106: {  	p0 =	sne.s32 s31, s25  }
.Ltmp3:
0x107: {  	_ = 	snop;
	(pc) =	sbr.rel @p0 .LBB2_1-.Ltmp3, $3  }
0x108: {  	_ =	sdelay $0x1  }
0x109: {  	[sflag:s11] =	ssyncset.done $0x0  }
0x10a: {  	[sflag:s11] =	ssyncadd.s32 $0xFFFFCE00  }
0x10b: {  	_ =	sfence.sel $0x180000  }
0x10c: {  	[bflag:$0x0] =	sbarrier.arrive $0xFFFF  }
0x10d: {  	_ =	strace $0x90000050  }
0x10e: {  	s0 =	stileid.u32;
	[bflag:$0x2] =	sbarrier.arrive $0xFFFF  }
0x10f: {  	p0 =	sne.s32 s0, $0x0;
	s0 =	rddreg [dreg:$0x3]  }
0x110: {  	s0 =	sadd.s32 @!p0 $0x100000, s0  }
0x111: {  	[sflag:s0] =	ssyncadd.tile.s32 @!p0 $0x1;
	_ =	shalt  }
.Lfunc_end2:
_tile_overlayer_lowered:
.L_overlay_start_2:
0x112: {  	(tag) =	ssettag $0x2  }
0x113: {  	s0 =	rddreg [dreg:$0x0];
	s2 =	stileid.u32  }
0x114: {  	s1 =	rddreg [dreg:$0x1];
	p0 =	sne.s32 s2, $0x0  }
0x115: {  	s3 =	rddreg [dreg:$0x2];
	[bflag:$0x3] =	sbarrier.arrive $0xFFFF;
	s2 =	simm.s32 @!p0 $0x1C02  }
0x116: {  	[timem:s3], [sflag:s2] =	dma.local @!p0 [hbm:s0], s1  }
0x117: {  	s0 =	simm.s32 @!p0 $0x2  }
0x118: {  	_ =	swait.ge @!p0 [sflag:s0], s1  }
0x119: {  	s1 =	ssub.s32 @!p0 $0x0, s1;
	[sflag:s0] =	ssyncset.done @!p0 $0x0  }
0x11a: {  	[sflag:s0] =	ssyncadd.s32 @!p0 s1  }
0x11b: {  	[bflag:$0x3] =	sbarrier.arrive $0xFFFF  }
0x11c: {  	_ =	shalt  }

</sc_bundles>
